<compile_context>
chip_gen: v7x
topology: tpu7x:2x2x1
jax: 0.10.2.dev20260603
libtpu: 0.0.44.dev20260713+nightly
codegen_flags: <defaults>
</compile_context>

<pallas_src>
import functools

import jax
import jax.numpy as jnp
from jax import lax
from jax.experimental import pallas as pl
from jax.experimental.pallas import tpu as pltpu
from jax.experimental.pallas import tpu_sc as plsc

N = 10000
D = 128
E = 320000
H1 = 512
H2 = 256

NC = 2
NS = 16
NW = NC * NS
EPW = E // NW
CH = 125
NCHUNK = EPW // CH
NHALF = 2
ICH = NCHUNK // NHALF
WAVE = 16
DEG_PAD = 10240
DEG_STRIPE = DEG_PAD // NS
DEG_NCHUNK = E // NS // CH
DEG_HALF = DEG_PAD // NC // NS
ACC_PAD = 10240
ROWS_PER_TILE = ACC_PAD // NS
RB = 80

_mesh = plsc.VectorSubcoreMesh(core_axis_name="c", subcore_axis_name="s")


@functools.partial(
    pl.kernel,
    mesh=_mesh,
    out_type=jax.ShapeDtypeStruct((NC, DEG_PAD), jnp.float32),
    scratch_types=[
        pltpu.VMEM((NCHUNK, CH), jnp.int32),
        pltpu.VMEM((CH,), jnp.float32),
        pltpu.VMEM((DEG_STRIPE,), jnp.float32),
        pltpu.VMEM_SHARED((DEG_PAD,), jnp.float32),
        pltpu.SemaphoreType.DMA,
    ],
)
def _deg_kernel(ei_hbm, ones_hbm, zeros_hbm, out_hbm,
                di_v, ones_v, zb_v, deg_sh, sem):
    cid = lax.axis_index("c")
    sid = lax.axis_index("s")
    wid = sid * NC + cid
    pltpu.sync_copy(ei_hbm.at[NW + wid], di_v)
    pltpu.sync_copy(ones_hbm, ones_v)
    pltpu.sync_copy(zeros_hbm, zb_v)
    pltpu.sync_copy(zb_v, deg_sh.at[pl.ds(sid * DEG_STRIPE, DEG_STRIPE)])
    plsc.subcore_barrier()

    @pl.loop(0, NCHUNK, step=WAVE)
    def _waves(k):
        for w in range(WAVE):
            pltpu.async_copy(ones_v, deg_sh.at[di_v.at[k + w]], sem, add=True)
        for w in range(WAVE):
            pltpu.make_async_copy(
                ones_v, deg_sh.at[di_v.at[k]], sem).wait()

    plsc.subcore_barrier()
    pltpu.sync_copy(deg_sh.at[pl.ds(sid * DEG_STRIPE, DEG_STRIPE)], zb_v)
    pltpu.sync_copy(zb_v, out_hbm.at[cid, pl.ds(sid * DEG_STRIPE, DEG_STRIPE)])


@functools.partial(
    pl.kernel,
    mesh=_mesh,
    out_type=jax.ShapeDtypeStruct((NC, ACC_PAD, D), jnp.float32),
    scratch_types=[
        pltpu.VMEM((ICH, CH), jnp.int32),
        pltpu.VMEM((ICH, CH), jnp.int32),
        pltpu.VMEM((CH, D), jnp.float32),
        pltpu.VMEM((CH, D), jnp.float32),
        pltpu.VMEM_SHARED((ACC_PAD, D), jnp.float32),
        pltpu.SemaphoreType.DMA,
        pltpu.SemaphoreType.DMA,
    ],
)
def _accum_kernel(hs_hbm, ei_hbm, zrows_hbm, out_hbm,
                  si_v, di_v, rows0_v, rows1_v, acc_sh, sem0, sem1):
    cid = lax.axis_index("c")
    sid = lax.axis_index("s")
    wid = sid * NC + cid
    row0 = sid * ROWS_PER_TILE
    stg = rows0_v.at[pl.ds(0, RB)]
    pltpu.sync_copy(zrows_hbm, stg)
    for s in range(ROWS_PER_TILE // RB):
        pltpu.sync_copy(stg, acc_sh.at[pl.ds(row0 + s * RB, RB)])
    plsc.subcore_barrier()

    rows = (rows0_v, rows1_v)
    sems = (sem0, sem1)

    def _gather(j, b):
        pltpu.async_copy(hs_hbm.at[si_v.at[j]], rows[b], sems[b])

    def _wait(b):
        pltpu.make_async_copy(
            hs_hbm.at[si_v.at[0]], rows[b], sems[b]).wait()

    for half in range(NHALF):
        pltpu.sync_copy(ei_hbm.at[wid, half], si_v)
        pltpu.sync_copy(ei_hbm.at[NW + wid, half], di_v)
        _gather(0, 0)
        _gather(1, 1)

        @pl.loop(0, ICH, step=2)
        def _chunks(k):
            for b in range(2):
                _wait(b)
                pltpu.sync_copy(rows[b], acc_sh.at[di_v.at[k + b]], add=True)
                _gather(jnp.minimum(k + 2 + b, ICH - 1), b)

        _wait(0)
        _wait(1)

    plsc.subcore_barrier()
    for s in range(ROWS_PER_TILE // RB):
        pltpu.sync_copy(acc_sh.at[pl.ds(row0 + s * RB, RB)], stg)
        pltpu.sync_copy(stg, out_hbm.at[cid, pl.ds(row0 + s * RB, RB)])


_HS_RB = 2000
_HS_GRID = N // _HS_RB


def _hs_body(x_ref, w_ref, degp_ref, hs_ref):
    deg = degp_ref[:, 0] + degp_ref[:, 1] + 1.0
    dinv = lax.rsqrt(deg)
    h = jnp.dot(x_ref[...], w_ref[...], preferred_element_type=jnp.float32,
                precision=lax.Precision.HIGHEST)
    hs_ref[...] = h * dinv[:, None]


def _hs_stage(x, w_gcn, degp):
    return pl.pallas_call(
        _hs_body,
        grid=(_HS_GRID,),
        in_specs=[
            pl.BlockSpec((_HS_RB, D), lambda i: (i, 0)),
            pl.BlockSpec((D, D), lambda i: (0, 0)),
            pl.BlockSpec((_HS_RB, NC), lambda i: (i, 0)),
        ],
        out_specs=pl.BlockSpec((_HS_RB, D), lambda i: (i, 0)),
        out_shape=jax.ShapeDtypeStruct((N, D), jnp.float32),
    )(x, w_gcn, degp)


def _epi_body(acc_ref, hs_ref, x_ref, degp_ref, bg_ref,
              w1_ref, b1_ref, w2_ref, b2_ref, w3_ref, b3_ref,
              out_ref, tacc):
    i = pl.program_id(0)

    @pl.when(i == 0)
    def _():
        tacc[...] = jnp.zeros((1, D), jnp.float32)

    deg = degp_ref[:, 0] + degp_ref[:, 1] + 1.0
    dinv = lax.rsqrt(deg)
    acc = acc_ref[0] + acc_ref[1] + hs_ref[...]
    conv = dinv[:, None] * acc + bg_ref[...]
    h2 = jnp.maximum(conv, 0.0) + x_ref[...]
    tacc[...] += jnp.sum(h2, axis=0, keepdims=True)

    @pl.when(i == _HS_GRID - 1)
    def _():
        t = tacc[...]
        z1 = jnp.maximum(
            jnp.dot(t, w1_ref[...], preferred_element_type=jnp.float32,
                    precision=lax.Precision.HIGHEST) + b1_ref[...], 0.0)
        z2 = jnp.maximum(
            jnp.dot(z1, w2_ref[...], preferred_element_type=jnp.float32,
                    precision=lax.Precision.HIGHEST) + b2_ref[...], 0.0)
        out_ref[...] = (jnp.dot(z2, w3_ref[...],
                                preferred_element_type=jnp.float32,
                                precision=lax.Precision.HIGHEST)
                        + b3_ref[...])


def _epilogue(acc2, hs, x, degp, b_gcn, w1, b1, w2, b2, w3, b3):
    return pl.pallas_call(
        _epi_body,
        grid=(_HS_GRID,),
        in_specs=[
            pl.BlockSpec((NC, _HS_RB, D), lambda i: (0, i, 0)),
            pl.BlockSpec((_HS_RB, D), lambda i: (i, 0)),
            pl.BlockSpec((_HS_RB, D), lambda i: (i, 0)),
            pl.BlockSpec((_HS_RB, NC), lambda i: (i, 0)),
            pl.BlockSpec((1, D), lambda i: (0, 0)),
            pl.BlockSpec((D, H1), lambda i: (0, 0)),
            pl.BlockSpec((1, H1), lambda i: (0, 0)),
            pl.BlockSpec((H1, H2), lambda i: (0, 0)),
            pl.BlockSpec((1, H2), lambda i: (0, 0)),
            pl.BlockSpec((H2, 1), lambda i: (0, 0)),
            pl.BlockSpec((1, 1), lambda i: (0, 0)),
        ],
        out_specs=pl.BlockSpec((1, 1), lambda i: (0, 0)),
        out_shape=jax.ShapeDtypeStruct((1, 1), jnp.float32),
        scratch_shapes=[pltpu.VMEM((1, D), jnp.float32)],
    )(acc2, hs, x, degp, b_gcn, w1, b1, w2, b2, w3, b3)


def kernel(x, edge_index, W_gcn, b_gcn, W1, b1, W2, b2, W3, b3):
    ei4 = edge_index.reshape(2 * NW, NHALF, ICH, CH)
    ei3 = edge_index.reshape(2 * NW, NCHUNK, CH)
    ones_ch = jnp.ones((CH,), jnp.float32)
    zeros_deg = jnp.zeros((DEG_STRIPE,), jnp.float32)
    zeros_rows = jnp.zeros((RB, D), jnp.float32)

    degp = _deg_kernel(ei3, ones_ch, zeros_deg)
    degp = degp[:, :N].T
    hs = _hs_stage(x, W_gcn, degp)
    acc2 = _accum_kernel(hs, ei4, zeros_rows)
    out = _epilogue(acc2, hs, x, degp,
                    b_gcn.reshape(1, D),
                    W1, b1.reshape(1, H1),
                    W2, b2.reshape(1, H2),
                    W3, b3.reshape(1, 1))
    return out.reshape(1)

# --- scband reference (transcript-rebuilt; emitter-appended) ---
"""Pipeline reference for scband-critic-network-66314295050520 (READ-ONLY COPY).

The authoritative reference and input builder live on the scoring server;
editing this copy changes nothing except your own understanding.
"""

import jax, jax.numpy as jnp
import numpy as np

N = 10000
E = 320000
D = 128
H1 = 512
H2 = 256


def setup_inputs(seed: int = 0) -> dict:
    key = jax.random.key(seed)
    ks = jax.random.split(key, 12)
    x = jax.random.normal(ks[0], (N, D), dtype=jnp.float32)
    edge_index = jax.random.randint(ks[1], (2, E), 0, N, dtype=jnp.int32)
    W_gcn = jax.random.normal(ks[2], (D, D), dtype=jnp.float32) / np.sqrt(D)
    b_gcn = jnp.zeros((D,), dtype=jnp.float32)
    W1 = jax.random.normal(ks[3], (D, H1), dtype=jnp.float32) / np.sqrt(D)
    b1 = jnp.zeros((H1,), dtype=jnp.float32)
    W2 = jax.random.normal(ks[4], (H1, H2), dtype=jnp.float32) / np.sqrt(H1)
    b2 = jnp.zeros((H2,), dtype=jnp.float32)
    W3 = jax.random.normal(ks[5], (H2, 1), dtype=jnp.float32) / np.sqrt(H2)
    b3 = jnp.zeros((1,), dtype=jnp.float32)
    return {"x": x, "edge_index": edge_index, "W_gcn": W_gcn, "b_gcn": b_gcn,
            "W1": W1, "b1": b1, "W2": W2, "b2": b2, "W3": W3, "b3": b3}


def _gcn_conv(x, edge_index, W, b):
    # PyG GCNConv: linear transform, add self-loops, symmetric normalization, scatter-add, + bias
    n = x.shape[0]
    loop = jnp.arange(n, dtype=edge_index.dtype)
    src = jnp.concatenate([edge_index[0], loop])
    dst = jnp.concatenate([edge_index[1], loop])
    deg = jnp.zeros((n,), dtype=x.dtype).at[dst].add(1.0)
    dinv = jnp.where(deg > 0, deg ** -0.5, 0.0)
    norm = dinv[src] * dinv[dst]
    h = x @ W
    msg = h[src] * norm[:, None]
    out = jnp.zeros_like(h).at[dst].add(msg)
    return out + b


def reference(x, edge_index, W_gcn, b_gcn, W1, b1, W2, b2, W3, b3):
    out = jax.nn.relu(_gcn_conv(x, edge_index, W_gcn, b_gcn))
    h = out + x
    h = jnp.sum(h, axis=0)
    h = jax.nn.relu(h @ W1 + b1)
    # dropout is identity in eval mode
    h = jax.nn.relu(h @ W2 + b2)
    h = h @ W3 + b3
    return h

if __name__ == "__main__":
    import jax
    _d = setup_inputs()
    print(jax.jit(kernel)(*tuple(_d.values())))

</pallas_src>

<mosaic_0001>
#map = affine_map<(d0, d1) -> (0, 0, 0)>
#map1 = affine_map<(d0, d1) -> (0)>
#map2 = affine_map<(d0, d1) -> (0, 0)>
module attributes {stable_mosaic.version = 14 : i64} {
  func.func @_deg_kernel(%arg0: i32, %arg1: i32, %arg2: memref<64x80x125xi32, #tpu.memory_space<hbm>>, %arg3: memref<125xf32, #tpu.memory_space<hbm>>, %arg4: memref<640xf32, #tpu.memory_space<hbm>>, %arg5: memref<2x10240xf32, #tpu.memory_space<hbm>>, %arg6: memref<80x125xi32, #tpu.memory_space<vmem>>, %arg7: memref<125xf32, #tpu.memory_space<vmem>>, %arg8: memref<640xf32, #tpu.memory_space<vmem>>, %arg9: memref<10240xf32, #tpu.memory_space<vmem_shared>>, %arg10: memref<!tpu.dma_semaphore, #tpu.memory_space<semaphore_mem>>) attributes {dimension_semantics = [#tpu.dimension_semantics<core_parallel>, #tpu.dimension_semantics<subcore_parallel>], iteration_bounds = array<i64: 2, 16>, scalar_prefetch = 0 : i64, scratch_operands = 5 : i64, tpu.core_type = #tpu.core_type<sc_vector_subcore>, window_params = [{transform_indices = #map}, {transform_indices = #map1}, {transform_indices = #map1}, {transform_indices = #map2}]} {
    %mul3A = arith.constant 2 : i32
    %mul3A_0 = arith.muli %arg1, %mul3A : i32
    %add3A = arith.addi %mul3A_0, %arg0 : i32
    %add3A_1 = arith.constant 32 : i32
    %add3A_2 = arith.addi %add3A_1, %add3A : i32
    "tpu.region"() ({
      %run_scoped3A = tpu.sem_alloc : memref<!tpu.dma_semaphore, #tpu.memory_space<semaphore_mem>>
      %dma_start3A = arith.constant 0 : i32
      %dma_start3A_14 = arith.constant 0 : i32
      %dma_start3A_15 = tpu.memref_slice %arg2[%add3A_2, %dma_start3A, %dma_start3A_14] : memref<64x80x125xi32, #tpu.memory_space<hbm>> -> memref<1x80x125xi32, #tpu.memory_space<hbm>>
      %dma_start3A_16 = tpu.memref_squeeze %dma_start3A_15 : memref<1x80x125xi32, #tpu.memory_space<hbm>> -> memref<80x125xi32, #tpu.memory_space<hbm>>
      %dma_start3A_17 = arith.constant 0 : i32
      %dma_start3A_18 = arith.constant 0 : i32
      %dma_start3A_19 = tpu.memref_slice %arg2[%add3A_2, %dma_start3A_17, %dma_start3A_18] : memref<64x80x125xi32, #tpu.memory_space<hbm>> -> memref<1x80x125xi32, #tpu.memory_space<hbm>>
      %dma_start3A_20 = tpu.memref_squeeze %dma_start3A_19 : memref<1x80x125xi32, #tpu.memory_space<hbm>> -> memref<80x125xi32, #tpu.memory_space<hbm>>
      tpu.enqueue_dma source(%dma_start3A_20 : memref<80x125xi32, #tpu.memory_space<hbm>>) target(%arg6 : memref<80x125xi32, #tpu.memory_space<vmem>>) target_semaphore(%run_scoped3A : memref<!tpu.dma_semaphore, #tpu.memory_space<semaphore_mem>>)
      %dma_wait3A = arith.constant 0 : i32
      %dma_wait3A_21 = arith.constant 0 : i32
      %dma_wait3A_22 = tpu.memref_slice %arg2[%add3A_2, %dma_wait3A, %dma_wait3A_21] : memref<64x80x125xi32, #tpu.memory_space<hbm>> -> memref<1x80x125xi32, #tpu.memory_space<hbm>>
      %dma_wait3A_23 = tpu.memref_squeeze %dma_wait3A_22 : memref<1x80x125xi32, #tpu.memory_space<hbm>> -> memref<80x125xi32, #tpu.memory_space<hbm>>
      %dma_wait3A_24 = arith.constant 0 : i32
      %dma_wait3A_25 = arith.constant 0 : i32
      %dma_wait3A_26 = tpu.memref_slice %arg2[%add3A_2, %dma_wait3A_24, %dma_wait3A_25] : memref<64x80x125xi32, #tpu.memory_space<hbm>> -> memref<1x80x125xi32, #tpu.memory_space<hbm>>
      %dma_wait3A_27 = tpu.memref_squeeze %dma_wait3A_26 : memref<1x80x125xi32, #tpu.memory_space<hbm>> -> memref<80x125xi32, #tpu.memory_space<hbm>>
      tpu.wait_dma2 semaphore(%run_scoped3A : memref<!tpu.dma_semaphore, #tpu.memory_space<semaphore_mem>>) src(%dma_wait3A_27 : memref<80x125xi32, #tpu.memory_space<hbm>>) dst(%arg6 : memref<80x125xi32, #tpu.memory_space<vmem>>)
      tpu.yield
    }) : () -> ()
    "tpu.region"() ({
      %run_scoped3A = tpu.sem_alloc : memref<!tpu.dma_semaphore, #tpu.memory_space<semaphore_mem>>
      tpu.enqueue_dma source(%arg3 : memref<125xf32, #tpu.memory_space<hbm>>) target(%arg7 : memref<125xf32, #tpu.memory_space<vmem>>) target_semaphore(%run_scoped3A : memref<!tpu.dma_semaphore, #tpu.memory_space<semaphore_mem>>)
      tpu.wait_dma2 semaphore(%run_scoped3A : memref<!tpu.dma_semaphore, #tpu.memory_space<semaphore_mem>>) src(%arg3 : memref<125xf32, #tpu.memory_space<hbm>>) dst(%arg7 : memref<125xf32, #tpu.memory_space<vmem>>)
      tpu.yield
    }) : () -> ()
    "tpu.region"() ({
      %run_scoped3A = tpu.sem_alloc : memref<!tpu.dma_semaphore, #tpu.memory_space<semaphore_mem>>
      tpu.enqueue_dma source(%arg4 : memref<640xf32, #tpu.memory_space<hbm>>) target(%arg8 : memref<640xf32, #tpu.memory_space<vmem>>) target_semaphore(%run_scoped3A : memref<!tpu.dma_semaphore, #tpu.memory_space<semaphore_mem>>)
      tpu.wait_dma2 semaphore(%run_scoped3A : memref<!tpu.dma_semaphore, #tpu.memory_space<semaphore_mem>>) src(%arg4 : memref<640xf32, #tpu.memory_space<hbm>>) dst(%arg8 : memref<640xf32, #tpu.memory_space<vmem>>)
      tpu.yield
    }) : () -> ()
    %mul3A_3 = arith.constant 640 : i32
    %mul3A_4 = arith.muli %arg1, %mul3A_3 : i32
    "tpu.region"() ({
      %run_scoped3A = tpu.sem_alloc : memref<!tpu.dma_semaphore, #tpu.memory_space<semaphore_mem>>
      %dma_start3A = tpu.memref_slice %arg9[%mul3A_4] : memref<10240xf32, #tpu.memory_space<vmem_shared>> -> memref<640xf32, #tpu.memory_space<vmem_shared>>
      %dma_start3A_14 = tpu.memref_slice %arg9[%mul3A_4] : memref<10240xf32, #tpu.memory_space<vmem_shared>> -> memref<640xf32, #tpu.memory_space<vmem_shared>>
      tpu.enqueue_dma source(%arg8 : memref<640xf32, #tpu.memory_space<vmem>>) target(%dma_start3A_14 : memref<640xf32, #tpu.memory_space<vmem_shared>>) target_semaphore(%run_scoped3A : memref<!tpu.dma_semaphore, #tpu.memory_space<semaphore_mem>>)
      %dma_wait3A = tpu.memref_slice %arg9[%mul3A_4] : memref<10240xf32, #tpu.memory_space<vmem_shared>> -> memref<640xf32, #tpu.memory_space<vmem_shared>>
      %dma_wait3A_15 = tpu.memref_slice %arg9[%mul3A_4] : memref<10240xf32, #tpu.memory_space<vmem_shared>> -> memref<640xf32, #tpu.memory_space<vmem_shared>>
      tpu.wait_dma2 semaphore(%run_scoped3A : memref<!tpu.dma_semaphore, #tpu.memory_space<semaphore_mem>>) src(%arg8 : memref<640xf32, #tpu.memory_space<vmem>>) dst(%dma_wait3A_15 : memref<640xf32, #tpu.memory_space<vmem_shared>>)
      tpu.yield
    }) : () -> ()
    %barrier3A = arith.constant 0 : index
    tpu.barrier barrier_id(%barrier3A)
    %scan3A = arith.constant 0 : i32
    %scan3A_5 = arith.constant 5 : i32
    %scan3A_6 = arith.addi %scan3A, %scan3A_5 : i32
    %scan3A_7 = arith.constant 1 : i32
    scf.for %scan3A_14 = %scan3A to %scan3A_6 step %scan3A_7  : i32 {
      %mul3A_15 = arith.constant 16 : i32
      %mul3A_16 = arith.muli %scan3A_14, %mul3A_15 : i32
      %add3A_17 = arith.constant 0 : i32
      %add3A_18 = arith.addi %add3A_17, %mul3A_16 : i32
      %add3A_19 = arith.constant 0 : i32
      %add3A_20 = arith.addi %add3A_18, %add3A_19 : i32
      %dma_start3A = arith.constant 0 : i32
      %dma_start3A_21 = tpu.memref_slice %arg6[%add3A_20, %dma_start3A] : memref<80x125xi32, #tpu.memory_space<vmem>> -> memref<1x125xi32, #tpu.memory_space<vmem>>
      %dma_start3A_22 = tpu.memref_squeeze %dma_start3A_21 : memref<1x125xi32, #tpu.memory_space<vmem>> -> memref<125xi32, #tpu.memory_space<vmem>>
      %dma_start3A_23 = arith.constant 0 : i32
      %dma_start3A_24 = tpu.memref_slice %arg9[%dma_start3A_23] : memref<10240xf32, #tpu.memory_space<vmem_shared>> -> memref<10240xf32, #tpu.memory_space<vmem_shared>>
      tpu.enqueue_indirect_dma source(%arg7 : memref<125xf32, #tpu.memory_space<vmem>>) target(%dma_start3A_24 : memref<10240xf32, #tpu.memory_space<vmem_shared>>) offsets(%dma_start3A_22 : memref<125xi32, #tpu.memory_space<vmem>>) semaphore(%arg10 : memref<!tpu.dma_semaphore, #tpu.memory_space<semaphore_mem>>) {add = true}
      %add3A_25 = arith.constant 1 : i32
      %add3A_26 = arith.addi %add3A_18, %add3A_25 : i32
      %dma_start3A_27 = arith.constant 0 : i32
      %dma_start3A_28 = tpu.memref_slice %arg6[%add3A_26, %dma_start3A_27] : memref<80x125xi32, #tpu.memory_space<vmem>> -> memref<1x125xi32, #tpu.memory_space<vmem>>
      %dma_start3A_29 = tpu.memref_squeeze %dma_start3A_28 : memref<1x125xi32, #tpu.memory_space<vmem>> -> memref<125xi32, #tpu.memory_space<vmem>>
      %dma_start3A_30 = arith.constant 0 : i32
      %dma_start3A_31 = tpu.memref_slice %arg9[%dma_start3A_30] : memref<10240xf32, #tpu.memory_space<vmem_shared>> -> memref<10240xf32, #tpu.memory_space<vmem_shared>>
      tpu.enqueue_indirect_dma source(%arg7 : memref<125xf32, #tpu.memory_space<vmem>>) target(%dma_start3A_31 : memref<10240xf32, #tpu.memory_space<vmem_shared>>) offsets(%dma_start3A_29 : memref<125xi32, #tpu.memory_space<vmem>>) semaphore(%arg10 : memref<!tpu.dma_semaphore, #tpu.memory_space<semaphore_mem>>) {add = true}
      %add3A_32 = arith.constant 2 : i32
      %add3A_33 = arith.addi %add3A_18, %add3A_32 : i32
      %dma_start3A_34 = arith.constant 0 : i32
      %dma_start3A_35 = tpu.memref_slice %arg6[%add3A_33, %dma_start3A_34] : memref<80x125xi32, #tpu.memory_space<vmem>> -> memref<1x125xi32, #tpu.memory_space<vmem>>
      %dma_start3A_36 = tpu.memref_squeeze %dma_start3A_35 : memref<1x125xi32, #tpu.memory_space<vmem>> -> memref<125xi32, #tpu.memory_space<vmem>>
      %dma_start3A_37 = arith.constant 0 : i32
      %dma_start3A_38 = tpu.memref_slice %arg9[%dma_start3A_37] : memref<10240xf32, #tpu.memory_space<vmem_shared>> -> memref<10240xf32, #tpu.memory_space<vmem_shared>>
      tpu.enqueue_indirect_dma source(%arg7 : memref<125xf32, #tpu.memory_space<vmem>>) target(%dma_start3A_38 : memref<10240xf32, #tpu.memory_space<vmem_shared>>) offsets(%dma_start3A_36 : memref<125xi32, #tpu.memory_space<vmem>>) semaphore(%arg10 : memref<!tpu.dma_semaphore, #tpu.memory_space<semaphore_mem>>) {add = true}
      %add3A_39 = arith.constant 3 : i32
      %add3A_40 = arith.addi %add3A_18, %add3A_39 : i32
      %dma_start3A_41 = arith.constant 0 : i32
      %dma_start3A_42 = tpu.memref_slice %arg6[%add3A_40, %dma_start3A_41] : memref<80x125xi32, #tpu.memory_space<vmem>> -> memref<1x125xi32, #tpu.memory_space<vmem>>
      %dma_start3A_43 = tpu.memref_squeeze %dma_start3A_42 : memref<1x125xi32, #tpu.memory_space<vmem>> -> memref<125xi32, #tpu.memory_space<vmem>>
      %dma_start3A_44 = arith.constant 0 : i32
      %dma_start3A_45 = tpu.memref_slice %arg9[%dma_start3A_44] : memref<10240xf32, #tpu.memory_space<vmem_shared>> -> memref<10240xf32, #tpu.memory_space<vmem_shared>>
      tpu.enqueue_indirect_dma source(%arg7 : memref<125xf32, #tpu.memory_space<vmem>>) target(%dma_start3A_45 : memref<10240xf32, #tpu.memory_space<vmem_shared>>) offsets(%dma_start3A_43 : memref<125xi32, #tpu.memory_space<vmem>>) semaphore(%arg10 : memref<!tpu.dma_semaphore, #tpu.memory_space<semaphore_mem>>) {add = true}
      %add3A_46 = arith.constant 4 : i32
      %add3A_47 = arith.addi %add3A_18, %add3A_46 : i32
      %dma_start3A_48 = arith.constant 0 : i32
      %dma_start3A_49 = tpu.memref_slice %arg6[%add3A_47, %dma_start3A_48] : memref<80x125xi32, #tpu.memory_space<vmem>> -> memref<1x125xi32, #tpu.memory_space<vmem>>
      %dma_start3A_50 = tpu.memref_squeeze %dma_start3A_49 : memref<1x125xi32, #tpu.memory_space<vmem>> -> memref<125xi32, #tpu.memory_space<vmem>>
      %dma_start3A_51 = arith.constant 0 : i32
      %dma_start3A_52 = tpu.memref_slice %arg9[%dma_start3A_51] : memref<10240xf32, #tpu.memory_space<vmem_shared>> -> memref<10240xf32, #tpu.memory_space<vmem_shared>>
      tpu.enqueue_indirect_dma source(%arg7 : memref<125xf32, #tpu.memory_space<vmem>>) target(%dma_start3A_52 : memref<10240xf32, #tpu.memory_space<vmem_shared>>) offsets(%dma_start3A_50 : memref<125xi32, #tpu.memory_space<vmem>>) semaphore(%arg10 : memref<!tpu.dma_semaphore, #tpu.memory_space<semaphore_mem>>) {add = true}
      %add3A_53 = arith.constant 5 : i32
      %add3A_54 = arith.addi %add3A_18, %add3A_53 : i32
      %dma_start3A_55 = arith.constant 0 : i32
      %dma_start3A_56 = tpu.memref_slice %arg6[%add3A_54, %dma_start3A_55] : memref<80x125xi32, #tpu.memory_space<vmem>> -> memref<1x125xi32, #tpu.memory_space<vmem>>
      %dma_start3A_57 = tpu.memref_squeeze %dma_start3A_56 : memref<1x125xi32, #tpu.memory_space<vmem>> -> memref<125xi32, #tpu.memory_space<vmem>>
      %dma_start3A_58 = arith.constant 0 : i32
      %dma_start3A_59 = tpu.memref_slice %arg9[%dma_start3A_58] : memref<10240xf32, #tpu.memory_space<vmem_shared>> -> memref<10240xf32, #tpu.memory_space<vmem_shared>>
      tpu.enqueue_indirect_dma source(%arg7 : memref<125xf32, #tpu.memory_space<vmem>>) target(%dma_start3A_59 : memref<10240xf32, #tpu.memory_space<vmem_shared>>) offsets(%dma_start3A_57 : memref<125xi32, #tpu.memory_space<vmem>>) semaphore(%arg10 : memref<!tpu.dma_semaphore, #tpu.memory_space<semaphore_mem>>) {add = true}
      %add3A_60 = arith.constant 6 : i32
      %add3A_61 = arith.addi %add3A_18, %add3A_60 : i32
      %dma_start3A_62 = arith.constant 0 : i32
      %dma_start3A_63 = tpu.memref_slice %arg6[%add3A_61, %dma_start3A_62] : memref<80x125xi32, #tpu.memory_space<vmem>> -> memref<1x125xi32, #tpu.memory_space<vmem>>
      %dma_start3A_64 = tpu.memref_squeeze %dma_start3A_63 : memref<1x125xi32, #tpu.memory_space<vmem>> -> memref<125xi32, #tpu.memory_space<vmem>>
      %dma_start3A_65 = arith.constant 0 : i32
      %dma_start3A_66 = tpu.memref_slice %arg9[%dma_start3A_65] : memref<10240xf32, #tpu.memory_space<vmem_shared>> -> memref<10240xf32, #tpu.memory_space<vmem_shared>>
      tpu.enqueue_indirect_dma source(%arg7 : memref<125xf32, #tpu.memory_space<vmem>>) target(%dma_start3A_66 : memref<10240xf32, #tpu.memory_space<vmem_shared>>) offsets(%dma_start3A_64 : memref<125xi32, #tpu.memory_space<vmem>>) semaphore(%arg10 : memref<!tpu.dma_semaphore, #tpu.memory_space<semaphore_mem>>) {add = true}
      %add3A_67 = arith.constant 7 : i32
      %add3A_68 = arith.addi %add3A_18, %add3A_67 : i32
      %dma_start3A_69 = arith.constant 0 : i32
      %dma_start3A_70 = tpu.memref_slice %arg6[%add3A_68, %dma_start3A_69] : memref<80x125xi32, #tpu.memory_space<vmem>> -> memref<1x125xi32, #tpu.memory_space<vmem>>
      %dma_start3A_71 = tpu.memref_squeeze %dma_start3A_70 : memref<1x125xi32, #tpu.memory_space<vmem>> -> memref<125xi32, #tpu.memory_space<vmem>>
      %dma_start3A_72 = arith.constant 0 : i32
      %dma_start3A_73 = tpu.memref_slice %arg9[%dma_start3A_72] : memref<10240xf32, #tpu.memory_space<vmem_shared>> -> memref<10240xf32, #tpu.memory_space<vmem_shared>>
      tpu.enqueue_indirect_dma source(%arg7 : memref<125xf32, #tpu.memory_space<vmem>>) target(%dma_start3A_73 : memref<10240xf32, #tpu.memory_space<vmem_shared>>) offsets(%dma_start3A_71 : memref<125xi32, #tpu.memory_space<vmem>>) semaphore(%arg10 : memref<!tpu.dma_semaphore, #tpu.memory_space<semaphore_mem>>) {add = true}
      %add3A_74 = arith.constant 8 : i32
      %add3A_75 = arith.addi %add3A_18, %add3A_74 : i32
      %dma_start3A_76 = arith.constant 0 : i32
      %dma_start3A_77 = tpu.memref_slice %arg6[%add3A_75, %dma_start3A_76] : memref<80x125xi32, #tpu.memory_space<vmem>> -> memref<1x125xi32, #tpu.memory_space<vmem>>
      %dma_start3A_78 = tpu.memref_squeeze %dma_start3A_77 : memref<1x125xi32, #tpu.memory_space<vmem>> -> memref<125xi32, #tpu.memory_space<vmem>>
      %dma_start3A_79 = arith.constant 0 : i32
      %dma_start3A_80 = tpu.memref_slice %arg9[%dma_start3A_79] : memref<10240xf32, #tpu.memory_space<vmem_shared>> -> memref<10240xf32, #tpu.memory_space<vmem_shared>>
      tpu.enqueue_indirect_dma source(%arg7 : memref<125xf32, #tpu.memory_space<vmem>>) target(%dma_start3A_80 : memref<10240xf32, #tpu.memory_space<vmem_shared>>) offsets(%dma_start3A_78 : memref<125xi32, #tpu.memory_space<vmem>>) semaphore(%arg10 : memref<!tpu.dma_semaphore, #tpu.memory_space<semaphore_mem>>) {add = true}
      %add3A_81 = arith.constant 9 : i32
      %add3A_82 = arith.addi %add3A_18, %add3A_81 : i32
      %dma_start3A_83 = arith.constant 0 : i32
      %dma_start3A_84 = tpu.memref_slice %arg6[%add3A_82, %dma_start3A_83] : memref<80x125xi32, #tpu.memory_space<vmem>> -> memref<1x125xi32, #tpu.memory_space<vmem>>
      %dma_start3A_85 = tpu.memref_squeeze %dma_start3A_84 : memref<1x125xi32, #tpu.memory_space<vmem>> -> memref<125xi32, #tpu.memory_space<vmem>>
      %dma_start3A_86 = arith.constant 0 : i32
      %dma_start3A_87 = tpu.memref_slice %arg9[%dma_start3A_86] : memref<10240xf32, #tpu.memory_space<vmem_shared>> -> memref<10240xf32, #tpu.memory_space<vmem_shared>>
      tpu.enqueue_indirect_dma source(%arg7 : memref<125xf32, #tpu.memory_space<vmem>>) target(%dma_start3A_87 : memref<10240xf32, #tpu.memory_space<vmem_shared>>) offsets(%dma_start3A_85 : memref<125xi32, #tpu.memory_space<vmem>>) semaphore(%arg10 : memref<!tpu.dma_semaphore, #tpu.memory_space<semaphore_mem>>) {add = true}
      %add3A_88 = arith.constant 10 : i32
      %add3A_89 = arith.addi %add3A_18, %add3A_88 : i32
      %dma_start3A_90 = arith.constant 0 : i32
      %dma_start3A_91 = tpu.memref_slice %arg6[%add3A_89, %dma_start3A_90] : memref<80x125xi32, #tpu.memory_space<vmem>> -> memref<1x125xi32, #tpu.memory_space<vmem>>
      %dma_start3A_92 = tpu.memref_squeeze %dma_start3A_91 : memref<1x125xi32, #tpu.memory_space<vmem>> -> memref<125xi32, #tpu.memory_space<vmem>>
      %dma_start3A_93 = arith.constant 0 : i32
      %dma_start3A_94 = tpu.memref_slice %arg9[%dma_start3A_93] : memref<10240xf32, #tpu.memory_space<vmem_shared>> -> memref<10240xf32, #tpu.memory_space<vmem_shared>>
      tpu.enqueue_indirect_dma source(%arg7 : memref<125xf32, #tpu.memory_space<vmem>>) target(%dma_start3A_94 : memref<10240xf32, #tpu.memory_space<vmem_shared>>) offsets(%dma_start3A_92 : memref<125xi32, #tpu.memory_space<vmem>>) semaphore(%arg10 : memref<!tpu.dma_semaphore, #tpu.memory_space<semaphore_mem>>) {add = true}
      %add3A_95 = arith.constant 11 : i32
      %add3A_96 = arith.addi %add3A_18, %add3A_95 : i32
      %dma_start3A_97 = arith.constant 0 : i32
      %dma_start3A_98 = tpu.memref_slice %arg6[%add3A_96, %dma_start3A_97] : memref<80x125xi32, #tpu.memory_space<vmem>> -> memref<1x125xi32, #tpu.memory_space<vmem>>
      %dma_start3A_99 = tpu.memref_squeeze %dma_start3A_98 : memref<1x125xi32, #tpu.memory_space<vmem>> -> memref<125xi32, #tpu.memory_space<vmem>>
      %dma_start3A_100 = arith.constant 0 : i32
      %dma_start3A_101 = tpu.memref_slice %arg9[%dma_start3A_100] : memref<10240xf32, #tpu.memory_space<vmem_shared>> -> memref<10240xf32, #tpu.memory_space<vmem_shared>>
      tpu.enqueue_indirect_dma source(%arg7 : memref<125xf32, #tpu.memory_space<vmem>>) target(%dma_start3A_101 : memref<10240xf32, #tpu.memory_space<vmem_shared>>) offsets(%dma_start3A_99 : memref<125xi32, #tpu.memory_space<vmem>>) semaphore(%arg10 : memref<!tpu.dma_semaphore, #tpu.memory_space<semaphore_mem>>) {add = true}
      %add3A_102 = arith.constant 12 : i32
      %add3A_103 = arith.addi %add3A_18, %add3A_102 : i32
      %dma_start3A_104 = arith.constant 0 : i32
      %dma_start3A_105 = tpu.memref_slice %arg6[%add3A_103, %dma_start3A_104] : memref<80x125xi32, #tpu.memory_space<vmem>> -> memref<1x125xi32, #tpu.memory_space<vmem>>
      %dma_start3A_106 = tpu.memref_squeeze %dma_start3A_105 : memref<1x125xi32, #tpu.memory_space<vmem>> -> memref<125xi32, #tpu.memory_space<vmem>>
      %dma_start3A_107 = arith.constant 0 : i32
      %dma_start3A_108 = tpu.memref_slice %arg9[%dma_start3A_107] : memref<10240xf32, #tpu.memory_space<vmem_shared>> -> memref<10240xf32, #tpu.memory_space<vmem_shared>>
      tpu.enqueue_indirect_dma source(%arg7 : memref<125xf32, #tpu.memory_space<vmem>>) target(%dma_start3A_108 : memref<10240xf32, #tpu.memory_space<vmem_shared>>) offsets(%dma_start3A_106 : memref<125xi32, #tpu.memory_space<vmem>>) semaphore(%arg10 : memref<!tpu.dma_semaphore, #tpu.memory_space<semaphore_mem>>) {add = true}
      %add3A_109 = arith.constant 13 : i32
      %add3A_110 = arith.addi %add3A_18, %add3A_109 : i32
      %dma_start3A_111 = arith.constant 0 : i32
      %dma_start3A_112 = tpu.memref_slice %arg6[%add3A_110, %dma_start3A_111] : memref<80x125xi32, #tpu.memory_space<vmem>> -> memref<1x125xi32, #tpu.memory_space<vmem>>
      %dma_start3A_113 = tpu.memref_squeeze %dma_start3A_112 : memref<1x125xi32, #tpu.memory_space<vmem>> -> memref<125xi32, #tpu.memory_space<vmem>>
      %dma_start3A_114 = arith.constant 0 : i32
      %dma_start3A_115 = tpu.memref_slice %arg9[%dma_start3A_114] : memref<10240xf32, #tpu.memory_space<vmem_shared>> -> memref<10240xf32, #tpu.memory_space<vmem_shared>>
      tpu.enqueue_indirect_dma source(%arg7 : memref<125xf32, #tpu.memory_space<vmem>>) target(%dma_start3A_115 : memref<10240xf32, #tpu.memory_space<vmem_shared>>) offsets(%dma_start3A_113 : memref<125xi32, #tpu.memory_space<vmem>>) semaphore(%arg10 : memref<!tpu.dma_semaphore, #tpu.memory_space<semaphore_mem>>) {add = true}
      %add3A_116 = arith.constant 14 : i32
      %add3A_117 = arith.addi %add3A_18, %add3A_116 : i32
      %dma_start3A_118 = arith.constant 0 : i32
      %dma_start3A_119 = tpu.memref_slice %arg6[%add3A_117, %dma_start3A_118] : memref<80x125xi32, #tpu.memory_space<vmem>> -> memref<1x125xi32, #tpu.memory_space<vmem>>
      %dma_start3A_120 = tpu.memref_squeeze %dma_start3A_119 : memref<1x125xi32, #tpu.memory_space<vmem>> -> memref<125xi32, #tpu.memory_space<vmem>>
      %dma_start3A_121 = arith.constant 0 : i32
      %dma_start3A_122 = tpu.memref_slice %arg9[%dma_start3A_121] : memref<10240xf32, #tpu.memory_space<vmem_shared>> -> memref<10240xf32, #tpu.memory_space<vmem_shared>>
      tpu.enqueue_indirect_dma source(%arg7 : memref<125xf32, #tpu.memory_space<vmem>>) target(%dma_start3A_122 : memref<10240xf32, #tpu.memory_space<vmem_shared>>) offsets(%dma_start3A_120 : memref<125xi32, #tpu.memory_space<vmem>>) semaphore(%arg10 : memref<!tpu.dma_semaphore, #tpu.memory_space<semaphore_mem>>) {add = true}
      %add3A_123 = arith.constant 15 : i32
      %add3A_124 = arith.addi %add3A_18, %add3A_123 : i32
      %dma_start3A_125 = arith.constant 0 : i32
      %dma_start3A_126 = tpu.memref_slice %arg6[%add3A_124, %dma_start3A_125] : memref<80x125xi32, #tpu.memory_space<vmem>> -> memref<1x125xi32, #tpu.memory_space<vmem>>
      %dma_start3A_127 = tpu.memref_squeeze %dma_start3A_126 : memref<1x125xi32, #tpu.memory_space<vmem>> -> memref<125xi32, #tpu.memory_space<vmem>>
      %dma_start3A_128 = arith.constant 0 : i32
      %dma_start3A_129 = tpu.memref_slice %arg9[%dma_start3A_128] : memref<10240xf32, #tpu.memory_space<vmem_shared>> -> memref<10240xf32, #tpu.memory_space<vmem_shared>>
      tpu.enqueue_indirect_dma source(%arg7 : memref<125xf32, #tpu.memory_space<vmem>>) target(%dma_start3A_129 : memref<10240xf32, #tpu.memory_space<vmem_shared>>) offsets(%dma_start3A_127 : memref<125xi32, #tpu.memory_space<vmem>>) semaphore(%arg10 : memref<!tpu.dma_semaphore, #tpu.memory_space<semaphore_mem>>) {add = true}
      %dma_wait3A = arith.constant 0 : i32
      %dma_wait3A_130 = tpu.memref_slice %arg6[%add3A_18, %dma_wait3A] : memref<80x125xi32, #tpu.memory_space<vmem>> -> memref<1x125xi32, #tpu.memory_space<vmem>>
      %dma_wait3A_131 = tpu.memref_squeeze %dma_wait3A_130 : memref<1x125xi32, #tpu.memory_space<vmem>> -> memref<125xi32, #tpu.memory_space<vmem>>
      %dma_wait3A_132 = arith.constant 0 : i32
      %dma_wait3A_133 = tpu.memref_slice %arg9[%dma_wait3A_132] : memref<10240xf32, #tpu.memory_space<vmem_shared>> -> memref<10240xf32, #tpu.memory_space<vmem_shared>>
      tpu.wait_indirect_dma semaphore(%arg10 : memref<!tpu.dma_semaphore, #tpu.memory_space<semaphore_mem>>) src(%arg7 : memref<125xf32, #tpu.memory_space<vmem>>) dst(%dma_wait3A_133 : memref<10240xf32, #tpu.memory_space<vmem_shared>>)
      %dma_wait3A_134 = arith.constant 0 : i32
      %dma_wait3A_135 = tpu.memref_slice %arg6[%add3A_18, %dma_wait3A_134] : memref<80x125xi32, #tpu.memory_space<vmem>> -> memref<1x125xi32, #tpu.memory_space<vmem>>
      %dma_wait3A_136 = tpu.memref_squeeze %dma_wait3A_135 : memref<1x125xi32, #tpu.memory_space<vmem>> -> memref<125xi32, #tpu.memory_space<vmem>>
      %dma_wait3A_137 = arith.constant 0 : i32
      %dma_wait3A_138 = tpu.memref_slice %arg9[%dma_wait3A_137] : memref<10240xf32, #tpu.memory_space<vmem_shared>> -> memref<10240xf32, #tpu.memory_space<vmem_shared>>
      tpu.wait_indirect_dma semaphore(%arg10 : memref<!tpu.dma_semaphore, #tpu.memory_space<semaphore_mem>>) src(%arg7 : memref<125xf32, #tpu.memory_space<vmem>>) dst(%dma_wait3A_138 : memref<10240xf32, #tpu.memory_space<vmem_shared>>)
      %dma_wait3A_139 = arith.constant 0 : i32
      %dma_wait3A_140 = tpu.memref_slice %arg6[%add3A_18, %dma_wait3A_139] : memref<80x125xi32, #tpu.memory_space<vmem>> -> memref<1x125xi32, #tpu.memory_space<vmem>>
      %dma_wait3A_141 = tpu.memref_squeeze %dma_wait3A_140 : memref<1x125xi32, #tpu.memory_space<vmem>> -> memref<125xi32, #tpu.memory_space<vmem>>
      %dma_wait3A_142 = arith.constant 0 : i32
      %dma_wait3A_143 = tpu.memref_slice %arg9[%dma_wait3A_142] : memref<10240xf32, #tpu.memory_space<vmem_shared>> -> memref<10240xf32, #tpu.memory_space<vmem_shared>>
      tpu.wait_indirect_dma semaphore(%arg10 : memref<!tpu.dma_semaphore, #tpu.memory_space<semaphore_mem>>) src(%arg7 : memref<125xf32, #tpu.memory_space<vmem>>) dst(%dma_wait3A_143 : memref<10240xf32, #tpu.memory_space<vmem_shared>>)
      %dma_wait3A_144 = arith.constant 0 : i32
      %dma_wait3A_145 = tpu.memref_slice %arg6[%add3A_18, %dma_wait3A_144] : memref<80x125xi32, #tpu.memory_space<vmem>> -> memref<1x125xi32, #tpu.memory_space<vmem>>
      %dma_wait3A_146 = tpu.memref_squeeze %dma_wait3A_145 : memref<1x125xi32, #tpu.memory_space<vmem>> -> memref<125xi32, #tpu.memory_space<vmem>>
      %dma_wait3A_147 = arith.constant 0 : i32
      %dma_wait3A_148 = tpu.memref_slice %arg9[%dma_wait3A_147] : memref<10240xf32, #tpu.memory_space<vmem_shared>> -> memref<10240xf32, #tpu.memory_space<vmem_shared>>
      tpu.wait_indirect_dma semaphore(%arg10 : memref<!tpu.dma_semaphore, #tpu.memory_space<semaphore_mem>>) src(%arg7 : memref<125xf32, #tpu.memory_space<vmem>>) dst(%dma_wait3A_148 : memref<10240xf32, #tpu.memory_space<vmem_shared>>)
      %dma_wait3A_149 = arith.constant 0 : i32
      %dma_wait3A_150 = tpu.memref_slice %arg6[%add3A_18, %dma_wait3A_149] : memref<80x125xi32, #tpu.memory_space<vmem>> -> memref<1x125xi32, #tpu.memory_space<vmem>>
      %dma_wait3A_151 = tpu.memref_squeeze %dma_wait3A_150 : memref<1x125xi32, #tpu.memory_space<vmem>> -> memref<125xi32, #tpu.memory_space<vmem>>
      %dma_wait3A_152 = arith.constant 0 : i32
      %dma_wait3A_153 = tpu.memref_slice %arg9[%dma_wait3A_152] : memref<10240xf32, #tpu.memory_space<vmem_shared>> -> memref<10240xf32, #tpu.memory_space<vmem_shared>>
      tpu.wait_indirect_dma semaphore(%arg10 : memref<!tpu.dma_semaphore, #tpu.memory_space<semaphore_mem>>) src(%arg7 : memref<125xf32, #tpu.memory_space<vmem>>) dst(%dma_wait3A_153 : memref<10240xf32, #tpu.memory_space<vmem_shared>>)
      %dma_wait3A_154 = arith.constant 0 : i32
      %dma_wait3A_155 = tpu.memref_slice %arg6[%add3A_18, %dma_wait3A_154] : memref<80x125xi32, #tpu.memory_space<vmem>> -> memref<1x125xi32, #tpu.memory_space<vmem>>
      %dma_wait3A_156 = tpu.memref_squeeze %dma_wait3A_155 : memref<1x125xi32, #tpu.memory_space<vmem>> -> memref<125xi32, #tpu.memory_space<vmem>>
      %dma_wait3A_157 = arith.constant 0 : i32
      %dma_wait3A_158 = tpu.memref_slice %arg9[%dma_wait3A_157] : memref<10240xf32, #tpu.memory_space<vmem_shared>> -> memref<10240xf32, #tpu.memory_space<vmem_shared>>
      tpu.wait_indirect_dma semaphore(%arg10 : memref<!tpu.dma_semaphore, #tpu.memory_space<semaphore_mem>>) src(%arg7 : memref<125xf32, #tpu.memory_space<vmem>>) dst(%dma_wait3A_158 : memref<10240xf32, #tpu.memory_space<vmem_shared>>)
      %dma_wait3A_159 = arith.constant 0 : i32
      %dma_wait3A_160 = tpu.memref_slice %arg6[%add3A_18, %dma_wait3A_159] : memref<80x125xi32, #tpu.memory_space<vmem>> -> memref<1x125xi32, #tpu.memory_space<vmem>>
      %dma_wait3A_161 = tpu.memref_squeeze %dma_wait3A_160 : memref<1x125xi32, #tpu.memory_space<vmem>> -> memref<125xi32, #tpu.memory_space<vmem>>
      %dma_wait3A_162 = arith.constant 0 : i32
      %dma_wait3A_163 = tpu.memref_slice %arg9[%dma_wait3A_162] : memref<10240xf32, #tpu.memory_space<vmem_shared>> -> memref<10240xf32, #tpu.memory_space<vmem_shared>>
      tpu.wait_indirect_dma semaphore(%arg10 : memref<!tpu.dma_semaphore, #tpu.memory_space<semaphore_mem>>) src(%arg7 : memref<125xf32, #tpu.memory_space<vmem>>) dst(%dma_wait3A_163 : memref<10240xf32, #tpu.memory_space<vmem_shared>>)
      %dma_wait3A_164 = arith.constant 0 : i32
      %dma_wait3A_165 = tpu.memref_slice %arg6[%add3A_18, %dma_wait3A_164] : memref<80x125xi32, #tpu.memory_space<vmem>> -> memref<1x125xi32, #tpu.memory_space<vmem>>
      %dma_wait3A_166 = tpu.memref_squeeze %dma_wait3A_165 : memref<1x125xi32, #tpu.memory_space<vmem>> -> memref<125xi32, #tpu.memory_space<vmem>>
      %dma_wait3A_167 = arith.constant 0 : i32
      %dma_wait3A_168 = tpu.memref_slice %arg9[%dma_wait3A_167] : memref<10240xf32, #tpu.memory_space<vmem_shared>> -> memref<10240xf32, #tpu.memory_space<vmem_shared>>
      tpu.wait_indirect_dma semaphore(%arg10 : memref<!tpu.dma_semaphore, #tpu.memory_space<semaphore_mem>>) src(%arg7 : memref<125xf32, #tpu.memory_space<vmem>>) dst(%dma_wait3A_168 : memref<10240xf32, #tpu.memory_space<vmem_shared>>)
      %dma_wait3A_169 = arith.constant 0 : i32
      %dma_wait3A_170 = tpu.memref_slice %arg6[%add3A_18, %dma_wait3A_169] : memref<80x125xi32, #tpu.memory_space<vmem>> -> memref<1x125xi32, #tpu.memory_space<vmem>>
      %dma_wait3A_171 = tpu.memref_squeeze %dma_wait3A_170 : memref<1x125xi32, #tpu.memory_space<vmem>> -> memref<125xi32, #tpu.memory_space<vmem>>
      %dma_wait3A_172 = arith.constant 0 : i32
      %dma_wait3A_173 = tpu.memref_slice %arg9[%dma_wait3A_172] : memref<10240xf32, #tpu.memory_space<vmem_shared>> -> memref<10240xf32, #tpu.memory_space<vmem_shared>>
      tpu.wait_indirect_dma semaphore(%arg10 : memref<!tpu.dma_semaphore, #tpu.memory_space<semaphore_mem>>) src(%arg7 : memref<125xf32, #tpu.memory_space<vmem>>) dst(%dma_wait3A_173 : memref<10240xf32, #tpu.memory_space<vmem_shared>>)
      %dma_wait3A_174 = arith.constant 0 : i32
      %dma_wait3A_175 = tpu.memref_slice %arg6[%add3A_18, %dma_wait3A_174] : memref<80x125xi32, #tpu.memory_space<vmem>> -> memref<1x125xi32, #tpu.memory_space<vmem>>
      %dma_wait3A_176 = tpu.memref_squeeze %dma_wait3A_175 : memref<1x125xi32, #tpu.memory_space<vmem>> -> memref<125xi32, #tpu.memory_space<vmem>>
      %dma_wait3A_177 = arith.constant 0 : i32
      %dma_wait3A_178 = tpu.memref_slice %arg9[%dma_wait3A_177] : memref<10240xf32, #tpu.memory_space<vmem_shared>> -> memref<10240xf32, #tpu.memory_space<vmem_shared>>
      tpu.wait_indirect_dma semaphore(%arg10 : memref<!tpu.dma_semaphore, #tpu.memory_space<semaphore_mem>>) src(%arg7 : memref<125xf32, #tpu.memory_space<vmem>>) dst(%dma_wait3A_178 : memref<10240xf32, #tpu.memory_space<vmem_shared>>)
      %dma_wait3A_179 = arith.constant 0 : i32
      %dma_wait3A_180 = tpu.memref_slice %arg6[%add3A_18, %dma_wait3A_179] : memref<80x125xi32, #tpu.memory_space<vmem>> -> memref<1x125xi32, #tpu.memory_space<vmem>>
      %dma_wait3A_181 = tpu.memref_squeeze %dma_wait3A_180 : memref<1x125xi32, #tpu.memory_space<vmem>> -> memref<125xi32, #tpu.memory_space<vmem>>
      %dma_wait3A_182 = arith.constant 0 : i32
      %dma_wait3A_183 = tpu.memref_slice %arg9[%dma_wait3A_182] : memref<10240xf32, #tpu.memory_space<vmem_shared>> -> memref<10240xf32, #tpu.memory_space<vmem_shared>>
      tpu.wait_indirect_dma semaphore(%arg10 : memref<!tpu.dma_semaphore, #tpu.memory_space<semaphore_mem>>) src(%arg7 : memref<125xf32, #tpu.memory_space<vmem>>) dst(%dma_wait3A_183 : memref<10240xf32, #tpu.memory_space<vmem_shared>>)
      %dma_wait3A_184 = arith.constant 0 : i32
      %dma_wait3A_185 = tpu.memref_slice %arg6[%add3A_18, %dma_wait3A_184] : memref<80x125xi32, #tpu.memory_space<vmem>> -> memref<1x125xi32, #tpu.memory_space<vmem>>
      %dma_wait3A_186 = tpu.memref_squeeze %dma_wait3A_185 : memref<1x125xi32, #tpu.memory_space<vmem>> -> memref<125xi32, #tpu.memory_space<vmem>>
      %dma_wait3A_187 = arith.constant 0 : i32
      %dma_wait3A_188 = tpu.memref_slice %arg9[%dma_wait3A_187] : memref<10240xf32, #tpu.memory_space<vmem_shared>> -> memref<10240xf32, #tpu.memory_space<vmem_shared>>
      tpu.wait_indirect_dma semaphore(%arg10 : memref<!tpu.dma_semaphore, #tpu.memory_space<semaphore_mem>>) src(%arg7 : memref<125xf32, #tpu.memory_space<vmem>>) dst(%dma_wait3A_188 : memref<10240xf32, #tpu.memory_space<vmem_shared>>)
      %dma_wait3A_189 = arith.constant 0 : i32
      %dma_wait3A_190 = tpu.memref_slice %arg6[%add3A_18, %dma_wait3A_189] : memref<80x125xi32, #tpu.memory_space<vmem>> -> memref<1x125xi32, #tpu.memory_space<vmem>>
      %dma_wait3A_191 = tpu.memref_squeeze %dma_wait3A_190 : memref<1x125xi32, #tpu.memory_space<vmem>> -> memref<125xi32, #tpu.memory_space<vmem>>
      %dma_wait3A_192 = arith.constant 0 : i32
      %dma_wait3A_193 = tpu.memref_slice %arg9[%dma_wait3A_192] : memref<10240xf32, #tpu.memory_space<vmem_shared>> -> memref<10240xf32, #tpu.memory_space<vmem_shared>>
      tpu.wait_indirect_dma semaphore(%arg10 : memref<!tpu.dma_semaphore, #tpu.memory_space<semaphore_mem>>) src(%arg7 : memref<125xf32, #tpu.memory_space<vmem>>) dst(%dma_wait3A_193 : memref<10240xf32, #tpu.memory_space<vmem_shared>>)
      %dma_wait3A_194 = arith.constant 0 : i32
      %dma_wait3A_195 = tpu.memref_slice %arg6[%add3A_18, %dma_wait3A_194] : memref<80x125xi32, #tpu.memory_space<vmem>> -> memref<1x125xi32, #tpu.memory_space<vmem>>
      %dma_wait3A_196 = tpu.memref_squeeze %dma_wait3A_195 : memref<1x125xi32, #tpu.memory_space<vmem>> -> memref<125xi32, #tpu.memory_space<vmem>>
      %dma_wait3A_197 = arith.constant 0 : i32
      %dma_wait3A_198 = tpu.memref_slice %arg9[%dma_wait3A_197] : memref<10240xf32, #tpu.memory_space<vmem_shared>> -> memref<10240xf32, #tpu.memory_space<vmem_shared>>
      tpu.wait_indirect_dma semaphore(%arg10 : memref<!tpu.dma_semaphore, #tpu.memory_space<semaphore_mem>>) src(%arg7 : memref<125xf32, #tpu.memory_space<vmem>>) dst(%dma_wait3A_198 : memref<10240xf32, #tpu.memory_space<vmem_shared>>)
      %dma_wait3A_199 = arith.constant 0 : i32
      %dma_wait3A_200 = tpu.memref_slice %arg6[%add3A_18, %dma_wait3A_199] : memref<80x125xi32, #tpu.memory_space<vmem>> -> memref<1x125xi32, #tpu.memory_space<vmem>>
      %dma_wait3A_201 = tpu.memref_squeeze %dma_wait3A_200 : memref<1x125xi32, #tpu.memory_space<vmem>> -> memref<125xi32, #tpu.memory_space<vmem>>
      %dma_wait3A_202 = arith.constant 0 : i32
      %dma_wait3A_203 = tpu.memref_slice %arg9[%dma_wait3A_202] : memref<10240xf32, #tpu.memory_space<vmem_shared>> -> memref<10240xf32, #tpu.memory_space<vmem_shared>>
      tpu.wait_indirect_dma semaphore(%arg10 : memref<!tpu.dma_semaphore, #tpu.memory_space<semaphore_mem>>) src(%arg7 : memref<125xf32, #tpu.memory_space<vmem>>) dst(%dma_wait3A_203 : memref<10240xf32, #tpu.memory_space<vmem_shared>>)
      %dma_wait3A_204 = arith.constant 0 : i32
      %dma_wait3A_205 = tpu.memref_slice %arg6[%add3A_18, %dma_wait3A_204] : memref<80x125xi32, #tpu.memory_space<vmem>> -> memref<1x125xi32, #tpu.memory_space<vmem>>
      %dma_wait3A_206 = tpu.memref_squeeze %dma_wait3A_205 : memref<1x125xi32, #tpu.memory_space<vmem>> -> memref<125xi32, #tpu.memory_space<vmem>>
      %dma_wait3A_207 = arith.constant 0 : i32
      %dma_wait3A_208 = tpu.memref_slice %arg9[%dma_wait3A_207] : memref<10240xf32, #tpu.memory_space<vmem_shared>> -> memref<10240xf32, #tpu.memory_space<vmem_shared>>
      tpu.wait_indirect_dma semaphore(%arg10 : memref<!tpu.dma_semaphore, #tpu.memory_space<semaphore_mem>>) src(%arg7 : memref<125xf32, #tpu.memory_space<vmem>>) dst(%dma_wait3A_208 : memref<10240xf32, #tpu.memory_space<vmem_shared>>)
    }
    %scan3A_8 = arith.constant 5 : i32
    %barrier3A_9 = arith.constant 0 : index
    tpu.barrier barrier_id(%barrier3A_9)
    %mul3A_10 = arith.constant 640 : i32
    %mul3A_11 = arith.muli %arg1, %mul3A_10 : i32
    "tpu.region"() ({
      %run_scoped3A = tpu.sem_alloc : memref<!tpu.dma_semaphore, #tpu.memory_space<semaphore_mem>>
      %dma_start3A = tpu.memref_slice %arg9[%mul3A_11] : memref<10240xf32, #tpu.memory_space<vmem_shared>> -> memref<640xf32, #tpu.memory_space<vmem_shared>>
      %dma_start3A_14 = tpu.memref_slice %arg9[%mul3A_11] : memref<10240xf32, #tpu.memory_space<vmem_shared>> -> memref<640xf32, #tpu.memory_space<vmem_shared>>
      tpu.enqueue_dma source(%dma_start3A_14 : memref<640xf32, #tpu.memory_space<vmem_shared>>) target(%arg8 : memref<640xf32, #tpu.memory_space<vmem>>) target_semaphore(%run_scoped3A : memref<!tpu.dma_semaphore, #tpu.memory_space<semaphore_mem>>)
      %dma_wait3A = tpu.memref_slice %arg9[%mul3A_11] : memref<10240xf32, #tpu.memory_space<vmem_shared>> -> memref<640xf32, #tpu.memory_space<vmem_shared>>
      %dma_wait3A_15 = tpu.memref_slice %arg9[%mul3A_11] : memref<10240xf32, #tpu.memory_space<vmem_shared>> -> memref<640xf32, #tpu.memory_space<vmem_shared>>
      tpu.wait_dma2 semaphore(%run_scoped3A : memref<!tpu.dma_semaphore, #tpu.memory_space<semaphore_mem>>) src(%dma_wait3A_15 : memref<640xf32, #tpu.memory_space<vmem_shared>>) dst(%arg8 : memref<640xf32, #tpu.memory_space<vmem>>)
      tpu.yield
    }) : () -> ()
    %mul3A_12 = arith.constant 640 : i32
    %mul3A_13 = arith.muli %arg1, %mul3A_12 : i32
    "tpu.region"() ({
      %run_scoped3A = tpu.sem_alloc : memref<!tpu.dma_semaphore, #tpu.memory_space<semaphore_mem>>
      %dma_start3A = tpu.memref_slice %arg5[%arg0, %mul3A_13] : memref<2x10240xf32, #tpu.memory_space<hbm>> -> memref<1x640xf32, #tpu.memory_space<hbm>>
      %dma_start3A_14 = tpu.memref_squeeze %dma_start3A : memref<1x640xf32, #tpu.memory_space<hbm>> -> memref<640xf32, #tpu.memory_space<hbm>>
      %dma_start3A_15 = tpu.memref_slice %arg5[%arg0, %mul3A_13] : memref<2x10240xf32, #tpu.memory_space<hbm>> -> memref<1x640xf32, #tpu.memory_space<hbm>>
      %dma_start3A_16 = tpu.memref_squeeze %dma_start3A_15 : memref<1x640xf32, #tpu.memory_space<hbm>> -> memref<640xf32, #tpu.memory_space<hbm>>
      tpu.enqueue_dma source(%arg8 : memref<640xf32, #tpu.memory_space<vmem>>) target(%dma_start3A_16 : memref<640xf32, #tpu.memory_space<hbm>>) target_semaphore(%run_scoped3A : memref<!tpu.dma_semaphore, #tpu.memory_space<semaphore_mem>>)
      %dma_wait3A = tpu.memref_slice %arg5[%arg0, %mul3A_13] : memref<2x10240xf32, #tpu.memory_space<hbm>> -> memref<1x640xf32, #tpu.memory_space<hbm>>
      %dma_wait3A_17 = tpu.memref_squeeze %dma_wait3A : memref<1x640xf32, #tpu.memory_space<hbm>> -> memref<640xf32, #tpu.memory_space<hbm>>
      %dma_wait3A_18 = tpu.memref_slice %arg5[%arg0, %mul3A_13] : memref<2x10240xf32, #tpu.memory_space<hbm>> -> memref<1x640xf32, #tpu.memory_space<hbm>>
      %dma_wait3A_19 = tpu.memref_squeeze %dma_wait3A_18 : memref<1x640xf32, #tpu.memory_space<hbm>> -> memref<640xf32, #tpu.memory_space<hbm>>
      tpu.wait_dma2 semaphore(%run_scoped3A : memref<!tpu.dma_semaphore, #tpu.memory_space<semaphore_mem>>) src(%arg8 : memref<640xf32, #tpu.memory_space<vmem>>) dst(%dma_wait3A_19 : memref<640xf32, #tpu.memory_space<hbm>>)
      tpu.yield
    }) : () -> ()
    return
  }
}

#map = affine_map<(d0, d1) -> (0, 0)>
#map1 = affine_map<(d0, d1) -> (0, 0, 0, 0)>
#map2 = affine_map<(d0, d1) -> (0, 0, 0)>
module attributes {stable_mosaic.version = 14 : i64} {
  func.func @_accum_kernel(%arg0: i32, %arg1: i32, %arg2: memref<10000x128xf32, #tpu.memory_space<hbm>>, %arg3: memref<64x2x40x125xi32, #tpu.memory_space<hbm>>, %arg4: memref<80x128xf32, #tpu.memory_space<hbm>>, %arg5: memref<2x10240x128xf32, #tpu.memory_space<hbm>>, %arg6: memref<40x125xi32, #tpu.memory_space<vmem>>, %arg7: memref<40x125xi32, #tpu.memory_space<vmem>>, %arg8: memref<125x128xf32, #tpu.memory_space<vmem>>, %arg9: memref<125x128xf32, #tpu.memory_space<vmem>>, %arg10: memref<10240x128xf32, #tpu.memory_space<vmem_shared>>, %arg11: memref<!tpu.dma_semaphore, #tpu.memory_space<semaphore_mem>>, %arg12: memref<!tpu.dma_semaphore, #tpu.memory_space<semaphore_mem>>) attributes {dimension_semantics = [#tpu.dimension_semantics<core_parallel>, #tpu.dimension_semantics<subcore_parallel>], iteration_bounds = array<i64: 2, 16>, scalar_prefetch = 0 : i64, scratch_operands = 7 : i64, tpu.core_type = #tpu.core_type<sc_vector_subcore>, window_params = [{transform_indices = #map}, {transform_indices = #map1}, {transform_indices = #map}, {transform_indices = #map2}]} {
    %mul3A = arith.constant 2 : i32
    %mul3A_0 = arith.muli %arg1, %mul3A : i32
    %add3A = arith.addi %mul3A_0, %arg0 : i32
    %mul3A_1 = arith.constant 640 : i32
    %mul3A_2 = arith.muli %arg1, %mul3A_1 : i32
    "tpu.region"() ({
      %run_scoped3A_122 = tpu.sem_alloc : memref<!tpu.dma_semaphore, #tpu.memory_space<semaphore_mem>>
      %dma_start3A_123 = arith.constant 0 : i32
      %dma_start3A_124 = arith.constant 0 : i32
      %dma_start3A_125 = tpu.memref_slice %arg8[%dma_start3A_123, %dma_start3A_124] : memref<125x128xf32, #tpu.memory_space<vmem>> -> memref<80x128xf32, #tpu.memory_space<vmem>>
      %dma_start3A_126 = arith.constant 0 : i32
      %dma_start3A_127 = arith.constant 0 : i32
      %dma_start3A_128 = tpu.memref_slice %arg8[%dma_start3A_126, %dma_start3A_127] : memref<125x128xf32, #tpu.memory_space<vmem>> -> memref<80x128xf32, #tpu.memory_space<vmem>>
      tpu.enqueue_dma source(%arg4 : memref<80x128xf32, #tpu.memory_space<hbm>>) target(%dma_start3A_128 : memref<80x128xf32, #tpu.memory_space<vmem>>) target_semaphore(%run_scoped3A_122 : memref<!tpu.dma_semaphore, #tpu.memory_space<semaphore_mem>>)
      %dma_wait3A_129 = arith.constant 0 : i32
      %dma_wait3A_130 = arith.constant 0 : i32
      %dma_wait3A_131 = tpu.memref_slice %arg8[%dma_wait3A_129, %dma_wait3A_130] : memref<125x128xf32, #tpu.memory_space<vmem>> -> memref<80x128xf32, #tpu.memory_space<vmem>>
      %dma_wait3A_132 = arith.constant 0 : i32
      %dma_wait3A_133 = arith.constant 0 : i32
      %dma_wait3A_134 = tpu.memref_slice %arg8[%dma_wait3A_132, %dma_wait3A_133] : memref<125x128xf32, #tpu.memory_space<vmem>> -> memref<80x128xf32, #tpu.memory_space<vmem>>
      tpu.wait_dma2 semaphore(%run_scoped3A_122 : memref<!tpu.dma_semaphore, #tpu.memory_space<semaphore_mem>>) src(%arg4 : memref<80x128xf32, #tpu.memory_space<hbm>>) dst(%dma_wait3A_134 : memref<80x128xf32, #tpu.memory_space<vmem>>)
      tpu.yield
    }) : () -> ()
    %add3A_3 = arith.constant 0 : i32
    %add3A_4 = arith.addi %mul3A_2, %add3A_3 : i32
    "tpu.region"() ({
      %run_scoped3A_122 = tpu.sem_alloc : memref<!tpu.dma_semaphore, #tpu.memory_space<semaphore_mem>>
      %dma_start3A_123 = arith.constant 0 : i32
      %dma_start3A_124 = arith.constant 0 : i32
      %dma_start3A_125 = tpu.memref_slice %arg8[%dma_start3A_123, %dma_start3A_124] : memref<125x128xf32, #tpu.memory_space<vmem>> -> memref<80x128xf32, #tpu.memory_space<vmem>>
      %dma_start3A_126 = arith.constant 0 : i32
      %dma_start3A_127 = tpu.memref_slice %arg10[%add3A_4, %dma_start3A_126] : memref<10240x128xf32, #tpu.memory_space<vmem_shared>> -> memref<80x128xf32, #tpu.memory_space<vmem_shared>>
      %dma_start3A_128 = arith.constant 0 : i32
      %dma_start3A_129 = tpu.memref_slice %arg10[%add3A_4, %dma_start3A_128] : memref<10240x128xf32, #tpu.memory_space<vmem_shared>> -> memref<80x128xf32, #tpu.memory_space<vmem_shared>>
      %dma_start3A_130 = arith.constant 0 : i32
      %dma_start3A_131 = arith.constant 0 : i32
      %dma_start3A_132 = tpu.memref_slice %arg8[%dma_start3A_130, %dma_start3A_131] : memref<125x128xf32, #tpu.memory_space<vmem>> -> memref<80x128xf32, #tpu.memory_space<vmem>>
      tpu.enqueue_dma source(%dma_start3A_132 : memref<80x128xf32, #tpu.memory_space<vmem>>) target(%dma_start3A_129 : memref<80x128xf32, #tpu.memory_space<vmem_shared>>) target_semaphore(%run_scoped3A_122 : memref<!tpu.dma_semaphore, #tpu.memory_space<semaphore_mem>>)
      %dma_wait3A_133 = arith.constant 0 : i32
      %dma_wait3A_134 = arith.constant 0 : i32
      %dma_wait3A_135 = tpu.memref_slice %arg8[%dma_wait3A_133, %dma_wait3A_134] : memref<125x128xf32, #tpu.memory_space<vmem>> -> memref<80x128xf32, #tpu.memory_space<vmem>>
      %dma_wait3A_136 = arith.constant 0 : i32
      %dma_wait3A_137 = tpu.memref_slice %arg10[%add3A_4, %dma_wait3A_136] : memref<10240x128xf32, #tpu.memory_space<vmem_shared>> -> memref<80x128xf32, #tpu.memory_space<vmem_shared>>
      %dma_wait3A_138 = arith.constant 0 : i32
      %dma_wait3A_139 = tpu.memref_slice %arg10[%add3A_4, %dma_wait3A_138] : memref<10240x128xf32, #tpu.memory_space<vmem_shared>> -> memref<80x128xf32, #tpu.memory_space<vmem_shared>>
      %dma_wait3A_140 = arith.constant 0 : i32
      %dma_wait3A_141 = arith.constant 0 : i32
      %dma_wait3A_142 = tpu.memref_slice %arg8[%dma_wait3A_140, %dma_wait3A_141] : memref<125x128xf32, #tpu.memory_space<vmem>> -> memref<80x128xf32, #tpu.memory_space<vmem>>
      tpu.wait_dma2 semaphore(%run_scoped3A_122 : memref<!tpu.dma_semaphore, #tpu.memory_space<semaphore_mem>>) src(%dma_wait3A_142 : memref<80x128xf32, #tpu.memory_space<vmem>>) dst(%dma_wait3A_139 : memref<80x128xf32, #tpu.memory_space<vmem_shared>>)
      tpu.yield
    }) : () -> ()
    %add3A_5 = arith.constant 80 : i32
    %add3A_6 = arith.addi %mul3A_2, %add3A_5 : i32
    "tpu.region"() ({
      %run_scoped3A_122 = tpu.sem_alloc : memref<!tpu.dma_semaphore, #tpu.memory_space<semaphore_mem>>
      %dma_start3A_123 = arith.constant 0 : i32
      %dma_start3A_124 = arith.constant 0 : i32
      %dma_start3A_125 = tpu.memref_slice %arg8[%dma_start3A_123, %dma_start3A_124] : memref<125x128xf32, #tpu.memory_space<vmem>> -> memref<80x128xf32, #tpu.memory_space<vmem>>
      %dma_start3A_126 = arith.constant 0 : i32
      %dma_start3A_127 = tpu.memref_slice %arg10[%add3A_6, %dma_start3A_126] : memref<10240x128xf32, #tpu.memory_space<vmem_shared>> -> memref<80x128xf32, #tpu.memory_space<vmem_shared>>
      %dma_start3A_128 = arith.constant 0 : i32
      %dma_start3A_129 = tpu.memref_slice %arg10[%add3A_6, %dma_start3A_128] : memref<10240x128xf32, #tpu.memory_space<vmem_shared>> -> memref<80x128xf32, #tpu.memory_space<vmem_shared>>
      %dma_start3A_130 = arith.constant 0 : i32
      %dma_start3A_131 = arith.constant 0 : i32
      %dma_start3A_132 = tpu.memref_slice %arg8[%dma_start3A_130, %dma_start3A_131] : memref<125x128xf32, #tpu.memory_space<vmem>> -> memref<80x128xf32, #tpu.memory_space<vmem>>
      tpu.enqueue_dma source(%dma_start3A_132 : memref<80x128xf32, #tpu.memory_space<vmem>>) target(%dma_start3A_129 : memref<80x128xf32, #tpu.memory_space<vmem_shared>>) target_semaphore(%run_scoped3A_122 : memref<!tpu.dma_semaphore, #tpu.memory_space<semaphore_mem>>)
      %dma_wait3A_133 = arith.constant 0 : i32
      %dma_wait3A_134 = arith.constant 0 : i32
      %dma_wait3A_135 = tpu.memref_slice %arg8[%dma_wait3A_133, %dma_wait3A_134] : memref<125x128xf32, #tpu.memory_space<vmem>> -> memref<80x128xf32, #tpu.memory_space<vmem>>
      %dma_wait3A_136 = arith.constant 0 : i32
      %dma_wait3A_137 = tpu.memref_slice %arg10[%add3A_6, %dma_wait3A_136] : memref<10240x128xf32, #tpu.memory_space<vmem_shared>> -> memref<80x128xf32, #tpu.memory_space<vmem_shared>>
      %dma_wait3A_138 = arith.constant 0 : i32
      %dma_wait3A_139 = tpu.memref_slice %arg10[%add3A_6, %dma_wait3A_138] : memref<10240x128xf32, #tpu.memory_space<vmem_shared>> -> memref<80x128xf32, #tpu.memory_space<vmem_shared>>
      %dma_wait3A_140 = arith.constant 0 : i32
      %dma_wait3A_141 = arith.constant 0 : i32
      %dma_wait3A_142 = tpu.memref_slice %arg8[%dma_wait3A_140, %dma_wait3A_141] : memref<125x128xf32, #tpu.memory_space<vmem>> -> memref<80x128xf32, #tpu.memory_space<vmem>>
      tpu.wait_dma2 semaphore(%run_scoped3A_122 : memref<!tpu.dma_semaphore, #tpu.memory_space<semaphore_mem>>) src(%dma_wait3A_142 : memref<80x128xf32, #tpu.memory_space<vmem>>) dst(%dma_wait3A_139 : memref<80x128xf32, #tpu.memory_space<vmem_shared>>)
      tpu.yield
    }) : () -> ()
    %add3A_7 = arith.constant 160 : i32
    %add3A_8 = arith.addi %mul3A_2, %add3A_7 : i32
    "tpu.region"() ({
      %run_scoped3A_122 = tpu.sem_alloc : memref<!tpu.dma_semaphore, #tpu.memory_space<semaphore_mem>>
      %dma_start3A_123 = arith.constant 0 : i32
      %dma_start3A_124 = arith.constant 0 : i32
      %dma_start3A_125 = tpu.memref_slice %arg8[%dma_start3A_123, %dma_start3A_124] : memref<125x128xf32, #tpu.memory_space<vmem>> -> memref<80x128xf32, #tpu.memory_space<vmem>>
      %dma_start3A_126 = arith.constant 0 : i32
      %dma_start3A_127 = tpu.memref_slice %arg10[%add3A_8, %dma_start3A_126] : memref<10240x128xf32, #tpu.memory_space<vmem_shared>> -> memref<80x128xf32, #tpu.memory_space<vmem_shared>>
      %dma_start3A_128 = arith.constant 0 : i32
      %dma_start3A_129 = tpu.memref_slice %arg10[%add3A_8, %dma_start3A_128] : memref<10240x128xf32, #tpu.memory_space<vmem_shared>> -> memref<80x128xf32, #tpu.memory_space<vmem_shared>>
      %dma_start3A_130 = arith.constant 0 : i32
      %dma_start3A_131 = arith.constant 0 : i32
      %dma_start3A_132 = tpu.memref_slice %arg8[%dma_start3A_130, %dma_start3A_131] : memref<125x128xf32, #tpu.memory_space<vmem>> -> memref<80x128xf32, #tpu.memory_space<vmem>>
      tpu.enqueue_dma source(%dma_start3A_132 : memref<80x128xf32, #tpu.memory_space<vmem>>) target(%dma_start3A_129 : memref<80x128xf32, #tpu.memory_space<vmem_shared>>) target_semaphore(%run_scoped3A_122 : memref<!tpu.dma_semaphore, #tpu.memory_space<semaphore_mem>>)
      %dma_wait3A_133 = arith.constant 0 : i32
      %dma_wait3A_134 = arith.constant 0 : i32
      %dma_wait3A_135 = tpu.memref_slice %arg8[%dma_wait3A_133, %dma_wait3A_134] : memref<125x128xf32, #tpu.memory_space<vmem>> -> memref<80x128xf32, #tpu.memory_space<vmem>>
      %dma_wait3A_136 = arith.constant 0 : i32
      %dma_wait3A_137 = tpu.memref_slice %arg10[%add3A_8, %dma_wait3A_136] : memref<10240x128xf32, #tpu.memory_space<vmem_shared>> -> memref<80x128xf32, #tpu.memory_space<vmem_shared>>
      %dma_wait3A_138 = arith.constant 0 : i32
      %dma_wait3A_139 = tpu.memref_slice %arg10[%add3A_8, %dma_wait3A_138] : memref<10240x128xf32, #tpu.memory_space<vmem_shared>> -> memref<80x128xf32, #tpu.memory_space<vmem_shared>>
      %dma_wait3A_140 = arith.constant 0 : i32
      %dma_wait3A_141 = arith.constant 0 : i32
      %dma_wait3A_142 = tpu.memref_slice %arg8[%dma_wait3A_140, %dma_wait3A_141] : memref<125x128xf32, #tpu.memory_space<vmem>> -> memref<80x128xf32, #tpu.memory_space<vmem>>
      tpu.wait_dma2 semaphore(%run_scoped3A_122 : memref<!tpu.dma_semaphore, #tpu.memory_space<semaphore_mem>>) src(%dma_wait3A_142 : memref<80x128xf32, #tpu.memory_space<vmem>>) dst(%dma_wait3A_139 : memref<80x128xf32, #tpu.memory_space<vmem_shared>>)
      tpu.yield
    }) : () -> ()
    %add3A_9 = arith.constant 240 : i32
    %add3A_10 = arith.addi %mul3A_2, %add3A_9 : i32
    "tpu.region"() ({
      %run_scoped3A_122 = tpu.sem_alloc : memref<!tpu.dma_semaphore, #tpu.memory_space<semaphore_mem>>
      %dma_start3A_123 = arith.constant 0 : i32
      %dma_start3A_124 = arith.constant 0 : i32
      %dma_start3A_125 = tpu.memref_slice %arg8[%dma_start3A_123, %dma_start3A_124] : memref<125x128xf32, #tpu.memory_space<vmem>> -> memref<80x128xf32, #tpu.memory_space<vmem>>
      %dma_start3A_126 = arith.constant 0 : i32
      %dma_start3A_127 = tpu.memref_slice %arg10[%add3A_10, %dma_start3A_126] : memref<10240x128xf32, #tpu.memory_space<vmem_shared>> -> memref<80x128xf32, #tpu.memory_space<vmem_shared>>
      %dma_start3A_128 = arith.constant 0 : i32
      %dma_start3A_129 = tpu.memref_slice %arg10[%add3A_10, %dma_start3A_128] : memref<10240x128xf32, #tpu.memory_space<vmem_shared>> -> memref<80x128xf32, #tpu.memory_space<vmem_shared>>
      %dma_start3A_130 = arith.constant 0 : i32
      %dma_start3A_131 = arith.constant 0 : i32
      %dma_start3A_132 = tpu.memref_slice %arg8[%dma_start3A_130, %dma_start3A_131] : memref<125x128xf32, #tpu.memory_space<vmem>> -> memref<80x128xf32, #tpu.memory_space<vmem>>
      tpu.enqueue_dma source(%dma_start3A_132 : memref<80x128xf32, #tpu.memory_space<vmem>>) target(%dma_start3A_129 : memref<80x128xf32, #tpu.memory_space<vmem_shared>>) target_semaphore(%run_scoped3A_122 : memref<!tpu.dma_semaphore, #tpu.memory_space<semaphore_mem>>)
      %dma_wait3A_133 = arith.constant 0 : i32
      %dma_wait3A_134 = arith.constant 0 : i32
      %dma_wait3A_135 = tpu.memref_slice %arg8[%dma_wait3A_133, %dma_wait3A_134] : memref<125x128xf32, #tpu.memory_space<vmem>> -> memref<80x128xf32, #tpu.memory_space<vmem>>
      %dma_wait3A_136 = arith.constant 0 : i32
      %dma_wait3A_137 = tpu.memref_slice %arg10[%add3A_10, %dma_wait3A_136] : memref<10240x128xf32, #tpu.memory_space<vmem_shared>> -> memref<80x128xf32, #tpu.memory_space<vmem_shared>>
      %dma_wait3A_138 = arith.constant 0 : i32
      %dma_wait3A_139 = tpu.memref_slice %arg10[%add3A_10, %dma_wait3A_138] : memref<10240x128xf32, #tpu.memory_space<vmem_shared>> -> memref<80x128xf32, #tpu.memory_space<vmem_shared>>
      %dma_wait3A_140 = arith.constant 0 : i32
      %dma_wait3A_141 = arith.constant 0 : i32
      %dma_wait3A_142 = tpu.memref_slice %arg8[%dma_wait3A_140, %dma_wait3A_141] : memref<125x128xf32, #tpu.memory_space<vmem>> -> memref<80x128xf32, #tpu.memory_space<vmem>>
      tpu.wait_dma2 semaphore(%run_scoped3A_122 : memref<!tpu.dma_semaphore, #tpu.memory_space<semaphore_mem>>) src(%dma_wait3A_142 : memref<80x128xf32, #tpu.memory_space<vmem>>) dst(%dma_wait3A_139 : memref<80x128xf32, #tpu.memory_space<vmem_shared>>)
      tpu.yield
    }) : () -> ()
    %add3A_11 = arith.constant 320 : i32
    %add3A_12 = arith.addi %mul3A_2, %add3A_11 : i32
    "tpu.region"() ({
      %run_scoped3A_122 = tpu.sem_alloc : memref<!tpu.dma_semaphore, #tpu.memory_space<semaphore_mem>>
      %dma_start3A_123 = arith.constant 0 : i32
      %dma_start3A_124 = arith.constant 0 : i32
      %dma_start3A_125 = tpu.memref_slice %arg8[%dma_start3A_123, %dma_start3A_124] : memref<125x128xf32, #tpu.memory_space<vmem>> -> memref<80x128xf32, #tpu.memory_space<vmem>>
      %dma_start3A_126 = arith.constant 0 : i32
      %dma_start3A_127 = tpu.memref_slice %arg10[%add3A_12, %dma_start3A_126] : memref<10240x128xf32, #tpu.memory_space<vmem_shared>> -> memref<80x128xf32, #tpu.memory_space<vmem_shared>>
      %dma_start3A_128 = arith.constant 0 : i32
      %dma_start3A_129 = tpu.memref_slice %arg10[%add3A_12, %dma_start3A_128] : memref<10240x128xf32, #tpu.memory_space<vmem_shared>> -> memref<80x128xf32, #tpu.memory_space<vmem_shared>>
      %dma_start3A_130 = arith.constant 0 : i32
      %dma_start3A_131 = arith.constant 0 : i32
      %dma_start3A_132 = tpu.memref_slice %arg8[%dma_start3A_130, %dma_start3A_131] : memref<125x128xf32, #tpu.memory_space<vmem>> -> memref<80x128xf32, #tpu.memory_space<vmem>>
      tpu.enqueue_dma source(%dma_start3A_132 : memref<80x128xf32, #tpu.memory_space<vmem>>) target(%dma_start3A_129 : memref<80x128xf32, #tpu.memory_space<vmem_shared>>) target_semaphore(%run_scoped3A_122 : memref<!tpu.dma_semaphore, #tpu.memory_space<semaphore_mem>>)
      %dma_wait3A_133 = arith.constant 0 : i32
      %dma_wait3A_134 = arith.constant 0 : i32
      %dma_wait3A_135 = tpu.memref_slice %arg8[%dma_wait3A_133, %dma_wait3A_134] : memref<125x128xf32, #tpu.memory_space<vmem>> -> memref<80x128xf32, #tpu.memory_space<vmem>>
      %dma_wait3A_136 = arith.constant 0 : i32
      %dma_wait3A_137 = tpu.memref_slice %arg10[%add3A_12, %dma_wait3A_136] : memref<10240x128xf32, #tpu.memory_space<vmem_shared>> -> memref<80x128xf32, #tpu.memory_space<vmem_shared>>
      %dma_wait3A_138 = arith.constant 0 : i32
      %dma_wait3A_139 = tpu.memref_slice %arg10[%add3A_12, %dma_wait3A_138] : memref<10240x128xf32, #tpu.memory_space<vmem_shared>> -> memref<80x128xf32, #tpu.memory_space<vmem_shared>>
      %dma_wait3A_140 = arith.constant 0 : i32
      %dma_wait3A_141 = arith.constant 0 : i32
      %dma_wait3A_142 = tpu.memref_slice %arg8[%dma_wait3A_140, %dma_wait3A_141] : memref<125x128xf32, #tpu.memory_space<vmem>> -> memref<80x128xf32, #tpu.memory_space<vmem>>
      tpu.wait_dma2 semaphore(%run_scoped3A_122 : memref<!tpu.dma_semaphore, #tpu.memory_space<semaphore_mem>>) src(%dma_wait3A_142 : memref<80x128xf32, #tpu.memory_space<vmem>>) dst(%dma_wait3A_139 : memref<80x128xf32, #tpu.memory_space<vmem_shared>>)
      tpu.yield
    }) : () -> ()
    %add3A_13 = arith.constant 400 : i32
    %add3A_14 = arith.addi %mul3A_2, %add3A_13 : i32
    "tpu.region"() ({
      %run_scoped3A_122 = tpu.sem_alloc : memref<!tpu.dma_semaphore, #tpu.memory_space<semaphore_mem>>
      %dma_start3A_123 = arith.constant 0 : i32
      %dma_start3A_124 = arith.constant 0 : i32
      %dma_start3A_125 = tpu.memref_slice %arg8[%dma_start3A_123, %dma_start3A_124] : memref<125x128xf32, #tpu.memory_space<vmem>> -> memref<80x128xf32, #tpu.memory_space<vmem>>
      %dma_start3A_126 = arith.constant 0 : i32
      %dma_start3A_127 = tpu.memref_slice %arg10[%add3A_14, %dma_start3A_126] : memref<10240x128xf32, #tpu.memory_space<vmem_shared>> -> memref<80x128xf32, #tpu.memory_space<vmem_shared>>
      %dma_start3A_128 = arith.constant 0 : i32
      %dma_start3A_129 = tpu.memref_slice %arg10[%add3A_14, %dma_start3A_128] : memref<10240x128xf32, #tpu.memory_space<vmem_shared>> -> memref<80x128xf32, #tpu.memory_space<vmem_shared>>
      %dma_start3A_130 = arith.constant 0 : i32
      %dma_start3A_131 = arith.constant 0 : i32
      %dma_start3A_132 = tpu.memref_slice %arg8[%dma_start3A_130, %dma_start3A_131] : memref<125x128xf32, #tpu.memory_space<vmem>> -> memref<80x128xf32, #tpu.memory_space<vmem>>
      tpu.enqueue_dma source(%dma_start3A_132 : memref<80x128xf32, #tpu.memory_space<vmem>>) target(%dma_start3A_129 : memref<80x128xf32, #tpu.memory_space<vmem_shared>>) target_semaphore(%run_scoped3A_122 : memref<!tpu.dma_semaphore, #tpu.memory_space<semaphore_mem>>)
      %dma_wait3A_133 = arith.constant 0 : i32
      %dma_wait3A_134 = arith.constant 0 : i32
      %dma_wait3A_135 = tpu.memref_slice %arg8[%dma_wait3A_133, %dma_wait3A_134] : memref<125x128xf32, #tpu.memory_space<vmem>> -> memref<80x128xf32, #tpu.memory_space<vmem>>
      %dma_wait3A_136 = arith.constant 0 : i32
      %dma_wait3A_137 = tpu.memref_slice %arg10[%add3A_14, %dma_wait3A_136] : memref<10240x128xf32, #tpu.memory_space<vmem_shared>> -> memref<80x128xf32, #tpu.memory_space<vmem_shared>>
      %dma_wait3A_138 = arith.constant 0 : i32
      %dma_wait3A_139 = tpu.memref_slice %arg10[%add3A_14, %dma_wait3A_138] : memref<10240x128xf32, #tpu.memory_space<vmem_shared>> -> memref<80x128xf32, #tpu.memory_space<vmem_shared>>
      %dma_wait3A_140 = arith.constant 0 : i32
      %dma_wait3A_141 = arith.constant 0 : i32
      %dma_wait3A_142 = tpu.memref_slice %arg8[%dma_wait3A_140, %dma_wait3A_141] : memref<125x128xf32, #tpu.memory_space<vmem>> -> memref<80x128xf32, #tpu.memory_space<vmem>>
      tpu.wait_dma2 semaphore(%run_scoped3A_122 : memref<!tpu.dma_semaphore, #tpu.memory_space<semaphore_mem>>) src(%dma_wait3A_142 : memref<80x128xf32, #tpu.memory_space<vmem>>) dst(%dma_wait3A_139 : memref<80x128xf32, #tpu.memory_space<vmem_shared>>)
      tpu.yield
    }) : () -> ()
    %add3A_15 = arith.constant 480 : i32
    %add3A_16 = arith.addi %mul3A_2, %add3A_15 : i32
    "tpu.region"() ({
      %run_scoped3A_122 = tpu.sem_alloc : memref<!tpu.dma_semaphore, #tpu.memory_space<semaphore_mem>>
      %dma_start3A_123 = arith.constant 0 : i32
      %dma_start3A_124 = arith.constant 0 : i32
      %dma_start3A_125 = tpu.memref_slice %arg8[%dma_start3A_123, %dma_start3A_124] : memref<125x128xf32, #tpu.memory_space<vmem>> -> memref<80x128xf32, #tpu.memory_space<vmem>>
      %dma_start3A_126 = arith.constant 0 : i32
      %dma_start3A_127 = tpu.memref_slice %arg10[%add3A_16, %dma_start3A_126] : memref<10240x128xf32, #tpu.memory_space<vmem_shared>> -> memref<80x128xf32, #tpu.memory_space<vmem_shared>>
      %dma_start3A_128 = arith.constant 0 : i32
      %dma_start3A_129 = tpu.memref_slice %arg10[%add3A_16, %dma_start3A_128] : memref<10240x128xf32, #tpu.memory_space<vmem_shared>> -> memref<80x128xf32, #tpu.memory_space<vmem_shared>>
      %dma_start3A_130 = arith.constant 0 : i32
      %dma_start3A_131 = arith.constant 0 : i32
      %dma_start3A_132 = tpu.memref_slice %arg8[%dma_start3A_130, %dma_start3A_131] : memref<125x128xf32, #tpu.memory_space<vmem>> -> memref<80x128xf32, #tpu.memory_space<vmem>>
      tpu.enqueue_dma source(%dma_start3A_132 : memref<80x128xf32, #tpu.memory_space<vmem>>) target(%dma_start3A_129 : memref<80x128xf32, #tpu.memory_space<vmem_shared>>) target_semaphore(%run_scoped3A_122 : memref<!tpu.dma_semaphore, #tpu.memory_space<semaphore_mem>>)
      %dma_wait3A_133 = arith.constant 0 : i32
      %dma_wait3A_134 = arith.constant 0 : i32
      %dma_wait3A_135 = tpu.memref_slice %arg8[%dma_wait3A_133, %dma_wait3A_134] : memref<125x128xf32, #tpu.memory_space<vmem>> -> memref<80x128xf32, #tpu.memory_space<vmem>>
      %dma_wait3A_136 = arith.constant 0 : i32
      %dma_wait3A_137 = tpu.memref_slice %arg10[%add3A_16, %dma_wait3A_136] : memref<10240x128xf32, #tpu.memory_space<vmem_shared>> -> memref<80x128xf32, #tpu.memory_space<vmem_shared>>
      %dma_wait3A_138 = arith.constant 0 : i32
      %dma_wait3A_139 = tpu.memref_slice %arg10[%add3A_16, %dma_wait3A_138] : memref<10240x128xf32, #tpu.memory_space<vmem_shared>> -> memref<80x128xf32, #tpu.memory_space<vmem_shared>>
      %dma_wait3A_140 = arith.constant 0 : i32
      %dma_wait3A_141 = arith.constant 0 : i32
      %dma_wait3A_142 = tpu.memref_slice %arg8[%dma_wait3A_140, %dma_wait3A_141] : memref<125x128xf32, #tpu.memory_space<vmem>> -> memref<80x128xf32, #tpu.memory_space<vmem>>
      tpu.wait_dma2 semaphore(%run_scoped3A_122 : memref<!tpu.dma_semaphore, #tpu.memory_space<semaphore_mem>>) src(%dma_wait3A_142 : memref<80x128xf32, #tpu.memory_space<vmem>>) dst(%dma_wait3A_139 : memref<80x128xf32, #tpu.memory_space<vmem_shared>>)
      tpu.yield
    }) : () -> ()
    %add3A_17 = arith.constant 560 : i32
    %add3A_18 = arith.addi %mul3A_2, %add3A_17 : i32
    "tpu.region"() ({
      %run_scoped3A_122 = tpu.sem_alloc : memref<!tpu.dma_semaphore, #tpu.memory_space<semaphore_mem>>
      %dma_start3A_123 = arith.constant 0 : i32
      %dma_start3A_124 = arith.constant 0 : i32
      %dma_start3A_125 = tpu.memref_slice %arg8[%dma_start3A_123, %dma_start3A_124] : memref<125x128xf32, #tpu.memory_space<vmem>> -> memref<80x128xf32, #tpu.memory_space<vmem>>
      %dma_start3A_126 = arith.constant 0 : i32
      %dma_start3A_127 = tpu.memref_slice %arg10[%add3A_18, %dma_start3A_126] : memref<10240x128xf32, #tpu.memory_space<vmem_shared>> -> memref<80x128xf32, #tpu.memory_space<vmem_shared>>
      %dma_start3A_128 = arith.constant 0 : i32
      %dma_start3A_129 = tpu.memref_slice %arg10[%add3A_18, %dma_start3A_128] : memref<10240x128xf32, #tpu.memory_space<vmem_shared>> -> memref<80x128xf32, #tpu.memory_space<vmem_shared>>
      %dma_start3A_130 = arith.constant 0 : i32
      %dma_start3A_131 = arith.constant 0 : i32
      %dma_start3A_132 = tpu.memref_slice %arg8[%dma_start3A_130, %dma_start3A_131] : memref<125x128xf32, #tpu.memory_space<vmem>> -> memref<80x128xf32, #tpu.memory_space<vmem>>
      tpu.enqueue_dma source(%dma_start3A_132 : memref<80x128xf32, #tpu.memory_space<vmem>>) target(%dma_start3A_129 : memref<80x128xf32, #tpu.memory_space<vmem_shared>>) target_semaphore(%run_scoped3A_122 : memref<!tpu.dma_semaphore, #tpu.memory_space<semaphore_mem>>)
      %dma_wait3A_133 = arith.constant 0 : i32
      %dma_wait3A_134 = arith.constant 0 : i32
      %dma_wait3A_135 = tpu.memref_slice %arg8[%dma_wait3A_133, %dma_wait3A_134] : memref<125x128xf32, #tpu.memory_space<vmem>> -> memref<80x128xf32, #tpu.memory_space<vmem>>
      %dma_wait3A_136 = arith.constant 0 : i32
      %dma_wait3A_137 = tpu.memref_slice %arg10[%add3A_18, %dma_wait3A_136] : memref<10240x128xf32, #tpu.memory_space<vmem_shared>> -> memref<80x128xf32, #tpu.memory_space<vmem_shared>>
      %dma_wait3A_138 = arith.constant 0 : i32
      %dma_wait3A_139 = tpu.memref_slice %arg10[%add3A_18, %dma_wait3A_138] : memref<10240x128xf32, #tpu.memory_space<vmem_shared>> -> memref<80x128xf32, #tpu.memory_space<vmem_shared>>
      %dma_wait3A_140 = arith.constant 0 : i32
      %dma_wait3A_141 = arith.constant 0 : i32
      %dma_wait3A_142 = tpu.memref_slice %arg8[%dma_wait3A_140, %dma_wait3A_141] : memref<125x128xf32, #tpu.memory_space<vmem>> -> memref<80x128xf32, #tpu.memory_space<vmem>>
      tpu.wait_dma2 semaphore(%run_scoped3A_122 : memref<!tpu.dma_semaphore, #tpu.memory_space<semaphore_mem>>) src(%dma_wait3A_142 : memref<80x128xf32, #tpu.memory_space<vmem>>) dst(%dma_wait3A_139 : memref<80x128xf32, #tpu.memory_space<vmem_shared>>)
      tpu.yield
    }) : () -> ()
    %barrier3A = arith.constant 0 : index
    tpu.barrier barrier_id(%barrier3A)
    %run_scoped3A = arith.constant 0 : i32
    "tpu.region"() ({
      %run_scoped3A_122 = tpu.sem_alloc : memref<!tpu.dma_semaphore, #tpu.memory_space<semaphore_mem>>
      %dma_start3A_123 = arith.constant 0 : i32
      %dma_start3A_124 = arith.constant 0 : i32
      %dma_start3A_125 = tpu.memref_slice %arg3[%add3A, %run_scoped3A, %dma_start3A_123, %dma_start3A_124] : memref<64x2x40x125xi32, #tpu.memory_space<hbm>> -> memref<1x1x40x125xi32, #tpu.memory_space<hbm>>
      %dma_start3A_126 = tpu.memref_squeeze %dma_start3A_125 : memref<1x1x40x125xi32, #tpu.memory_space<hbm>> -> memref<40x125xi32, #tpu.memory_space<hbm>>
      %dma_start3A_127 = arith.constant 0 : i32
      %dma_start3A_128 = arith.constant 0 : i32
      %dma_start3A_129 = tpu.memref_slice %arg3[%add3A, %run_scoped3A, %dma_start3A_127, %dma_start3A_128] : memref<64x2x40x125xi32, #tpu.memory_space<hbm>> -> memref<1x1x40x125xi32, #tpu.memory_space<hbm>>
      %dma_start3A_130 = tpu.memref_squeeze %dma_start3A_129 : memref<1x1x40x125xi32, #tpu.memory_space<hbm>> -> memref<40x125xi32, #tpu.memory_space<hbm>>
      tpu.enqueue_dma source(%dma_start3A_130 : memref<40x125xi32, #tpu.memory_space<hbm>>) target(%arg6 : memref<40x125xi32, #tpu.memory_space<vmem>>) target_semaphore(%run_scoped3A_122 : memref<!tpu.dma_semaphore, #tpu.memory_space<semaphore_mem>>)
      %dma_wait3A_131 = arith.constant 0 : i32
      %dma_wait3A_132 = arith.constant 0 : i32
      %dma_wait3A_133 = tpu.memref_slice %arg3[%add3A, %run_scoped3A, %dma_wait3A_131, %dma_wait3A_132] : memref<64x2x40x125xi32, #tpu.memory_space<hbm>> -> memref<1x1x40x125xi32, #tpu.memory_space<hbm>>
      %dma_wait3A_134 = tpu.memref_squeeze %dma_wait3A_133 : memref<1x1x40x125xi32, #tpu.memory_space<hbm>> -> memref<40x125xi32, #tpu.memory_space<hbm>>
      %dma_wait3A_135 = arith.constant 0 : i32
      %dma_wait3A_136 = arith.constant 0 : i32
      %dma_wait3A_137 = tpu.memref_slice %arg3[%add3A, %run_scoped3A, %dma_wait3A_135, %dma_wait3A_136] : memref<64x2x40x125xi32, #tpu.memory_space<hbm>> -> memref<1x1x40x125xi32, #tpu.memory_space<hbm>>
      %dma_wait3A_138 = tpu.memref_squeeze %dma_wait3A_137 : memref<1x1x40x125xi32, #tpu.memory_space<hbm>> -> memref<40x125xi32, #tpu.memory_space<hbm>>
      tpu.wait_dma2 semaphore(%run_scoped3A_122 : memref<!tpu.dma_semaphore, #tpu.memory_space<semaphore_mem>>) src(%dma_wait3A_138 : memref<40x125xi32, #tpu.memory_space<hbm>>) dst(%arg6 : memref<40x125xi32, #tpu.memory_space<vmem>>)
      tpu.yield
    }) : () -> ()
    %add3A_19 = arith.constant 32 : i32
    %add3A_20 = arith.addi %add3A_19, %add3A : i32
    %run_scoped3A_21 = arith.constant 0 : i32
    "tpu.region"() ({
      %run_scoped3A_122 = tpu.sem_alloc : memref<!tpu.dma_semaphore, #tpu.memory_space<semaphore_mem>>
      %dma_start3A_123 = arith.constant 0 : i32
      %dma_start3A_124 = arith.constant 0 : i32
      %dma_start3A_125 = tpu.memref_slice %arg3[%add3A_20, %run_scoped3A_21, %dma_start3A_123, %dma_start3A_124] : memref<64x2x40x125xi32, #tpu.memory_space<hbm>> -> memref<1x1x40x125xi32, #tpu.memory_space<hbm>>
      %dma_start3A_126 = tpu.memref_squeeze %dma_start3A_125 : memref<1x1x40x125xi32, #tpu.memory_space<hbm>> -> memref<40x125xi32, #tpu.memory_space<hbm>>
      %dma_start3A_127 = arith.constant 0 : i32
      %dma_start3A_128 = arith.constant 0 : i32
      %dma_start3A_129 = tpu.memref_slice %arg3[%add3A_20, %run_scoped3A_21, %dma_start3A_127, %dma_start3A_128] : memref<64x2x40x125xi32, #tpu.memory_space<hbm>> -> memref<1x1x40x125xi32, #tpu.memory_space<hbm>>
      %dma_start3A_130 = tpu.memref_squeeze %dma_start3A_129 : memref<1x1x40x125xi32, #tpu.memory_space<hbm>> -> memref<40x125xi32, #tpu.memory_space<hbm>>
      tpu.enqueue_dma source(%dma_start3A_130 : memref<40x125xi32, #tpu.memory_space<hbm>>) target(%arg7 : memref<40x125xi32, #tpu.memory_space<vmem>>) target_semaphore(%run_scoped3A_122 : memref<!tpu.dma_semaphore, #tpu.memory_space<semaphore_mem>>)
      %dma_wait3A_131 = arith.constant 0 : i32
      %dma_wait3A_132 = arith.constant 0 : i32
      %dma_wait3A_133 = tpu.memref_slice %arg3[%add3A_20, %run_scoped3A_21, %dma_wait3A_131, %dma_wait3A_132] : memref<64x2x40x125xi32, #tpu.memory_space<hbm>> -> memref<1x1x40x125xi32, #tpu.memory_space<hbm>>
      %dma_wait3A_134 = tpu.memref_squeeze %dma_wait3A_133 : memref<1x1x40x125xi32, #tpu.memory_space<hbm>> -> memref<40x125xi32, #tpu.memory_space<hbm>>
      %dma_wait3A_135 = arith.constant 0 : i32
      %dma_wait3A_136 = arith.constant 0 : i32
      %dma_wait3A_137 = tpu.memref_slice %arg3[%add3A_20, %run_scoped3A_21, %dma_wait3A_135, %dma_wait3A_136] : memref<64x2x40x125xi32, #tpu.memory_space<hbm>> -> memref<1x1x40x125xi32, #tpu.memory_space<hbm>>
      %dma_wait3A_138 = tpu.memref_squeeze %dma_wait3A_137 : memref<1x1x40x125xi32, #tpu.memory_space<hbm>> -> memref<40x125xi32, #tpu.memory_space<hbm>>
      tpu.wait_dma2 semaphore(%run_scoped3A_122 : memref<!tpu.dma_semaphore, #tpu.memory_space<semaphore_mem>>) src(%dma_wait3A_138 : memref<40x125xi32, #tpu.memory_space<hbm>>) dst(%arg7 : memref<40x125xi32, #tpu.memory_space<vmem>>)
      tpu.yield
    }) : () -> ()
    %dma_start3A = arith.constant 0 : i32
    %dma_start3A_22 = arith.constant 0 : i32
    %dma_start3A_23 = tpu.memref_slice %arg6[%dma_start3A, %dma_start3A_22] : memref<40x125xi32, #tpu.memory_space<vmem>> -> memref<1x125xi32, #tpu.memory_space<vmem>>
    %dma_start3A_24 = tpu.memref_squeeze %dma_start3A_23 : memref<1x125xi32, #tpu.memory_space<vmem>> -> memref<125xi32, #tpu.memory_space<vmem>>
    %dma_start3A_25 = arith.constant 0 : i32
    %dma_start3A_26 = arith.constant 0 : i32
    %dma_start3A_27 = tpu.memref_slice %arg2[%dma_start3A_25, %dma_start3A_26] : memref<10000x128xf32, #tpu.memory_space<hbm>> -> memref<10000x128xf32, #tpu.memory_space<hbm>>
    tpu.enqueue_indirect_dma source(%dma_start3A_27 : memref<10000x128xf32, #tpu.memory_space<hbm>>) target(%arg8 : memref<125x128xf32, #tpu.memory_space<vmem>>) offsets(%dma_start3A_24 : memref<125xi32, #tpu.memory_space<vmem>>) semaphore(%arg11 : memref<!tpu.dma_semaphore, #tpu.memory_space<semaphore_mem>>)
    %dma_start3A_28 = arith.constant 1 : i32
    %dma_start3A_29 = arith.constant 0 : i32
    %dma_start3A_30 = tpu.memref_slice %arg6[%dma_start3A_28, %dma_start3A_29] : memref<40x125xi32, #tpu.memory_space<vmem>> -> memref<1x125xi32, #tpu.memory_space<vmem>>
    %dma_start3A_31 = tpu.memref_squeeze %dma_start3A_30 : memref<1x125xi32, #tpu.memory_space<vmem>> -> memref<125xi32, #tpu.memory_space<vmem>>
    %dma_start3A_32 = arith.constant 0 : i32
    %dma_start3A_33 = arith.constant 0 : i32
    %dma_start3A_34 = tpu.memref_slice %arg2[%dma_start3A_32, %dma_start3A_33] : memref<10000x128xf32, #tpu.memory_space<hbm>> -> memref<10000x128xf32, #tpu.memory_space<hbm>>
    tpu.enqueue_indirect_dma source(%dma_start3A_34 : memref<10000x128xf32, #tpu.memory_space<hbm>>) target(%arg9 : memref<125x128xf32, #tpu.memory_space<vmem>>) offsets(%dma_start3A_31 : memref<125xi32, #tpu.memory_space<vmem>>) semaphore(%arg12 : memref<!tpu.dma_semaphore, #tpu.memory_space<semaphore_mem>>)
    %scan3A = arith.constant 0 : i32
    %scan3A_35 = arith.constant 20 : i32
    %scan3A_36 = arith.addi %scan3A, %scan3A_35 : i32
    %scan3A_37 = arith.constant 1 : i32
    scf.for %scan3A_122 = %scan3A to %scan3A_36 step %scan3A_37  : i32 {
      %mul3A_123 = arith.constant 2 : i32
      %mul3A_124 = arith.muli %scan3A_122, %mul3A_123 : i32
      %add3A_125 = arith.constant 0 : i32
      %add3A_126 = arith.addi %add3A_125, %mul3A_124 : i32
      %dma_wait3A_127 = arith.constant 0 : i32
      %dma_wait3A_128 = arith.constant 0 : i32
      %dma_wait3A_129 = tpu.memref_slice %arg6[%dma_wait3A_127, %dma_wait3A_128] : memref<40x125xi32, #tpu.memory_space<vmem>> -> memref<1x125xi32, #tpu.memory_space<vmem>>
      %dma_wait3A_130 = tpu.memref_squeeze %dma_wait3A_129 : memref<1x125xi32, #tpu.memory_space<vmem>> -> memref<125xi32, #tpu.memory_space<vmem>>
      %dma_wait3A_131 = arith.constant 0 : i32
      %dma_wait3A_132 = arith.constant 0 : i32
      %dma_wait3A_133 = tpu.memref_slice %arg2[%dma_wait3A_131, %dma_wait3A_132] : memref<10000x128xf32, #tpu.memory_space<hbm>> -> memref<10000x128xf32, #tpu.memory_space<hbm>>
      tpu.wait_indirect_dma semaphore(%arg11 : memref<!tpu.dma_semaphore, #tpu.memory_space<semaphore_mem>>) src(%dma_wait3A_133 : memref<10000x128xf32, #tpu.memory_space<hbm>>) dst(%arg8 : memref<125x128xf32, #tpu.memory_space<vmem>>)
      %add3A_134 = arith.constant 0 : i32
      %add3A_135 = arith.addi %add3A_126, %add3A_134 : i32
      "tpu.region"() ({
        %run_scoped3A_168 = tpu.sem_alloc : memref<!tpu.dma_semaphore, #tpu.memory_space<semaphore_mem>>
        %dma_start3A_169 = arith.constant 0 : i32
        %dma_start3A_170 = tpu.memref_slice %arg7[%add3A_135, %dma_start3A_169] : memref<40x125xi32, #tpu.memory_space<vmem>> -> memref<1x125xi32, #tpu.memory_space<vmem>>
        %dma_start3A_171 = tpu.memref_squeeze %dma_start3A_170 : memref<1x125xi32, #tpu.memory_space<vmem>> -> memref<125xi32, #tpu.memory_space<vmem>>
        %dma_start3A_172 = arith.constant 0 : i32
        %dma_start3A_173 = arith.constant 0 : i32
        %dma_start3A_174 = tpu.memref_slice %arg10[%dma_start3A_172, %dma_start3A_173] : memref<10240x128xf32, #tpu.memory_space<vmem_shared>> -> memref<10240x128xf32, #tpu.memory_space<vmem_shared>>
        tpu.enqueue_indirect_dma source(%arg8 : memref<125x128xf32, #tpu.memory_space<vmem>>) target(%dma_start3A_174 : memref<10240x128xf32, #tpu.memory_space<vmem_shared>>) offsets(%dma_start3A_171 : memref<125xi32, #tpu.memory_space<vmem>>) semaphore(%run_scoped3A_168 : memref<!tpu.dma_semaphore, #tpu.memory_space<semaphore_mem>>) {add = true}
        %dma_wait3A_175 = arith.constant 0 : i32
        %dma_wait3A_176 = tpu.memref_slice %arg7[%add3A_135, %dma_wait3A_175] : memref<40x125xi32, #tpu.memory_space<vmem>> -> memref<1x125xi32, #tpu.memory_space<vmem>>
        %dma_wait3A_177 = tpu.memref_squeeze %dma_wait3A_176 : memref<1x125xi32, #tpu.memory_space<vmem>> -> memref<125xi32, #tpu.memory_space<vmem>>
        %dma_wait3A_178 = arith.constant 0 : i32
        %dma_wait3A_179 = arith.constant 0 : i32
        %dma_wait3A_180 = tpu.memref_slice %arg10[%dma_wait3A_178, %dma_wait3A_179] : memref<10240x128xf32, #tpu.memory_space<vmem_shared>> -> memref<10240x128xf32, #tpu.memory_space<vmem_shared>>
        tpu.wait_indirect_dma semaphore(%run_scoped3A_168 : memref<!tpu.dma_semaphore, #tpu.memory_space<semaphore_mem>>) src(%arg8 : memref<125x128xf32, #tpu.memory_space<vmem>>) dst(%dma_wait3A_180 : memref<10240x128xf32, #tpu.memory_space<vmem_shared>>)
        tpu.yield
      }) : () -> ()
      %add3A_136 = arith.constant 2 : i32
      %add3A_137 = arith.addi %add3A_126, %add3A_136 : i32
      %add3A_138 = arith.constant 0 : i32
      %add3A_139 = arith.addi %add3A_137, %add3A_138 : i32
      %min3A = arith.constant 39 : i32
      %min3A_140 = arith.minsi %add3A_139, %min3A : i32
      %dma_start3A_141 = arith.constant 0 : i32
      %dma_start3A_142 = tpu.memref_slice %arg6[%min3A_140, %dma_start3A_141] : memref<40x125xi32, #tpu.memory_space<vmem>> -> memref<1x125xi32, #tpu.memory_space<vmem>>
      %dma_start3A_143 = tpu.memref_squeeze %dma_start3A_142 : memref<1x125xi32, #tpu.memory_space<vmem>> -> memref<125xi32, #tpu.memory_space<vmem>>
      %dma_start3A_144 = arith.constant 0 : i32
      %dma_start3A_145 = arith.constant 0 : i32
      %dma_start3A_146 = tpu.memref_slice %arg2[%dma_start3A_144, %dma_start3A_145] : memref<10000x128xf32, #tpu.memory_space<hbm>> -> memref<10000x128xf32, #tpu.memory_space<hbm>>
      tpu.enqueue_indirect_dma source(%dma_start3A_146 : memref<10000x128xf32, #tpu.memory_space<hbm>>) target(%arg8 : memref<125x128xf32, #tpu.memory_space<vmem>>) offsets(%dma_start3A_143 : memref<125xi32, #tpu.memory_space<vmem>>) semaphore(%arg11 : memref<!tpu.dma_semaphore, #tpu.memory_space<semaphore_mem>>)
      %dma_wait3A_147 = arith.constant 0 : i32
      %dma_wait3A_148 = arith.constant 0 : i32
      %dma_wait3A_149 = tpu.memref_slice %arg6[%dma_wait3A_147, %dma_wait3A_148] : memref<40x125xi32, #tpu.memory_space<vmem>> -> memref<1x125xi32, #tpu.memory_space<vmem>>
      %dma_wait3A_150 = tpu.memref_squeeze %dma_wait3A_149 : memref<1x125xi32, #tpu.memory_space<vmem>> -> memref<125xi32, #tpu.memory_space<vmem>>
      %dma_wait3A_151 = arith.constant 0 : i32
      %dma_wait3A_152 = arith.constant 0 : i32
      %dma_wait3A_153 = tpu.memref_slice %arg2[%dma_wait3A_151, %dma_wait3A_152] : memref<10000x128xf32, #tpu.memory_space<hbm>> -> memref<10000x128xf32, #tpu.memory_space<hbm>>
      tpu.wait_indirect_dma semaphore(%arg12 : memref<!tpu.dma_semaphore, #tpu.memory_space<semaphore_mem>>) src(%dma_wait3A_153 : memref<10000x128xf32, #tpu.memory_space<hbm>>) dst(%arg9 : memref<125x128xf32, #tpu.memory_space<vmem>>)
      %add3A_154 = arith.constant 1 : i32
      %add3A_155 = arith.addi %add3A_126, %add3A_154 : i32
      "tpu.region"() ({
        %run_scoped3A_168 = tpu.sem_alloc : memref<!tpu.dma_semaphore, #tpu.memory_space<semaphore_mem>>
        %dma_start3A_169 = arith.constant 0 : i32
        %dma_start3A_170 = tpu.memref_slice %arg7[%add3A_155, %dma_start3A_169] : memref<40x125xi32, #tpu.memory_space<vmem>> -> memref<1x125xi32, #tpu.memory_space<vmem>>
        %dma_start3A_171 = tpu.memref_squeeze %dma_start3A_170 : memref<1x125xi32, #tpu.memory_space<vmem>> -> memref<125xi32, #tpu.memory_space<vmem>>
        %dma_start3A_172 = arith.constant 0 : i32
        %dma_start3A_173 = arith.constant 0 : i32
        %dma_start3A_174 = tpu.memref_slice %arg10[%dma_start3A_172, %dma_start3A_173] : memref<10240x128xf32, #tpu.memory_space<vmem_shared>> -> memref<10240x128xf32, #tpu.memory_space<vmem_shared>>
        tpu.enqueue_indirect_dma source(%arg9 : memref<125x128xf32, #tpu.memory_space<vmem>>) target(%dma_start3A_174 : memref<10240x128xf32, #tpu.memory_space<vmem_shared>>) offsets(%dma_start3A_171 : memref<125xi32, #tpu.memory_space<vmem>>) semaphore(%run_scoped3A_168 : memref<!tpu.dma_semaphore, #tpu.memory_space<semaphore_mem>>) {add = true}
        %dma_wait3A_175 = arith.constant 0 : i32
        %dma_wait3A_176 = tpu.memref_slice %arg7[%add3A_155, %dma_wait3A_175] : memref<40x125xi32, #tpu.memory_space<vmem>> -> memref<1x125xi32, #tpu.memory_space<vmem>>
        %dma_wait3A_177 = tpu.memref_squeeze %dma_wait3A_176 : memref<1x125xi32, #tpu.memory_space<vmem>> -> memref<125xi32, #tpu.memory_space<vmem>>
        %dma_wait3A_178 = arith.constant 0 : i32
        %dma_wait3A_179 = arith.constant 0 : i32
        %dma_wait3A_180 = tpu.memref_slice %arg10[%dma_wait3A_178, %dma_wait3A_179] : memref<10240x128xf32, #tpu.memory_space<vmem_shared>> -> memref<10240x128xf32, #tpu.memory_space<vmem_shared>>
        tpu.wait_indirect_dma semaphore(%run_scoped3A_168 : memref<!tpu.dma_semaphore, #tpu.memory_space<semaphore_mem>>) src(%arg9 : memref<125x128xf32, #tpu.memory_space<vmem>>) dst(%dma_wait3A_180 : memref<10240x128xf32, #tpu.memory_space<vmem_shared>>)
        tpu.yield
      }) : () -> ()
      %add3A_156 = arith.constant 2 : i32
      %add3A_157 = arith.addi %add3A_126, %add3A_156 : i32
      %add3A_158 = arith.constant 1 : i32
      %add3A_159 = arith.addi %add3A_157, %add3A_158 : i32
      %min3A_160 = arith.constant 39 : i32
      %min3A_161 = arith.minsi %add3A_159, %min3A_160 : i32
      %dma_start3A_162 = arith.constant 0 : i32
      %dma_start3A_163 = tpu.memref_slice %arg6[%min3A_161, %dma_start3A_162] : memref<40x125xi32, #tpu.memory_space<vmem>> -> memref<1x125xi32, #tpu.memory_space<vmem>>
      %dma_start3A_164 = tpu.memref_squeeze %dma_start3A_163 : memref<1x125xi32, #tpu.memory_space<vmem>> -> memref<125xi32, #tpu.memory_space<vmem>>
      %dma_start3A_165 = arith.constant 0 : i32
      %dma_start3A_166 = arith.constant 0 : i32
      %dma_start3A_167 = tpu.memref_slice %arg2[%dma_start3A_165, %dma_start3A_166] : memref<10000x128xf32, #tpu.memory_space<hbm>> -> memref<10000x128xf32, #tpu.memory_space<hbm>>
      tpu.enqueue_indirect_dma source(%dma_start3A_167 : memref<10000x128xf32, #tpu.memory_space<hbm>>) target(%arg9 : memref<125x128xf32, #tpu.memory_space<vmem>>) offsets(%dma_start3A_164 : memref<125xi32, #tpu.memory_space<vmem>>) semaphore(%arg12 : memref<!tpu.dma_semaphore, #tpu.memory_space<semaphore_mem>>)
    }
    %scan3A_38 = arith.constant 20 : i32
    %dma_wait3A = arith.constant 0 : i32
    %dma_wait3A_39 = arith.constant 0 : i32
    %dma_wait3A_40 = tpu.memref_slice %arg6[%dma_wait3A, %dma_wait3A_39] : memref<40x125xi32, #tpu.memory_space<vmem>> -> memref<1x125xi32, #tpu.memory_space<vmem>>
    %dma_wait3A_41 = tpu.memref_squeeze %dma_wait3A_40 : memref<1x125xi32, #tpu.memory_space<vmem>> -> memref<125xi32, #tpu.memory_space<vmem>>
    %dma_wait3A_42 = arith.constant 0 : i32
    %dma_wait3A_43 = arith.constant 0 : i32
    %dma_wait3A_44 = tpu.memref_slice %arg2[%dma_wait3A_42, %dma_wait3A_43] : memref<10000x128xf32, #tpu.memory_space<hbm>> -> memref<10000x128xf32, #tpu.memory_space<hbm>>
    tpu.wait_indirect_dma semaphore(%arg11 : memref<!tpu.dma_semaphore, #tpu.memory_space<semaphore_mem>>) src(%dma_wait3A_44 : memref<10000x128xf32, #tpu.memory_space<hbm>>) dst(%arg8 : memref<125x128xf32, #tpu.memory_space<vmem>>)
    %dma_wait3A_45 = arith.constant 0 : i32
    %dma_wait3A_46 = arith.constant 0 : i32
    %dma_wait3A_47 = tpu.memref_slice %arg6[%dma_wait3A_45, %dma_wait3A_46] : memref<40x125xi32, #tpu.memory_space<vmem>> -> memref<1x125xi32, #tpu.memory_space<vmem>>
    %dma_wait3A_48 = tpu.memref_squeeze %dma_wait3A_47 : memref<1x125xi32, #tpu.memory_space<vmem>> -> memref<125xi32, #tpu.memory_space<vmem>>
    %dma_wait3A_49 = arith.constant 0 : i32
    %dma_wait3A_50 = arith.constant 0 : i32
    %dma_wait3A_51 = tpu.memref_slice %arg2[%dma_wait3A_49, %dma_wait3A_50] : memref<10000x128xf32, #tpu.memory_space<hbm>> -> memref<10000x128xf32, #tpu.memory_space<hbm>>
    tpu.wait_indirect_dma semaphore(%arg12 : memref<!tpu.dma_semaphore, #tpu.memory_space<semaphore_mem>>) src(%dma_wait3A_51 : memref<10000x128xf32, #tpu.memory_space<hbm>>) dst(%arg9 : memref<125x128xf32, #tpu.memory_space<vmem>>)
    %run_scoped3A_52 = arith.constant 1 : i32
    "tpu.region"() ({
      %run_scoped3A_122 = tpu.sem_alloc : memref<!tpu.dma_semaphore, #tpu.memory_space<semaphore_mem>>
      %dma_start3A_123 = arith.constant 0 : i32
      %dma_start3A_124 = arith.constant 0 : i32
      %dma_start3A_125 = tpu.memref_slice %arg3[%add3A, %run_scoped3A_52, %dma_start3A_123, %dma_start3A_124] : memref<64x2x40x125xi32, #tpu.memory_space<hbm>> -> memref<1x1x40x125xi32, #tpu.memory_space<hbm>>
      %dma_start3A_126 = tpu.memref_squeeze %dma_start3A_125 : memref<1x1x40x125xi32, #tpu.memory_space<hbm>> -> memref<40x125xi32, #tpu.memory_space<hbm>>
      %dma_start3A_127 = arith.constant 0 : i32
      %dma_start3A_128 = arith.constant 0 : i32
      %dma_start3A_129 = tpu.memref_slice %arg3[%add3A, %run_scoped3A_52, %dma_start3A_127, %dma_start3A_128] : memref<64x2x40x125xi32, #tpu.memory_space<hbm>> -> memref<1x1x40x125xi32, #tpu.memory_space<hbm>>
      %dma_start3A_130 = tpu.memref_squeeze %dma_start3A_129 : memref<1x1x40x125xi32, #tpu.memory_space<hbm>> -> memref<40x125xi32, #tpu.memory_space<hbm>>
      tpu.enqueue_dma source(%dma_start3A_130 : memref<40x125xi32, #tpu.memory_space<hbm>>) target(%arg6 : memref<40x125xi32, #tpu.memory_space<vmem>>) target_semaphore(%run_scoped3A_122 : memref<!tpu.dma_semaphore, #tpu.memory_space<semaphore_mem>>)
      %dma_wait3A_131 = arith.constant 0 : i32
      %dma_wait3A_132 = arith.constant 0 : i32
      %dma_wait3A_133 = tpu.memref_slice %arg3[%add3A, %run_scoped3A_52, %dma_wait3A_131, %dma_wait3A_132] : memref<64x2x40x125xi32, #tpu.memory_space<hbm>> -> memref<1x1x40x125xi32, #tpu.memory_space<hbm>>
      %dma_wait3A_134 = tpu.memref_squeeze %dma_wait3A_133 : memref<1x1x40x125xi32, #tpu.memory_space<hbm>> -> memref<40x125xi32, #tpu.memory_space<hbm>>
      %dma_wait3A_135 = arith.constant 0 : i32
      %dma_wait3A_136 = arith.constant 0 : i32
      %dma_wait3A_137 = tpu.memref_slice %arg3[%add3A, %run_scoped3A_52, %dma_wait3A_135, %dma_wait3A_136] : memref<64x2x40x125xi32, #tpu.memory_space<hbm>> -> memref<1x1x40x125xi32, #tpu.memory_space<hbm>>
      %dma_wait3A_138 = tpu.memref_squeeze %dma_wait3A_137 : memref<1x1x40x125xi32, #tpu.memory_space<hbm>> -> memref<40x125xi32, #tpu.memory_space<hbm>>
      tpu.wait_dma2 semaphore(%run_scoped3A_122 : memref<!tpu.dma_semaphore, #tpu.memory_space<semaphore_mem>>) src(%dma_wait3A_138 : memref<40x125xi32, #tpu.memory_space<hbm>>) dst(%arg6 : memref<40x125xi32, #tpu.memory_space<vmem>>)
      tpu.yield
    }) : () -> ()
    %add3A_53 = arith.constant 32 : i32
    %add3A_54 = arith.addi %add3A_53, %add3A : i32
    %run_scoped3A_55 = arith.constant 1 : i32
    "tpu.region"() ({
      %run_scoped3A_122 = tpu.sem_alloc : memref<!tpu.dma_semaphore, #tpu.memory_space<semaphore_mem>>
      %dma_start3A_123 = arith.constant 0 : i32
      %dma_start3A_124 = arith.constant 0 : i32
      %dma_start3A_125 = tpu.memref_slice %arg3[%add3A_54, %run_scoped3A_55, %dma_start3A_123, %dma_start3A_124] : memref<64x2x40x125xi32, #tpu.memory_space<hbm>> -> memref<1x1x40x125xi32, #tpu.memory_space<hbm>>
      %dma_start3A_126 = tpu.memref_squeeze %dma_start3A_125 : memref<1x1x40x125xi32, #tpu.memory_space<hbm>> -> memref<40x125xi32, #tpu.memory_space<hbm>>
      %dma_start3A_127 = arith.constant 0 : i32
      %dma_start3A_128 = arith.constant 0 : i32
      %dma_start3A_129 = tpu.memref_slice %arg3[%add3A_54, %run_scoped3A_55, %dma_start3A_127, %dma_start3A_128] : memref<64x2x40x125xi32, #tpu.memory_space<hbm>> -> memref<1x1x40x125xi32, #tpu.memory_space<hbm>>
      %dma_start3A_130 = tpu.memref_squeeze %dma_start3A_129 : memref<1x1x40x125xi32, #tpu.memory_space<hbm>> -> memref<40x125xi32, #tpu.memory_space<hbm>>
      tpu.enqueue_dma source(%dma_start3A_130 : memref<40x125xi32, #tpu.memory_space<hbm>>) target(%arg7 : memref<40x125xi32, #tpu.memory_space<vmem>>) target_semaphore(%run_scoped3A_122 : memref<!tpu.dma_semaphore, #tpu.memory_space<semaphore_mem>>)
      %dma_wait3A_131 = arith.constant 0 : i32
      %dma_wait3A_132 = arith.constant 0 : i32
      %dma_wait3A_133 = tpu.memref_slice %arg3[%add3A_54, %run_scoped3A_55, %dma_wait3A_131, %dma_wait3A_132] : memref<64x2x40x125xi32, #tpu.memory_space<hbm>> -> memref<1x1x40x125xi32, #tpu.memory_space<hbm>>
      %dma_wait3A_134 = tpu.memref_squeeze %dma_wait3A_133 : memref<1x1x40x125xi32, #tpu.memory_space<hbm>> -> memref<40x125xi32, #tpu.memory_space<hbm>>
      %dma_wait3A_135 = arith.constant 0 : i32
      %dma_wait3A_136 = arith.constant 0 : i32
      %dma_wait3A_137 = tpu.memref_slice %arg3[%add3A_54, %run_scoped3A_55, %dma_wait3A_135, %dma_wait3A_136] : memref<64x2x40x125xi32, #tpu.memory_space<hbm>> -> memref<1x1x40x125xi32, #tpu.memory_space<hbm>>
      %dma_wait3A_138 = tpu.memref_squeeze %dma_wait3A_137 : memref<1x1x40x125xi32, #tpu.memory_space<hbm>> -> memref<40x125xi32, #tpu.memory_space<hbm>>
      tpu.wait_dma2 semaphore(%run_scoped3A_122 : memref<!tpu.dma_semaphore, #tpu.memory_space<semaphore_mem>>) src(%dma_wait3A_138 : memref<40x125xi32, #tpu.memory_space<hbm>>) dst(%arg7 : memref<40x125xi32, #tpu.memory_space<vmem>>)
      tpu.yield
    }) : () -> ()
    %dma_start3A_56 = arith.constant 0 : i32
    %dma_start3A_57 = arith.constant 0 : i32
    %dma_start3A_58 = tpu.memref_slice %arg6[%dma_start3A_56, %dma_start3A_57] : memref<40x125xi32, #tpu.memory_space<vmem>> -> memref<1x125xi32, #tpu.memory_space<vmem>>
    %dma_start3A_59 = tpu.memref_squeeze %dma_start3A_58 : memref<1x125xi32, #tpu.memory_space<vmem>> -> memref<125xi32, #tpu.memory_space<vmem>>
    %dma_start3A_60 = arith.constant 0 : i32
    %dma_start3A_61 = arith.constant 0 : i32
    %dma_start3A_62 = tpu.memref_slice %arg2[%dma_start3A_60, %dma_start3A_61] : memref<10000x128xf32, #tpu.memory_space<hbm>> -> memref<10000x128xf32, #tpu.memory_space<hbm>>
    tpu.enqueue_indirect_dma source(%dma_start3A_62 : memref<10000x128xf32, #tpu.memory_space<hbm>>) target(%arg8 : memref<125x128xf32, #tpu.memory_space<vmem>>) offsets(%dma_start3A_59 : memref<125xi32, #tpu.memory_space<vmem>>) semaphore(%arg11 : memref<!tpu.dma_semaphore, #tpu.memory_space<semaphore_mem>>)
    %dma_start3A_63 = arith.constant 1 : i32
    %dma_start3A_64 = arith.constant 0 : i32
    %dma_start3A_65 = tpu.memref_slice %arg6[%dma_start3A_63, %dma_start3A_64] : memref<40x125xi32, #tpu.memory_space<vmem>> -> memref<1x125xi32, #tpu.memory_space<vmem>>
    %dma_start3A_66 = tpu.memref_squeeze %dma_start3A_65 : memref<1x125xi32, #tpu.memory_space<vmem>> -> memref<125xi32, #tpu.memory_space<vmem>>
    %dma_start3A_67 = arith.constant 0 : i32
    %dma_start3A_68 = arith.constant 0 : i32
    %dma_start3A_69 = tpu.memref_slice %arg2[%dma_start3A_67, %dma_start3A_68] : memref<10000x128xf32, #tpu.memory_space<hbm>> -> memref<10000x128xf32, #tpu.memory_space<hbm>>
    tpu.enqueue_indirect_dma source(%dma_start3A_69 : memref<10000x128xf32, #tpu.memory_space<hbm>>) target(%arg9 : memref<125x128xf32, #tpu.memory_space<vmem>>) offsets(%dma_start3A_66 : memref<125xi32, #tpu.memory_space<vmem>>) semaphore(%arg12 : memref<!tpu.dma_semaphore, #tpu.memory_space<semaphore_mem>>)
    %scan3A_70 = arith.constant 0 : i32
    %scan3A_71 = arith.constant 20 : i32
    %scan3A_72 = arith.addi %scan3A_70, %scan3A_71 : i32
    %scan3A_73 = arith.constant 1 : i32
    scf.for %scan3A_122 = %scan3A_70 to %scan3A_72 step %scan3A_73  : i32 {
      %mul3A_123 = arith.constant 2 : i32
      %mul3A_124 = arith.muli %scan3A_122, %mul3A_123 : i32
      %add3A_125 = arith.constant 0 : i32
      %add3A_126 = arith.addi %add3A_125, %mul3A_124 : i32
      %dma_wait3A_127 = arith.constant 0 : i32
      %dma_wait3A_128 = arith.constant 0 : i32
      %dma_wait3A_129 = tpu.memref_slice %arg6[%dma_wait3A_127, %dma_wait3A_128] : memref<40x125xi32, #tpu.memory_space<vmem>> -> memref<1x125xi32, #tpu.memory_space<vmem>>
      %dma_wait3A_130 = tpu.memref_squeeze %dma_wait3A_129 : memref<1x125xi32, #tpu.memory_space<vmem>> -> memref<125xi32, #tpu.memory_space<vmem>>
      %dma_wait3A_131 = arith.constant 0 : i32
      %dma_wait3A_132 = arith.constant 0 : i32
      %dma_wait3A_133 = tpu.memref_slice %arg2[%dma_wait3A_131, %dma_wait3A_132] : memref<10000x128xf32, #tpu.memory_space<hbm>> -> memref<10000x128xf32, #tpu.memory_space<hbm>>
      tpu.wait_indirect_dma semaphore(%arg11 : memref<!tpu.dma_semaphore, #tpu.memory_space<semaphore_mem>>) src(%dma_wait3A_133 : memref<10000x128xf32, #tpu.memory_space<hbm>>) dst(%arg8 : memref<125x128xf32, #tpu.memory_space<vmem>>)
      %add3A_134 = arith.constant 0 : i32
      %add3A_135 = arith.addi %add3A_126, %add3A_134 : i32
      "tpu.region"() ({
        %run_scoped3A_168 = tpu.sem_alloc : memref<!tpu.dma_semaphore, #tpu.memory_space<semaphore_mem>>
        %dma_start3A_169 = arith.constant 0 : i32
        %dma_start3A_170 = tpu.memref_slice %arg7[%add3A_135, %dma_start3A_169] : memref<40x125xi32, #tpu.memory_space<vmem>> -> memref<1x125xi32, #tpu.memory_space<vmem>>
        %dma_start3A_171 = tpu.memref_squeeze %dma_start3A_170 : memref<1x125xi32, #tpu.memory_space<vmem>> -> memref<125xi32, #tpu.memory_space<vmem>>
        %dma_start3A_172 = arith.constant 0 : i32
        %dma_start3A_173 = arith.constant 0 : i32
        %dma_start3A_174 = tpu.memref_slice %arg10[%dma_start3A_172, %dma_start3A_173] : memref<10240x128xf32, #tpu.memory_space<vmem_shared>> -> memref<10240x128xf32, #tpu.memory_space<vmem_shared>>
        tpu.enqueue_indirect_dma source(%arg8 : memref<125x128xf32, #tpu.memory_space<vmem>>) target(%dma_start3A_174 : memref<10240x128xf32, #tpu.memory_space<vmem_shared>>) offsets(%dma_start3A_171 : memref<125xi32, #tpu.memory_space<vmem>>) semaphore(%run_scoped3A_168 : memref<!tpu.dma_semaphore, #tpu.memory_space<semaphore_mem>>) {add = true}
        %dma_wait3A_175 = arith.constant 0 : i32
        %dma_wait3A_176 = tpu.memref_slice %arg7[%add3A_135, %dma_wait3A_175] : memref<40x125xi32, #tpu.memory_space<vmem>> -> memref<1x125xi32, #tpu.memory_space<vmem>>
        %dma_wait3A_177 = tpu.memref_squeeze %dma_wait3A_176 : memref<1x125xi32, #tpu.memory_space<vmem>> -> memref<125xi32, #tpu.memory_space<vmem>>
        %dma_wait3A_178 = arith.constant 0 : i32
        %dma_wait3A_179 = arith.constant 0 : i32
        %dma_wait3A_180 = tpu.memref_slice %arg10[%dma_wait3A_178, %dma_wait3A_179] : memref<10240x128xf32, #tpu.memory_space<vmem_shared>> -> memref<10240x128xf32, #tpu.memory_space<vmem_shared>>
        tpu.wait_indirect_dma semaphore(%run_scoped3A_168 : memref<!tpu.dma_semaphore, #tpu.memory_space<semaphore_mem>>) src(%arg8 : memref<125x128xf32, #tpu.memory_space<vmem>>) dst(%dma_wait3A_180 : memref<10240x128xf32, #tpu.memory_space<vmem_shared>>)
        tpu.yield
      }) : () -> ()
      %add3A_136 = arith.constant 2 : i32
      %add3A_137 = arith.addi %add3A_126, %add3A_136 : i32
      %add3A_138 = arith.constant 0 : i32
      %add3A_139 = arith.addi %add3A_137, %add3A_138 : i32
      %min3A = arith.constant 39 : i32
      %min3A_140 = arith.minsi %add3A_139, %min3A : i32
      %dma_start3A_141 = arith.constant 0 : i32
      %dma_start3A_142 = tpu.memref_slice %arg6[%min3A_140, %dma_start3A_141] : memref<40x125xi32, #tpu.memory_space<vmem>> -> memref<1x125xi32, #tpu.memory_space<vmem>>
      %dma_start3A_143 = tpu.memref_squeeze %dma_start3A_142 : memref<1x125xi32, #tpu.memory_space<vmem>> -> memref<125xi32, #tpu.memory_space<vmem>>
      %dma_start3A_144 = arith.constant 0 : i32
      %dma_start3A_145 = arith.constant 0 : i32
      %dma_start3A_146 = tpu.memref_slice %arg2[%dma_start3A_144, %dma_start3A_145] : memref<10000x128xf32, #tpu.memory_space<hbm>> -> memref<10000x128xf32, #tpu.memory_space<hbm>>
      tpu.enqueue_indirect_dma source(%dma_start3A_146 : memref<10000x128xf32, #tpu.memory_space<hbm>>) target(%arg8 : memref<125x128xf32, #tpu.memory_space<vmem>>) offsets(%dma_start3A_143 : memref<125xi32, #tpu.memory_space<vmem>>) semaphore(%arg11 : memref<!tpu.dma_semaphore, #tpu.memory_space<semaphore_mem>>)
      %dma_wait3A_147 = arith.constant 0 : i32
      %dma_wait3A_148 = arith.constant 0 : i32
      %dma_wait3A_149 = tpu.memref_slice %arg6[%dma_wait3A_147, %dma_wait3A_148] : memref<40x125xi32, #tpu.memory_space<vmem>> -> memref<1x125xi32, #tpu.memory_space<vmem>>
      %dma_wait3A_150 = tpu.memref_squeeze %dma_wait3A_149 : memref<1x125xi32, #tpu.memory_space<vmem>> -> memref<125xi32, #tpu.memory_space<vmem>>
      %dma_wait3A_151 = arith.constant 0 : i32
      %dma_wait3A_152 = arith.constant 0 : i32
      %dma_wait3A_153 = tpu.memref_slice %arg2[%dma_wait3A_151, %dma_wait3A_152] : memref<10000x128xf32, #tpu.memory_space<hbm>> -> memref<10000x128xf32, #tpu.memory_space<hbm>>
      tpu.wait_indirect_dma semaphore(%arg12 : memref<!tpu.dma_semaphore, #tpu.memory_space<semaphore_mem>>) src(%dma_wait3A_153 : memref<10000x128xf32, #tpu.memory_space<hbm>>) dst(%arg9 : memref<125x128xf32, #tpu.memory_space<vmem>>)
      %add3A_154 = arith.constant 1 : i32
      %add3A_155 = arith.addi %add3A_126, %add3A_154 : i32
      "tpu.region"() ({
        %run_scoped3A_168 = tpu.sem_alloc : memref<!tpu.dma_semaphore, #tpu.memory_space<semaphore_mem>>
        %dma_start3A_169 = arith.constant 0 : i32
        %dma_start3A_170 = tpu.memref_slice %arg7[%add3A_155, %dma_start3A_169] : memref<40x125xi32, #tpu.memory_space<vmem>> -> memref<1x125xi32, #tpu.memory_space<vmem>>
        %dma_start3A_171 = tpu.memref_squeeze %dma_start3A_170 : memref<1x125xi32, #tpu.memory_space<vmem>> -> memref<125xi32, #tpu.memory_space<vmem>>
        %dma_start3A_172 = arith.constant 0 : i32
        %dma_start3A_173 = arith.constant 0 : i32
        %dma_start3A_174 = tpu.memref_slice %arg10[%dma_start3A_172, %dma_start3A_173] : memref<10240x128xf32, #tpu.memory_space<vmem_shared>> -> memref<10240x128xf32, #tpu.memory_space<vmem_shared>>
        tpu.enqueue_indirect_dma source(%arg9 : memref<125x128xf32, #tpu.memory_space<vmem>>) target(%dma_start3A_174 : memref<10240x128xf32, #tpu.memory_space<vmem_shared>>) offsets(%dma_start3A_171 : memref<125xi32, #tpu.memory_space<vmem>>) semaphore(%run_scoped3A_168 : memref<!tpu.dma_semaphore, #tpu.memory_space<semaphore_mem>>) {add = true}
        %dma_wait3A_175 = arith.constant 0 : i32
        %dma_wait3A_176 = tpu.memref_slice %arg7[%add3A_155, %dma_wait3A_175] : memref<40x125xi32, #tpu.memory_space<vmem>> -> memref<1x125xi32, #tpu.memory_space<vmem>>
        %dma_wait3A_177 = tpu.memref_squeeze %dma_wait3A_176 : memref<1x125xi32, #tpu.memory_space<vmem>> -> memref<125xi32, #tpu.memory_space<vmem>>
        %dma_wait3A_178 = arith.constant 0 : i32
        %dma_wait3A_179 = arith.constant 0 : i32
        %dma_wait3A_180 = tpu.memref_slice %arg10[%dma_wait3A_178, %dma_wait3A_179] : memref<10240x128xf32, #tpu.memory_space<vmem_shared>> -> memref<10240x128xf32, #tpu.memory_space<vmem_shared>>
        tpu.wait_indirect_dma semaphore(%run_scoped3A_168 : memref<!tpu.dma_semaphore, #tpu.memory_space<semaphore_mem>>) src(%arg9 : memref<125x128xf32, #tpu.memory_space<vmem>>) dst(%dma_wait3A_180 : memref<10240x128xf32, #tpu.memory_space<vmem_shared>>)
        tpu.yield
      }) : () -> ()
      %add3A_156 = arith.constant 2 : i32
      %add3A_157 = arith.addi %add3A_126, %add3A_156 : i32
      %add3A_158 = arith.constant 1 : i32
      %add3A_159 = arith.addi %add3A_157, %add3A_158 : i32
      %min3A_160 = arith.constant 39 : i32
      %min3A_161 = arith.minsi %add3A_159, %min3A_160 : i32
      %dma_start3A_162 = arith.constant 0 : i32
      %dma_start3A_163 = tpu.memref_slice %arg6[%min3A_161, %dma_start3A_162] : memref<40x125xi32, #tpu.memory_space<vmem>> -> memref<1x125xi32, #tpu.memory_space<vmem>>
      %dma_start3A_164 = tpu.memref_squeeze %dma_start3A_163 : memref<1x125xi32, #tpu.memory_space<vmem>> -> memref<125xi32, #tpu.memory_space<vmem>>
      %dma_start3A_165 = arith.constant 0 : i32
      %dma_start3A_166 = arith.constant 0 : i32
      %dma_start3A_167 = tpu.memref_slice %arg2[%dma_start3A_165, %dma_start3A_166] : memref<10000x128xf32, #tpu.memory_space<hbm>> -> memref<10000x128xf32, #tpu.memory_space<hbm>>
      tpu.enqueue_indirect_dma source(%dma_start3A_167 : memref<10000x128xf32, #tpu.memory_space<hbm>>) target(%arg9 : memref<125x128xf32, #tpu.memory_space<vmem>>) offsets(%dma_start3A_164 : memref<125xi32, #tpu.memory_space<vmem>>) semaphore(%arg12 : memref<!tpu.dma_semaphore, #tpu.memory_space<semaphore_mem>>)
    }
    %scan3A_74 = arith.constant 20 : i32
    %dma_wait3A_75 = arith.constant 0 : i32
    %dma_wait3A_76 = arith.constant 0 : i32
    %dma_wait3A_77 = tpu.memref_slice %arg6[%dma_wait3A_75, %dma_wait3A_76] : memref<40x125xi32, #tpu.memory_space<vmem>> -> memref<1x125xi32, #tpu.memory_space<vmem>>
    %dma_wait3A_78 = tpu.memref_squeeze %dma_wait3A_77 : memref<1x125xi32, #tpu.memory_space<vmem>> -> memref<125xi32, #tpu.memory_space<vmem>>
    %dma_wait3A_79 = arith.constant 0 : i32
    %dma_wait3A_80 = arith.constant 0 : i32
    %dma_wait3A_81 = tpu.memref_slice %arg2[%dma_wait3A_79, %dma_wait3A_80] : memref<10000x128xf32, #tpu.memory_space<hbm>> -> memref<10000x128xf32, #tpu.memory_space<hbm>>
    tpu.wait_indirect_dma semaphore(%arg11 : memref<!tpu.dma_semaphore, #tpu.memory_space<semaphore_mem>>) src(%dma_wait3A_81 : memref<10000x128xf32, #tpu.memory_space<hbm>>) dst(%arg8 : memref<125x128xf32, #tpu.memory_space<vmem>>)
    %dma_wait3A_82 = arith.constant 0 : i32
    %dma_wait3A_83 = arith.constant 0 : i32
    %dma_wait3A_84 = tpu.memref_slice %arg6[%dma_wait3A_82, %dma_wait3A_83] : memref<40x125xi32, #tpu.memory_space<vmem>> -> memref<1x125xi32, #tpu.memory_space<vmem>>
    %dma_wait3A_85 = tpu.memref_squeeze %dma_wait3A_84 : memref<1x125xi32, #tpu.memory_space<vmem>> -> memref<125xi32, #tpu.memory_space<vmem>>
    %dma_wait3A_86 = arith.constant 0 : i32
    %dma_wait3A_87 = arith.constant 0 : i32
    %dma_wait3A_88 = tpu.memref_slice %arg2[%dma_wait3A_86, %dma_wait3A_87] : memref<10000x128xf32, #tpu.memory_space<hbm>> -> memref<10000x128xf32, #tpu.memory_space<hbm>>
    tpu.wait_indirect_dma semaphore(%arg12 : memref<!tpu.dma_semaphore, #tpu.memory_space<semaphore_mem>>) src(%dma_wait3A_88 : memref<10000x128xf32, #tpu.memory_space<hbm>>) dst(%arg9 : memref<125x128xf32, #tpu.memory_space<vmem>>)
    %barrier3A_89 = arith.constant 0 : index
    tpu.barrier barrier_id(%barrier3A_89)
    %add3A_90 = arith.constant 0 : i32
    %add3A_91 = arith.addi %mul3A_2, %add3A_90 : i32
    "tpu.region"() ({
      %run_scoped3A_122 = tpu.sem_alloc : memref<!tpu.dma_semaphore, #tpu.memory_space<semaphore_mem>>
      %dma_start3A_123 = arith.constant 0 : i32
      %dma_start3A_124 = arith.constant 0 : i32
      %dma_start3A_125 = tpu.memref_slice %arg8[%dma_start3A_123, %dma_start3A_124] : memref<125x128xf32, #tpu.memory_space<vmem>> -> memref<80x128xf32, #tpu.memory_space<vmem>>
      %dma_start3A_126 = arith.constant 0 : i32
      %dma_start3A_127 = tpu.memref_slice %arg10[%add3A_91, %dma_start3A_126] : memref<10240x128xf32, #tpu.memory_space<vmem_shared>> -> memref<80x128xf32, #tpu.memory_space<vmem_shared>>
      %dma_start3A_128 = arith.constant 0 : i32
      %dma_start3A_129 = arith.constant 0 : i32
      %dma_start3A_130 = tpu.memref_slice %arg8[%dma_start3A_128, %dma_start3A_129] : memref<125x128xf32, #tpu.memory_space<vmem>> -> memref<80x128xf32, #tpu.memory_space<vmem>>
      %dma_start3A_131 = arith.constant 0 : i32
      %dma_start3A_132 = tpu.memref_slice %arg10[%add3A_91, %dma_start3A_131] : memref<10240x128xf32, #tpu.memory_space<vmem_shared>> -> memref<80x128xf32, #tpu.memory_space<vmem_shared>>
      tpu.enqueue_dma source(%dma_start3A_132 : memref<80x128xf32, #tpu.memory_space<vmem_shared>>) target(%dma_start3A_130 : memref<80x128xf32, #tpu.memory_space<vmem>>) target_semaphore(%run_scoped3A_122 : memref<!tpu.dma_semaphore, #tpu.memory_space<semaphore_mem>>)
      %dma_wait3A_133 = arith.constant 0 : i32
      %dma_wait3A_134 = arith.constant 0 : i32
      %dma_wait3A_135 = tpu.memref_slice %arg8[%dma_wait3A_133, %dma_wait3A_134] : memref<125x128xf32, #tpu.memory_space<vmem>> -> memref<80x128xf32, #tpu.memory_space<vmem>>
      %dma_wait3A_136 = arith.constant 0 : i32
      %dma_wait3A_137 = tpu.memref_slice %arg10[%add3A_91, %dma_wait3A_136] : memref<10240x128xf32, #tpu.memory_space<vmem_shared>> -> memref<80x128xf32, #tpu.memory_space<vmem_shared>>
      %dma_wait3A_138 = arith.constant 0 : i32
      %dma_wait3A_139 = arith.constant 0 : i32
      %dma_wait3A_140 = tpu.memref_slice %arg8[%dma_wait3A_138, %dma_wait3A_139] : memref<125x128xf32, #tpu.memory_space<vmem>> -> memref<80x128xf32, #tpu.memory_space<vmem>>
      %dma_wait3A_141 = arith.constant 0 : i32
      %dma_wait3A_142 = tpu.memref_slice %arg10[%add3A_91, %dma_wait3A_141] : memref<10240x128xf32, #tpu.memory_space<vmem_shared>> -> memref<80x128xf32, #tpu.memory_space<vmem_shared>>
      tpu.wait_dma2 semaphore(%run_scoped3A_122 : memref<!tpu.dma_semaphore, #tpu.memory_space<semaphore_mem>>) src(%dma_wait3A_142 : memref<80x128xf32, #tpu.memory_space<vmem_shared>>) dst(%dma_wait3A_140 : memref<80x128xf32, #tpu.memory_space<vmem>>)
      tpu.yield
    }) : () -> ()
    %add3A_92 = arith.constant 0 : i32
    %add3A_93 = arith.addi %mul3A_2, %add3A_92 : i32
    "tpu.region"() ({
      %run_scoped3A_122 = tpu.sem_alloc : memref<!tpu.dma_semaphore, #tpu.memory_space<semaphore_mem>>
      %dma_start3A_123 = arith.constant 0 : i32
      %dma_start3A_124 = arith.constant 0 : i32
      %dma_start3A_125 = tpu.memref_slice %arg8[%dma_start3A_123, %dma_start3A_124] : memref<125x128xf32, #tpu.memory_space<vmem>> -> memref<80x128xf32, #tpu.memory_space<vmem>>
      %dma_start3A_126 = arith.constant 0 : i32
      %dma_start3A_127 = tpu.memref_slice %arg5[%arg0, %add3A_93, %dma_start3A_126] : memref<2x10240x128xf32, #tpu.memory_space<hbm>> -> memref<1x80x128xf32, #tpu.memory_space<hbm>>
      %dma_start3A_128 = tpu.memref_squeeze %dma_start3A_127 : memref<1x80x128xf32, #tpu.memory_space<hbm>> -> memref<80x128xf32, #tpu.memory_space<hbm>>
      %dma_start3A_129 = arith.constant 0 : i32
      %dma_start3A_130 = tpu.memref_slice %arg5[%arg0, %add3A_93, %dma_start3A_129] : memref<2x10240x128xf32, #tpu.memory_space<hbm>> -> memref<1x80x128xf32, #tpu.memory_space<hbm>>
      %dma_start3A_131 = tpu.memref_squeeze %dma_start3A_130 : memref<1x80x128xf32, #tpu.memory_space<hbm>> -> memref<80x128xf32, #tpu.memory_space<hbm>>
      %dma_start3A_132 = arith.constant 0 : i32
      %dma_start3A_133 = arith.constant 0 : i32
      %dma_start3A_134 = tpu.memref_slice %arg8[%dma_start3A_132, %dma_start3A_133] : memref<125x128xf32, #tpu.memory_space<vmem>> -> memref<80x128xf32, #tpu.memory_space<vmem>>
      tpu.enqueue_dma source(%dma_start3A_134 : memref<80x128xf32, #tpu.memory_space<vmem>>) target(%dma_start3A_131 : memref<80x128xf32, #tpu.memory_space<hbm>>) target_semaphore(%run_scoped3A_122 : memref<!tpu.dma_semaphore, #tpu.memory_space<semaphore_mem>>)
      %dma_wait3A_135 = arith.constant 0 : i32
      %dma_wait3A_136 = arith.constant 0 : i32
      %dma_wait3A_137 = tpu.memref_slice %arg8[%dma_wait3A_135, %dma_wait3A_136] : memref<125x128xf32, #tpu.memory_space<vmem>> -> memref<80x128xf32, #tpu.memory_space<vmem>>
      %dma_wait3A_138 = arith.constant 0 : i32
      %dma_wait3A_139 = tpu.memref_slice %arg5[%arg0, %add3A_93, %dma_wait3A_138] : memref<2x10240x128xf32, #tpu.memory_space<hbm>> -> memref<1x80x128xf32, #tpu.memory_space<hbm>>
      %dma_wait3A_140 = tpu.memref_squeeze %dma_wait3A_139 : memref<1x80x128xf32, #tpu.memory_space<hbm>> -> memref<80x128xf32, #tpu.memory_space<hbm>>
      %dma_wait3A_141 = arith.constant 0 : i32
      %dma_wait3A_142 = tpu.memref_slice %arg5[%arg0, %add3A_93, %dma_wait3A_141] : memref<2x10240x128xf32, #tpu.memory_space<hbm>> -> memref<1x80x128xf32, #tpu.memory_space<hbm>>
      %dma_wait3A_143 = tpu.memref_squeeze %dma_wait3A_142 : memref<1x80x128xf32, #tpu.memory_space<hbm>> -> memref<80x128xf32, #tpu.memory_space<hbm>>
      %dma_wait3A_144 = arith.constant 0 : i32
      %dma_wait3A_145 = arith.constant 0 : i32
      %dma_wait3A_146 = tpu.memref_slice %arg8[%dma_wait3A_144, %dma_wait3A_145] : memref<125x128xf32, #tpu.memory_space<vmem>> -> memref<80x128xf32, #tpu.memory_space<vmem>>
      tpu.wait_dma2 semaphore(%run_scoped3A_122 : memref<!tpu.dma_semaphore, #tpu.memory_space<semaphore_mem>>) src(%dma_wait3A_146 : memref<80x128xf32, #tpu.memory_space<vmem>>) dst(%dma_wait3A_143 : memref<80x128xf32, #tpu.memory_space<hbm>>)
      tpu.yield
    }) : () -> ()
    %add3A_94 = arith.constant 80 : i32
    %add3A_95 = arith.addi %mul3A_2, %add3A_94 : i32
    "tpu.region"() ({
      %run_scoped3A_122 = tpu.sem_alloc : memref<!tpu.dma_semaphore, #tpu.memory_space<semaphore_mem>>
      %dma_start3A_123 = arith.constant 0 : i32
      %dma_start3A_124 = arith.constant 0 : i32
      %dma_start3A_125 = tpu.memref_slice %arg8[%dma_start3A_123, %dma_start3A_124] : memref<125x128xf32, #tpu.memory_space<vmem>> -> memref<80x128xf32, #tpu.memory_space<vmem>>
      %dma_start3A_126 = arith.constant 0 : i32
      %dma_start3A_127 = tpu.memref_slice %arg10[%add3A_95, %dma_start3A_126] : memref<10240x128xf32, #tpu.memory_space<vmem_shared>> -> memref<80x128xf32, #tpu.memory_space<vmem_shared>>
      %dma_start3A_128 = arith.constant 0 : i32
      %dma_start3A_129 = arith.constant 0 : i32
      %dma_start3A_130 = tpu.memref_slice %arg8[%dma_start3A_128, %dma_start3A_129] : memref<125x128xf32, #tpu.memory_space<vmem>> -> memref<80x128xf32, #tpu.memory_space<vmem>>
      %dma_start3A_131 = arith.constant 0 : i32
      %dma_start3A_132 = tpu.memref_slice %arg10[%add3A_95, %dma_start3A_131] : memref<10240x128xf32, #tpu.memory_space<vmem_shared>> -> memref<80x128xf32, #tpu.memory_space<vmem_shared>>
      tpu.enqueue_dma source(%dma_start3A_132 : memref<80x128xf32, #tpu.memory_space<vmem_shared>>) target(%dma_start3A_130 : memref<80x128xf32, #tpu.memory_space<vmem>>) target_semaphore(%run_scoped3A_122 : memref<!tpu.dma_semaphore, #tpu.memory_space<semaphore_mem>>)
      %dma_wait3A_133 = arith.constant 0 : i32
      %dma_wait3A_134 = arith.constant 0 : i32
      %dma_wait3A_135 = tpu.memref_slice %arg8[%dma_wait3A_133, %dma_wait3A_134] : memref<125x128xf32, #tpu.memory_space<vmem>> -> memref<80x128xf32, #tpu.memory_space<vmem>>
      %dma_wait3A_136 = arith.constant 0 : i32
      %dma_wait3A_137 = tpu.memref_slice %arg10[%add3A_95, %dma_wait3A_136] : memref<10240x128xf32, #tpu.memory_space<vmem_shared>> -> memref<80x128xf32, #tpu.memory_space<vmem_shared>>
      %dma_wait3A_138 = arith.constant 0 : i32
      %dma_wait3A_139 = arith.constant 0 : i32
      %dma_wait3A_140 = tpu.memref_slice %arg8[%dma_wait3A_138, %dma_wait3A_139] : memref<125x128xf32, #tpu.memory_space<vmem>> -> memref<80x128xf32, #tpu.memory_space<vmem>>
      %dma_wait3A_141 = arith.constant 0 : i32
      %dma_wait3A_142 = tpu.memref_slice %arg10[%add3A_95, %dma_wait3A_141] : memref<10240x128xf32, #tpu.memory_space<vmem_shared>> -> memref<80x128xf32, #tpu.memory_space<vmem_shared>>
      tpu.wait_dma2 semaphore(%run_scoped3A_122 : memref<!tpu.dma_semaphore, #tpu.memory_space<semaphore_mem>>) src(%dma_wait3A_142 : memref<80x128xf32, #tpu.memory_space<vmem_shared>>) dst(%dma_wait3A_140 : memref<80x128xf32, #tpu.memory_space<vmem>>)
      tpu.yield
    }) : () -> ()
    %add3A_96 = arith.constant 80 : i32
    %add3A_97 = arith.addi %mul3A_2, %add3A_96 : i32
    "tpu.region"() ({
      %run_scoped3A_122 = tpu.sem_alloc : memref<!tpu.dma_semaphore, #tpu.memory_space<semaphore_mem>>
      %dma_start3A_123 = arith.constant 0 : i32
      %dma_start3A_124 = arith.constant 0 : i32
      %dma_start3A_125 = tpu.memref_slice %arg8[%dma_start3A_123, %dma_start3A_124] : memref<125x128xf32, #tpu.memory_space<vmem>> -> memref<80x128xf32, #tpu.memory_space<vmem>>
      %dma_start3A_126 = arith.constant 0 : i32
      %dma_start3A_127 = tpu.memref_slice %arg5[%arg0, %add3A_97, %dma_start3A_126] : memref<2x10240x128xf32, #tpu.memory_space<hbm>> -> memref<1x80x128xf32, #tpu.memory_space<hbm>>
      %dma_start3A_128 = tpu.memref_squeeze %dma_start3A_127 : memref<1x80x128xf32, #tpu.memory_space<hbm>> -> memref<80x128xf32, #tpu.memory_space<hbm>>
      %dma_start3A_129 = arith.constant 0 : i32
      %dma_start3A_130 = tpu.memref_slice %arg5[%arg0, %add3A_97, %dma_start3A_129] : memref<2x10240x128xf32, #tpu.memory_space<hbm>> -> memref<1x80x128xf32, #tpu.memory_space<hbm>>
      %dma_start3A_131 = tpu.memref_squeeze %dma_start3A_130 : memref<1x80x128xf32, #tpu.memory_space<hbm>> -> memref<80x128xf32, #tpu.memory_space<hbm>>
      %dma_start3A_132 = arith.constant 0 : i32
      %dma_start3A_133 = arith.constant 0 : i32
      %dma_start3A_134 = tpu.memref_slice %arg8[%dma_start3A_132, %dma_start3A_133] : memref<125x128xf32, #tpu.memory_space<vmem>> -> memref<80x128xf32, #tpu.memory_space<vmem>>
      tpu.enqueue_dma source(%dma_start3A_134 : memref<80x128xf32, #tpu.memory_space<vmem>>) target(%dma_start3A_131 : memref<80x128xf32, #tpu.memory_space<hbm>>) target_semaphore(%run_scoped3A_122 : memref<!tpu.dma_semaphore, #tpu.memory_space<semaphore_mem>>)
      %dma_wait3A_135 = arith.constant 0 : i32
      %dma_wait3A_136 = arith.constant 0 : i32
      %dma_wait3A_137 = tpu.memref_slice %arg8[%dma_wait3A_135, %dma_wait3A_136] : memref<125x128xf32, #tpu.memory_space<vmem>> -> memref<80x128xf32, #tpu.memory_space<vmem>>
      %dma_wait3A_138 = arith.constant 0 : i32
      %dma_wait3A_139 = tpu.memref_slice %arg5[%arg0, %add3A_97, %dma_wait3A_138] : memref<2x10240x128xf32, #tpu.memory_space<hbm>> -> memref<1x80x128xf32, #tpu.memory_space<hbm>>
      %dma_wait3A_140 = tpu.memref_squeeze %dma_wait3A_139 : memref<1x80x128xf32, #tpu.memory_space<hbm>> -> memref<80x128xf32, #tpu.memory_space<hbm>>
      %dma_wait3A_141 = arith.constant 0 : i32
      %dma_wait3A_142 = tpu.memref_slice %arg5[%arg0, %add3A_97, %dma_wait3A_141] : memref<2x10240x128xf32, #tpu.memory_space<hbm>> -> memref<1x80x128xf32, #tpu.memory_space<hbm>>
      %dma_wait3A_143 = tpu.memref_squeeze %dma_wait3A_142 : memref<1x80x128xf32, #tpu.memory_space<hbm>> -> memref<80x128xf32, #tpu.memory_space<hbm>>
      %dma_wait3A_144 = arith.constant 0 : i32
      %dma_wait3A_145 = arith.constant 0 : i32
      %dma_wait3A_146 = tpu.memref_slice %arg8[%dma_wait3A_144, %dma_wait3A_145] : memref<125x128xf32, #tpu.memory_space<vmem>> -> memref<80x128xf32, #tpu.memory_space<vmem>>
      tpu.wait_dma2 semaphore(%run_scoped3A_122 : memref<!tpu.dma_semaphore, #tpu.memory_space<semaphore_mem>>) src(%dma_wait3A_146 : memref<80x128xf32, #tpu.memory_space<vmem>>) dst(%dma_wait3A_143 : memref<80x128xf32, #tpu.memory_space<hbm>>)
      tpu.yield
    }) : () -> ()
    %add3A_98 = arith.constant 160 : i32
    %add3A_99 = arith.addi %mul3A_2, %add3A_98 : i32
    "tpu.region"() ({
      %run_scoped3A_122 = tpu.sem_alloc : memref<!tpu.dma_semaphore, #tpu.memory_space<semaphore_mem>>
      %dma_start3A_123 = arith.constant 0 : i32
      %dma_start3A_124 = arith.constant 0 : i32
      %dma_start3A_125 = tpu.memref_slice %arg8[%dma_start3A_123, %dma_start3A_124] : memref<125x128xf32, #tpu.memory_space<vmem>> -> memref<80x128xf32, #tpu.memory_space<vmem>>
      %dma_start3A_126 = arith.constant 0 : i32
      %dma_start3A_127 = tpu.memref_slice %arg10[%add3A_99, %dma_start3A_126] : memref<10240x128xf32, #tpu.memory_space<vmem_shared>> -> memref<80x128xf32, #tpu.memory_space<vmem_shared>>
      %dma_start3A_128 = arith.constant 0 : i32
      %dma_start3A_129 = arith.constant 0 : i32
      %dma_start3A_130 = tpu.memref_slice %arg8[%dma_start3A_128, %dma_start3A_129] : memref<125x128xf32, #tpu.memory_space<vmem>> -> memref<80x128xf32, #tpu.memory_space<vmem>>
      %dma_start3A_131 = arith.constant 0 : i32
      %dma_start3A_132 = tpu.memref_slice %arg10[%add3A_99, %dma_start3A_131] : memref<10240x128xf32, #tpu.memory_space<vmem_shared>> -> memref<80x128xf32, #tpu.memory_space<vmem_shared>>
      tpu.enqueue_dma source(%dma_start3A_132 : memref<80x128xf32, #tpu.memory_space<vmem_shared>>) target(%dma_start3A_130 : memref<80x128xf32, #tpu.memory_space<vmem>>) target_semaphore(%run_scoped3A_122 : memref<!tpu.dma_semaphore, #tpu.memory_space<semaphore_mem>>)
      %dma_wait3A_133 = arith.constant 0 : i32
      %dma_wait3A_134 = arith.constant 0 : i32
      %dma_wait3A_135 = tpu.memref_slice %arg8[%dma_wait3A_133, %dma_wait3A_134] : memref<125x128xf32, #tpu.memory_space<vmem>> -> memref<80x128xf32, #tpu.memory_space<vmem>>
      %dma_wait3A_136 = arith.constant 0 : i32
      %dma_wait3A_137 = tpu.memref_slice %arg10[%add3A_99, %dma_wait3A_136] : memref<10240x128xf32, #tpu.memory_space<vmem_shared>> -> memref<80x128xf32, #tpu.memory_space<vmem_shared>>
      %dma_wait3A_138 = arith.constant 0 : i32
      %dma_wait3A_139 = arith.constant 0 : i32
      %dma_wait3A_140 = tpu.memref_slice %arg8[%dma_wait3A_138, %dma_wait3A_139] : memref<125x128xf32, #tpu.memory_space<vmem>> -> memref<80x128xf32, #tpu.memory_space<vmem>>
      %dma_wait3A_141 = arith.constant 0 : i32
      %dma_wait3A_142 = tpu.memref_slice %arg10[%add3A_99, %dma_wait3A_141] : memref<10240x128xf32, #tpu.memory_space<vmem_shared>> -> memref<80x128xf32, #tpu.memory_space<vmem_shared>>
      tpu.wait_dma2 semaphore(%run_scoped3A_122 : memref<!tpu.dma_semaphore, #tpu.memory_space<semaphore_mem>>) src(%dma_wait3A_142 : memref<80x128xf32, #tpu.memory_space<vmem_shared>>) dst(%dma_wait3A_140 : memref<80x128xf32, #tpu.memory_space<vmem>>)
      tpu.yield
    }) : () -> ()
    %add3A_100 = arith.constant 160 : i32
    %add3A_101 = arith.addi %mul3A_2, %add3A_100 : i32
    "tpu.region"() ({
      %run_scoped3A_122 = tpu.sem_alloc : memref<!tpu.dma_semaphore, #tpu.memory_space<semaphore_mem>>
      %dma_start3A_123 = arith.constant 0 : i32
      %dma_start3A_124 = arith.constant 0 : i32
      %dma_start3A_125 = tpu.memref_slice %arg8[%dma_start3A_123, %dma_start3A_124] : memref<125x128xf32, #tpu.memory_space<vmem>> -> memref<80x128xf32, #tpu.memory_space<vmem>>
      %dma_start3A_126 = arith.constant 0 : i32
      %dma_start3A_127 = tpu.memref_slice %arg5[%arg0, %add3A_101, %dma_start3A_126] : memref<2x10240x128xf32, #tpu.memory_space<hbm>> -> memref<1x80x128xf32, #tpu.memory_space<hbm>>
      %dma_start3A_128 = tpu.memref_squeeze %dma_start3A_127 : memref<1x80x128xf32, #tpu.memory_space<hbm>> -> memref<80x128xf32, #tpu.memory_space<hbm>>
      %dma_start3A_129 = arith.constant 0 : i32
      %dma_start3A_130 = tpu.memref_slice %arg5[%arg0, %add3A_101, %dma_start3A_129] : memref<2x10240x128xf32, #tpu.memory_space<hbm>> -> memref<1x80x128xf32, #tpu.memory_space<hbm>>
      %dma_start3A_131 = tpu.memref_squeeze %dma_start3A_130 : memref<1x80x128xf32, #tpu.memory_space<hbm>> -> memref<80x128xf32, #tpu.memory_space<hbm>>
      %dma_start3A_132 = arith.constant 0 : i32
      %dma_start3A_133 = arith.constant 0 : i32
      %dma_start3A_134 = tpu.memref_slice %arg8[%dma_start3A_132, %dma_start3A_133] : memref<125x128xf32, #tpu.memory_space<vmem>> -> memref<80x128xf32, #tpu.memory_space<vmem>>
      tpu.enqueue_dma source(%dma_start3A_134 : memref<80x128xf32, #tpu.memory_space<vmem>>) target(%dma_start3A_131 : memref<80x128xf32, #tpu.memory_space<hbm>>) target_semaphore(%run_scoped3A_122 : memref<!tpu.dma_semaphore, #tpu.memory_space<semaphore_mem>>)
      %dma_wait3A_135 = arith.constant 0 : i32
      %dma_wait3A_136 = arith.constant 0 : i32
      %dma_wait3A_137 = tpu.memref_slice %arg8[%dma_wait3A_135, %dma_wait3A_136] : memref<125x128xf32, #tpu.memory_space<vmem>> -> memref<80x128xf32, #tpu.memory_space<vmem>>
      %dma_wait3A_138 = arith.constant 0 : i32
      %dma_wait3A_139 = tpu.memref_slice %arg5[%arg0, %add3A_101, %dma_wait3A_138] : memref<2x10240x128xf32, #tpu.memory_space<hbm>> -> memref<1x80x128xf32, #tpu.memory_space<hbm>>
      %dma_wait3A_140 = tpu.memref_squeeze %dma_wait3A_139 : memref<1x80x128xf32, #tpu.memory_space<hbm>> -> memref<80x128xf32, #tpu.memory_space<hbm>>
      %dma_wait3A_141 = arith.constant 0 : i32
      %dma_wait3A_142 = tpu.memref_slice %arg5[%arg0, %add3A_101, %dma_wait3A_141] : memref<2x10240x128xf32, #tpu.memory_space<hbm>> -> memref<1x80x128xf32, #tpu.memory_space<hbm>>
      %dma_wait3A_143 = tpu.memref_squeeze %dma_wait3A_142 : memref<1x80x128xf32, #tpu.memory_space<hbm>> -> memref<80x128xf32, #tpu.memory_space<hbm>>
      %dma_wait3A_144 = arith.constant 0 : i32
      %dma_wait3A_145 = arith.constant 0 : i32
      %dma_wait3A_146 = tpu.memref_slice %arg8[%dma_wait3A_144, %dma_wait3A_145] : memref<125x128xf32, #tpu.memory_space<vmem>> -> memref<80x128xf32, #tpu.memory_space<vmem>>
      tpu.wait_dma2 semaphore(%run_scoped3A_122 : memref<!tpu.dma_semaphore, #tpu.memory_space<semaphore_mem>>) src(%dma_wait3A_146 : memref<80x128xf32, #tpu.memory_space<vmem>>) dst(%dma_wait3A_143 : memref<80x128xf32, #tpu.memory_space<hbm>>)
      tpu.yield
    }) : () -> ()
    %add3A_102 = arith.constant 240 : i32
    %add3A_103 = arith.addi %mul3A_2, %add3A_102 : i32
    "tpu.region"() ({
      %run_scoped3A_122 = tpu.sem_alloc : memref<!tpu.dma_semaphore, #tpu.memory_space<semaphore_mem>>
      %dma_start3A_123 = arith.constant 0 : i32
      %dma_start3A_124 = arith.constant 0 : i32
      %dma_start3A_125 = tpu.memref_slice %arg8[%dma_start3A_123, %dma_start3A_124] : memref<125x128xf32, #tpu.memory_space<vmem>> -> memref<80x128xf32, #tpu.memory_space<vmem>>
      %dma_start3A_126 = arith.constant 0 : i32
      %dma_start3A_127 = tpu.memref_slice %arg10[%add3A_103, %dma_start3A_126] : memref<10240x128xf32, #tpu.memory_space<vmem_shared>> -> memref<80x128xf32, #tpu.memory_space<vmem_shared>>
      %dma_start3A_128 = arith.constant 0 : i32
      %dma_start3A_129 = arith.constant 0 : i32
      %dma_start3A_130 = tpu.memref_slice %arg8[%dma_start3A_128, %dma_start3A_129] : memref<125x128xf32, #tpu.memory_space<vmem>> -> memref<80x128xf32, #tpu.memory_space<vmem>>
      %dma_start3A_131 = arith.constant 0 : i32
      %dma_start3A_132 = tpu.memref_slice %arg10[%add3A_103, %dma_start3A_131] : memref<10240x128xf32, #tpu.memory_space<vmem_shared>> -> memref<80x128xf32, #tpu.memory_space<vmem_shared>>
      tpu.enqueue_dma source(%dma_start3A_132 : memref<80x128xf32, #tpu.memory_space<vmem_shared>>) target(%dma_start3A_130 : memref<80x128xf32, #tpu.memory_space<vmem>>) target_semaphore(%run_scoped3A_122 : memref<!tpu.dma_semaphore, #tpu.memory_space<semaphore_mem>>)
      %dma_wait3A_133 = arith.constant 0 : i32
      %dma_wait3A_134 = arith.constant 0 : i32
      %dma_wait3A_135 = tpu.memref_slice %arg8[%dma_wait3A_133, %dma_wait3A_134] : memref<125x128xf32, #tpu.memory_space<vmem>> -> memref<80x128xf32, #tpu.memory_space<vmem>>
      %dma_wait3A_136 = arith.constant 0 : i32
      %dma_wait3A_137 = tpu.memref_slice %arg10[%add3A_103, %dma_wait3A_136] : memref<10240x128xf32, #tpu.memory_space<vmem_shared>> -> memref<80x128xf32, #tpu.memory_space<vmem_shared>>
      %dma_wait3A_138 = arith.constant 0 : i32
      %dma_wait3A_139 = arith.constant 0 : i32
      %dma_wait3A_140 = tpu.memref_slice %arg8[%dma_wait3A_138, %dma_wait3A_139] : memref<125x128xf32, #tpu.memory_space<vmem>> -> memref<80x128xf32, #tpu.memory_space<vmem>>
      %dma_wait3A_141 = arith.constant 0 : i32
      %dma_wait3A_142 = tpu.memref_slice %arg10[%add3A_103, %dma_wait3A_141] : memref<10240x128xf32, #tpu.memory_space<vmem_shared>> -> memref<80x128xf32, #tpu.memory_space<vmem_shared>>
      tpu.wait_dma2 semaphore(%run_scoped3A_122 : memref<!tpu.dma_semaphore, #tpu.memory_space<semaphore_mem>>) src(%dma_wait3A_142 : memref<80x128xf32, #tpu.memory_space<vmem_shared>>) dst(%dma_wait3A_140 : memref<80x128xf32, #tpu.memory_space<vmem>>)
      tpu.yield
    }) : () -> ()
    %add3A_104 = arith.constant 240 : i32
    %add3A_105 = arith.addi %mul3A_2, %add3A_104 : i32
    "tpu.region"() ({
      %run_scoped3A_122 = tpu.sem_alloc : memref<!tpu.dma_semaphore, #tpu.memory_space<semaphore_mem>>
      %dma_start3A_123 = arith.constant 0 : i32
      %dma_start3A_124 = arith.constant 0 : i32
      %dma_start3A_125 = tpu.memref_slice %arg8[%dma_start3A_123, %dma_start3A_124] : memref<125x128xf32, #tpu.memory_space<vmem>> -> memref<80x128xf32, #tpu.memory_space<vmem>>
      %dma_start3A_126 = arith.constant 0 : i32
      %dma_start3A_127 = tpu.memref_slice %arg5[%arg0, %add3A_105, %dma_start3A_126] : memref<2x10240x128xf32, #tpu.memory_space<hbm>> -> memref<1x80x128xf32, #tpu.memory_space<hbm>>
      %dma_start3A_128 = tpu.memref_squeeze %dma_start3A_127 : memref<1x80x128xf32, #tpu.memory_space<hbm>> -> memref<80x128xf32, #tpu.memory_space<hbm>>
      %dma_start3A_129 = arith.constant 0 : i32
      %dma_start3A_130 = tpu.memref_slice %arg5[%arg0, %add3A_105, %dma_start3A_129] : memref<2x10240x128xf32, #tpu.memory_space<hbm>> -> memref<1x80x128xf32, #tpu.memory_space<hbm>>
      %dma_start3A_131 = tpu.memref_squeeze %dma_start3A_130 : memref<1x80x128xf32, #tpu.memory_space<hbm>> -> memref<80x128xf32, #tpu.memory_space<hbm>>
      %dma_start3A_132 = arith.constant 0 : i32
      %dma_start3A_133 = arith.constant 0 : i32
      %dma_start3A_134 = tpu.memref_slice %arg8[%dma_start3A_132, %dma_start3A_133] : memref<125x128xf32, #tpu.memory_space<vmem>> -> memref<80x128xf32, #tpu.memory_space<vmem>>
      tpu.enqueue_dma source(%dma_start3A_134 : memref<80x128xf32, #tpu.memory_space<vmem>>) target(%dma_start3A_131 : memref<80x128xf32, #tpu.memory_space<hbm>>) target_semaphore(%run_scoped3A_122 : memref<!tpu.dma_semaphore, #tpu.memory_space<semaphore_mem>>)
      %dma_wait3A_135 = arith.constant 0 : i32
      %dma_wait3A_136 = arith.constant 0 : i32
      %dma_wait3A_137 = tpu.memref_slice %arg8[%dma_wait3A_135, %dma_wait3A_136] : memref<125x128xf32, #tpu.memory_space<vmem>> -> memref<80x128xf32, #tpu.memory_space<vmem>>
      %dma_wait3A_138 = arith.constant 0 : i32
      %dma_wait3A_139 = tpu.memref_slice %arg5[%arg0, %add3A_105, %dma_wait3A_138] : memref<2x10240x128xf32, #tpu.memory_space<hbm>> -> memref<1x80x128xf32, #tpu.memory_space<hbm>>
      %dma_wait3A_140 = tpu.memref_squeeze %dma_wait3A_139 : memref<1x80x128xf32, #tpu.memory_space<hbm>> -> memref<80x128xf32, #tpu.memory_space<hbm>>
      %dma_wait3A_141 = arith.constant 0 : i32
      %dma_wait3A_142 = tpu.memref_slice %arg5[%arg0, %add3A_105, %dma_wait3A_141] : memref<2x10240x128xf32, #tpu.memory_space<hbm>> -> memref<1x80x128xf32, #tpu.memory_space<hbm>>
      %dma_wait3A_143 = tpu.memref_squeeze %dma_wait3A_142 : memref<1x80x128xf32, #tpu.memory_space<hbm>> -> memref<80x128xf32, #tpu.memory_space<hbm>>
      %dma_wait3A_144 = arith.constant 0 : i32
      %dma_wait3A_145 = arith.constant 0 : i32
      %dma_wait3A_146 = tpu.memref_slice %arg8[%dma_wait3A_144, %dma_wait3A_145] : memref<125x128xf32, #tpu.memory_space<vmem>> -> memref<80x128xf32, #tpu.memory_space<vmem>>
      tpu.wait_dma2 semaphore(%run_scoped3A_122 : memref<!tpu.dma_semaphore, #tpu.memory_space<semaphore_mem>>) src(%dma_wait3A_146 : memref<80x128xf32, #tpu.memory_space<vmem>>) dst(%dma_wait3A_143 : memref<80x128xf32, #tpu.memory_space<hbm>>)
      tpu.yield
    }) : () -> ()
    %add3A_106 = arith.constant 320 : i32
    %add3A_107 = arith.addi %mul3A_2, %add3A_106 : i32
    "tpu.region"() ({
      %run_scoped3A_122 = tpu.sem_alloc : memref<!tpu.dma_semaphore, #tpu.memory_space<semaphore_mem>>
      %dma_start3A_123 = arith.constant 0 : i32
      %dma_start3A_124 = arith.constant 0 : i32
      %dma_start3A_125 = tpu.memref_slice %arg8[%dma_start3A_123, %dma_start3A_124] : memref<125x128xf32, #tpu.memory_space<vmem>> -> memref<80x128xf32, #tpu.memory_space<vmem>>
      %dma_start3A_126 = arith.constant 0 : i32
      %dma_start3A_127 = tpu.memref_slice %arg10[%add3A_107, %dma_start3A_126] : memref<10240x128xf32, #tpu.memory_space<vmem_shared>> -> memref<80x128xf32, #tpu.memory_space<vmem_shared>>
      %dma_start3A_128 = arith.constant 0 : i32
      %dma_start3A_129 = arith.constant 0 : i32
      %dma_start3A_130 = tpu.memref_slice %arg8[%dma_start3A_128, %dma_start3A_129] : memref<125x128xf32, #tpu.memory_space<vmem>> -> memref<80x128xf32, #tpu.memory_space<vmem>>
      %dma_start3A_131 = arith.constant 0 : i32
      %dma_start3A_132 = tpu.memref_slice %arg10[%add3A_107, %dma_start3A_131] : memref<10240x128xf32, #tpu.memory_space<vmem_shared>> -> memref<80x128xf32, #tpu.memory_space<vmem_shared>>
      tpu.enqueue_dma source(%dma_start3A_132 : memref<80x128xf32, #tpu.memory_space<vmem_shared>>) target(%dma_start3A_130 : memref<80x128xf32, #tpu.memory_space<vmem>>) target_semaphore(%run_scoped3A_122 : memref<!tpu.dma_semaphore, #tpu.memory_space<semaphore_mem>>)
      %dma_wait3A_133 = arith.constant 0 : i32
      %dma_wait3A_134 = arith.constant 0 : i32
      %dma_wait3A_135 = tpu.memref_slice %arg8[%dma_wait3A_133, %dma_wait3A_134] : memref<125x128xf32, #tpu.memory_space<vmem>> -> memref<80x128xf32, #tpu.memory_space<vmem>>
      %dma_wait3A_136 = arith.constant 0 : i32
      %dma_wait3A_137 = tpu.memref_slice %arg10[%add3A_107, %dma_wait3A_136] : memref<10240x128xf32, #tpu.memory_space<vmem_shared>> -> memref<80x128xf32, #tpu.memory_space<vmem_shared>>
      %dma_wait3A_138 = arith.constant 0 : i32
      %dma_wait3A_139 = arith.constant 0 : i32
      %dma_wait3A_140 = tpu.memref_slice %arg8[%dma_wait3A_138, %dma_wait3A_139] : memref<125x128xf32, #tpu.memory_space<vmem>> -> memref<80x128xf32, #tpu.memory_space<vmem>>
      %dma_wait3A_141 = arith.constant 0 : i32
      %dma_wait3A_142 = tpu.memref_slice %arg10[%add3A_107, %dma_wait3A_141] : memref<10240x128xf32, #tpu.memory_space<vmem_shared>> -> memref<80x128xf32, #tpu.memory_space<vmem_shared>>
      tpu.wait_dma2 semaphore(%run_scoped3A_122 : memref<!tpu.dma_semaphore, #tpu.memory_space<semaphore_mem>>) src(%dma_wait3A_142 : memref<80x128xf32, #tpu.memory_space<vmem_shared>>) dst(%dma_wait3A_140 : memref<80x128xf32, #tpu.memory_space<vmem>>)
      tpu.yield
    }) : () -> ()
    %add3A_108 = arith.constant 320 : i32
    %add3A_109 = arith.addi %mul3A_2, %add3A_108 : i32
    "tpu.region"() ({
      %run_scoped3A_122 = tpu.sem_alloc : memref<!tpu.dma_semaphore, #tpu.memory_space<semaphore_mem>>
      %dma_start3A_123 = arith.constant 0 : i32
      %dma_start3A_124 = arith.constant 0 : i32
      %dma_start3A_125 = tpu.memref_slice %arg8[%dma_start3A_123, %dma_start3A_124] : memref<125x128xf32, #tpu.memory_space<vmem>> -> memref<80x128xf32, #tpu.memory_space<vmem>>
      %dma_start3A_126 = arith.constant 0 : i32
      %dma_start3A_127 = tpu.memref_slice %arg5[%arg0, %add3A_109, %dma_start3A_126] : memref<2x10240x128xf32, #tpu.memory_space<hbm>> -> memref<1x80x128xf32, #tpu.memory_space<hbm>>
      %dma_start3A_128 = tpu.memref_squeeze %dma_start3A_127 : memref<1x80x128xf32, #tpu.memory_space<hbm>> -> memref<80x128xf32, #tpu.memory_space<hbm>>
      %dma_start3A_129 = arith.constant 0 : i32
      %dma_start3A_130 = tpu.memref_slice %arg5[%arg0, %add3A_109, %dma_start3A_129] : memref<2x10240x128xf32, #tpu.memory_space<hbm>> -> memref<1x80x128xf32, #tpu.memory_space<hbm>>
      %dma_start3A_131 = tpu.memref_squeeze %dma_start3A_130 : memref<1x80x128xf32, #tpu.memory_space<hbm>> -> memref<80x128xf32, #tpu.memory_space<hbm>>
      %dma_start3A_132 = arith.constant 0 : i32
      %dma_start3A_133 = arith.constant 0 : i32
      %dma_start3A_134 = tpu.memref_slice %arg8[%dma_start3A_132, %dma_start3A_133] : memref<125x128xf32, #tpu.memory_space<vmem>> -> memref<80x128xf32, #tpu.memory_space<vmem>>
      tpu.enqueue_dma source(%dma_start3A_134 : memref<80x128xf32, #tpu.memory_space<vmem>>) target(%dma_start3A_131 : memref<80x128xf32, #tpu.memory_space<hbm>>) target_semaphore(%run_scoped3A_122 : memref<!tpu.dma_semaphore, #tpu.memory_space<semaphore_mem>>)
      %dma_wait3A_135 = arith.constant 0 : i32
      %dma_wait3A_136 = arith.constant 0 : i32
      %dma_wait3A_137 = tpu.memref_slice %arg8[%dma_wait3A_135, %dma_wait3A_136] : memref<125x128xf32, #tpu.memory_space<vmem>> -> memref<80x128xf32, #tpu.memory_space<vmem>>
      %dma_wait3A_138 = arith.constant 0 : i32
      %dma_wait3A_139 = tpu.memref_slice %arg5[%arg0, %add3A_109, %dma_wait3A_138] : memref<2x10240x128xf32, #tpu.memory_space<hbm>> -> memref<1x80x128xf32, #tpu.memory_space<hbm>>
      %dma_wait3A_140 = tpu.memref_squeeze %dma_wait3A_139 : memref<1x80x128xf32, #tpu.memory_space<hbm>> -> memref<80x128xf32, #tpu.memory_space<hbm>>
      %dma_wait3A_141 = arith.constant 0 : i32
      %dma_wait3A_142 = tpu.memref_slice %arg5[%arg0, %add3A_109, %dma_wait3A_141] : memref<2x10240x128xf32, #tpu.memory_space<hbm>> -> memref<1x80x128xf32, #tpu.memory_space<hbm>>
      %dma_wait3A_143 = tpu.memref_squeeze %dma_wait3A_142 : memref<1x80x128xf32, #tpu.memory_space<hbm>> -> memref<80x128xf32, #tpu.memory_space<hbm>>
      %dma_wait3A_144 = arith.constant 0 : i32
      %dma_wait3A_145 = arith.constant 0 : i32
      %dma_wait3A_146 = tpu.memref_slice %arg8[%dma_wait3A_144, %dma_wait3A_145] : memref<125x128xf32, #tpu.memory_space<vmem>> -> memref<80x128xf32, #tpu.memory_space<vmem>>
      tpu.wait_dma2 semaphore(%run_scoped3A_122 : memref<!tpu.dma_semaphore, #tpu.memory_space<semaphore_mem>>) src(%dma_wait3A_146 : memref<80x128xf32, #tpu.memory_space<vmem>>) dst(%dma_wait3A_143 : memref<80x128xf32, #tpu.memory_space<hbm>>)
      tpu.yield
    }) : () -> ()
    %add3A_110 = arith.constant 400 : i32
    %add3A_111 = arith.addi %mul3A_2, %add3A_110 : i32
    "tpu.region"() ({
      %run_scoped3A_122 = tpu.sem_alloc : memref<!tpu.dma_semaphore, #tpu.memory_space<semaphore_mem>>
      %dma_start3A_123 = arith.constant 0 : i32
      %dma_start3A_124 = arith.constant 0 : i32
      %dma_start3A_125 = tpu.memref_slice %arg8[%dma_start3A_123, %dma_start3A_124] : memref<125x128xf32, #tpu.memory_space<vmem>> -> memref<80x128xf32, #tpu.memory_space<vmem>>
      %dma_start3A_126 = arith.constant 0 : i32
      %dma_start3A_127 = tpu.memref_slice %arg10[%add3A_111, %dma_start3A_126] : memref<10240x128xf32, #tpu.memory_space<vmem_shared>> -> memref<80x128xf32, #tpu.memory_space<vmem_shared>>
      %dma_start3A_128 = arith.constant 0 : i32
      %dma_start3A_129 = arith.constant 0 : i32
      %dma_start3A_130 = tpu.memref_slice %arg8[%dma_start3A_128, %dma_start3A_129] : memref<125x128xf32, #tpu.memory_space<vmem>> -> memref<80x128xf32, #tpu.memory_space<vmem>>
      %dma_start3A_131 = arith.constant 0 : i32
      %dma_start3A_132 = tpu.memref_slice %arg10[%add3A_111, %dma_start3A_131] : memref<10240x128xf32, #tpu.memory_space<vmem_shared>> -> memref<80x128xf32, #tpu.memory_space<vmem_shared>>
      tpu.enqueue_dma source(%dma_start3A_132 : memref<80x128xf32, #tpu.memory_space<vmem_shared>>) target(%dma_start3A_130 : memref<80x128xf32, #tpu.memory_space<vmem>>) target_semaphore(%run_scoped3A_122 : memref<!tpu.dma_semaphore, #tpu.memory_space<semaphore_mem>>)
      %dma_wait3A_133 = arith.constant 0 : i32
      %dma_wait3A_134 = arith.constant 0 : i32
      %dma_wait3A_135 = tpu.memref_slice %arg8[%dma_wait3A_133, %dma_wait3A_134] : memref<125x128xf32, #tpu.memory_space<vmem>> -> memref<80x128xf32, #tpu.memory_space<vmem>>
      %dma_wait3A_136 = arith.constant 0 : i32
      %dma_wait3A_137 = tpu.memref_slice %arg10[%add3A_111, %dma_wait3A_136] : memref<10240x128xf32, #tpu.memory_space<vmem_shared>> -> memref<80x128xf32, #tpu.memory_space<vmem_shared>>
      %dma_wait3A_138 = arith.constant 0 : i32
      %dma_wait3A_139 = arith.constant 0 : i32
      %dma_wait3A_140 = tpu.memref_slice %arg8[%dma_wait3A_138, %dma_wait3A_139] : memref<125x128xf32, #tpu.memory_space<vmem>> -> memref<80x128xf32, #tpu.memory_space<vmem>>
      %dma_wait3A_141 = arith.constant 0 : i32
      %dma_wait3A_142 = tpu.memref_slice %arg10[%add3A_111, %dma_wait3A_141] : memref<10240x128xf32, #tpu.memory_space<vmem_shared>> -> memref<80x128xf32, #tpu.memory_space<vmem_shared>>
      tpu.wait_dma2 semaphore(%run_scoped3A_122 : memref<!tpu.dma_semaphore, #tpu.memory_space<semaphore_mem>>) src(%dma_wait3A_142 : memref<80x128xf32, #tpu.memory_space<vmem_shared>>) dst(%dma_wait3A_140 : memref<80x128xf32, #tpu.memory_space<vmem>>)
      tpu.yield
    }) : () -> ()
    %add3A_112 = arith.constant 400 : i32
    %add3A_113 = arith.addi %mul3A_2, %add3A_112 : i32
    "tpu.region"() ({
      %run_scoped3A_122 = tpu.sem_alloc : memref<!tpu.dma_semaphore, #tpu.memory_space<semaphore_mem>>
      %dma_start3A_123 = arith.constant 0 : i32
      %dma_start3A_124 = arith.constant 0 : i32
      %dma_start3A_125 = tpu.memref_slice %arg8[%dma_start3A_123, %dma_start3A_124] : memref<125x128xf32, #tpu.memory_space<vmem>> -> memref<80x128xf32, #tpu.memory_space<vmem>>
      %dma_start3A_126 = arith.constant 0 : i32
      %dma_start3A_127 = tpu.memref_slice %arg5[%arg0, %add3A_113, %dma_start3A_126] : memref<2x10240x128xf32, #tpu.memory_space<hbm>> -> memref<1x80x128xf32, #tpu.memory_space<hbm>>
      %dma_start3A_128 = tpu.memref_squeeze %dma_start3A_127 : memref<1x80x128xf32, #tpu.memory_space<hbm>> -> memref<80x128xf32, #tpu.memory_space<hbm>>
      %dma_start3A_129 = arith.constant 0 : i32
      %dma_start3A_130 = tpu.memref_slice %arg5[%arg0, %add3A_113, %dma_start3A_129] : memref<2x10240x128xf32, #tpu.memory_space<hbm>> -> memref<1x80x128xf32, #tpu.memory_space<hbm>>
      %dma_start3A_131 = tpu.memref_squeeze %dma_start3A_130 : memref<1x80x128xf32, #tpu.memory_space<hbm>> -> memref<80x128xf32, #tpu.memory_space<hbm>>
      %dma_start3A_132 = arith.constant 0 : i32
      %dma_start3A_133 = arith.constant 0 : i32
      %dma_start3A_134 = tpu.memref_slice %arg8[%dma_start3A_132, %dma_start3A_133] : memref<125x128xf32, #tpu.memory_space<vmem>> -> memref<80x128xf32, #tpu.memory_space<vmem>>
      tpu.enqueue_dma source(%dma_start3A_134 : memref<80x128xf32, #tpu.memory_space<vmem>>) target(%dma_start3A_131 : memref<80x128xf32, #tpu.memory_space<hbm>>) target_semaphore(%run_scoped3A_122 : memref<!tpu.dma_semaphore, #tpu.memory_space<semaphore_mem>>)
      %dma_wait3A_135 = arith.constant 0 : i32
      %dma_wait3A_136 = arith.constant 0 : i32
      %dma_wait3A_137 = tpu.memref_slice %arg8[%dma_wait3A_135, %dma_wait3A_136] : memref<125x128xf32, #tpu.memory_space<vmem>> -> memref<80x128xf32, #tpu.memory_space<vmem>>
      %dma_wait3A_138 = arith.constant 0 : i32
      %dma_wait3A_139 = tpu.memref_slice %arg5[%arg0, %add3A_113, %dma_wait3A_138] : memref<2x10240x128xf32, #tpu.memory_space<hbm>> -> memref<1x80x128xf32, #tpu.memory_space<hbm>>
      %dma_wait3A_140 = tpu.memref_squeeze %dma_wait3A_139 : memref<1x80x128xf32, #tpu.memory_space<hbm>> -> memref<80x128xf32, #tpu.memory_space<hbm>>
      %dma_wait3A_141 = arith.constant 0 : i32
      %dma_wait3A_142 = tpu.memref_slice %arg5[%arg0, %add3A_113, %dma_wait3A_141] : memref<2x10240x128xf32, #tpu.memory_space<hbm>> -> memref<1x80x128xf32, #tpu.memory_space<hbm>>
      %dma_wait3A_143 = tpu.memref_squeeze %dma_wait3A_142 : memref<1x80x128xf32, #tpu.memory_space<hbm>> -> memref<80x128xf32, #tpu.memory_space<hbm>>
      %dma_wait3A_144 = arith.constant 0 : i32
      %dma_wait3A_145 = arith.constant 0 : i32
      %dma_wait3A_146 = tpu.memref_slice %arg8[%dma_wait3A_144, %dma_wait3A_145] : memref<125x128xf32, #tpu.memory_space<vmem>> -> memref<80x128xf32, #tpu.memory_space<vmem>>
      tpu.wait_dma2 semaphore(%run_scoped3A_122 : memref<!tpu.dma_semaphore, #tpu.memory_space<semaphore_mem>>) src(%dma_wait3A_146 : memref<80x128xf32, #tpu.memory_space<vmem>>) dst(%dma_wait3A_143 : memref<80x128xf32, #tpu.memory_space<hbm>>)
      tpu.yield
    }) : () -> ()
    %add3A_114 = arith.constant 480 : i32
    %add3A_115 = arith.addi %mul3A_2, %add3A_114 : i32
    "tpu.region"() ({
      %run_scoped3A_122 = tpu.sem_alloc : memref<!tpu.dma_semaphore, #tpu.memory_space<semaphore_mem>>
      %dma_start3A_123 = arith.constant 0 : i32
      %dma_start3A_124 = arith.constant 0 : i32
      %dma_start3A_125 = tpu.memref_slice %arg8[%dma_start3A_123, %dma_start3A_124] : memref<125x128xf32, #tpu.memory_space<vmem>> -> memref<80x128xf32, #tpu.memory_space<vmem>>
      %dma_start3A_126 = arith.constant 0 : i32
      %dma_start3A_127 = tpu.memref_slice %arg10[%add3A_115, %dma_start3A_126] : memref<10240x128xf32, #tpu.memory_space<vmem_shared>> -> memref<80x128xf32, #tpu.memory_space<vmem_shared>>
      %dma_start3A_128 = arith.constant 0 : i32
      %dma_start3A_129 = arith.constant 0 : i32
      %dma_start3A_130 = tpu.memref_slice %arg8[%dma_start3A_128, %dma_start3A_129] : memref<125x128xf32, #tpu.memory_space<vmem>> -> memref<80x128xf32, #tpu.memory_space<vmem>>
      %dma_start3A_131 = arith.constant 0 : i32
      %dma_start3A_132 = tpu.memref_slice %arg10[%add3A_115, %dma_start3A_131] : memref<10240x128xf32, #tpu.memory_space<vmem_shared>> -> memref<80x128xf32, #tpu.memory_space<vmem_shared>>
      tpu.enqueue_dma source(%dma_start3A_132 : memref<80x128xf32, #tpu.memory_space<vmem_shared>>) target(%dma_start3A_130 : memref<80x128xf32, #tpu.memory_space<vmem>>) target_semaphore(%run_scoped3A_122 : memref<!tpu.dma_semaphore, #tpu.memory_space<semaphore_mem>>)
      %dma_wait3A_133 = arith.constant 0 : i32
      %dma_wait3A_134 = arith.constant 0 : i32
      %dma_wait3A_135 = tpu.memref_slice %arg8[%dma_wait3A_133, %dma_wait3A_134] : memref<125x128xf32, #tpu.memory_space<vmem>> -> memref<80x128xf32, #tpu.memory_space<vmem>>
      %dma_wait3A_136 = arith.constant 0 : i32
      %dma_wait3A_137 = tpu.memref_slice %arg10[%add3A_115, %dma_wait3A_136] : memref<10240x128xf32, #tpu.memory_space<vmem_shared>> -> memref<80x128xf32, #tpu.memory_space<vmem_shared>>
      %dma_wait3A_138 = arith.constant 0 : i32
      %dma_wait3A_139 = arith.constant 0 : i32
      %dma_wait3A_140 = tpu.memref_slice %arg8[%dma_wait3A_138, %dma_wait3A_139] : memref<125x128xf32, #tpu.memory_space<vmem>> -> memref<80x128xf32, #tpu.memory_space<vmem>>
      %dma_wait3A_141 = arith.constant 0 : i32
      %dma_wait3A_142 = tpu.memref_slice %arg10[%add3A_115, %dma_wait3A_141] : memref<10240x128xf32, #tpu.memory_space<vmem_shared>> -> memref<80x128xf32, #tpu.memory_space<vmem_shared>>
      tpu.wait_dma2 semaphore(%run_scoped3A_122 : memref<!tpu.dma_semaphore, #tpu.memory_space<semaphore_mem>>) src(%dma_wait3A_142 : memref<80x128xf32, #tpu.memory_space<vmem_shared>>) dst(%dma_wait3A_140 : memref<80x128xf32, #tpu.memory_space<vmem>>)
      tpu.yield
    }) : () -> ()
    %add3A_116 = arith.constant 480 : i32
    %add3A_117 = arith.addi %mul3A_2, %add3A_116 : i32
    "tpu.region"() ({
      %run_scoped3A_122 = tpu.sem_alloc : memref<!tpu.dma_semaphore, #tpu.memory_space<semaphore_mem>>
      %dma_start3A_123 = arith.constant 0 : i32
      %dma_start3A_124 = arith.constant 0 : i32
      %dma_start3A_125 = tpu.memref_slice %arg8[%dma_start3A_123, %dma_start3A_124] : memref<125x128xf32, #tpu.memory_space<vmem>> -> memref<80x128xf32, #tpu.memory_space<vmem>>
      %dma_start3A_126 = arith.constant 0 : i32
      %dma_start3A_127 = tpu.memref_slice %arg5[%arg0, %add3A_117, %dma_start3A_126] : memref<2x10240x128xf32, #tpu.memory_space<hbm>> -> memref<1x80x128xf32, #tpu.memory_space<hbm>>
      %dma_start3A_128 = tpu.memref_squeeze %dma_start3A_127 : memref<1x80x128xf32, #tpu.memory_space<hbm>> -> memref<80x128xf32, #tpu.memory_space<hbm>>
      %dma_start3A_129 = arith.constant 0 : i32
      %dma_start3A_130 = tpu.memref_slice %arg5[%arg0, %add3A_117, %dma_start3A_129] : memref<2x10240x128xf32, #tpu.memory_space<hbm>> -> memref<1x80x128xf32, #tpu.memory_space<hbm>>
      %dma_start3A_131 = tpu.memref_squeeze %dma_start3A_130 : memref<1x80x128xf32, #tpu.memory_space<hbm>> -> memref<80x128xf32, #tpu.memory_space<hbm>>
      %dma_start3A_132 = arith.constant 0 : i32
      %dma_start3A_133 = arith.constant 0 : i32
      %dma_start3A_134 = tpu.memref_slice %arg8[%dma_start3A_132, %dma_start3A_133] : memref<125x128xf32, #tpu.memory_space<vmem>> -> memref<80x128xf32, #tpu.memory_space<vmem>>
      tpu.enqueue_dma source(%dma_start3A_134 : memref<80x128xf32, #tpu.memory_space<vmem>>) target(%dma_start3A_131 : memref<80x128xf32, #tpu.memory_space<hbm>>) target_semaphore(%run_scoped3A_122 : memref<!tpu.dma_semaphore, #tpu.memory_space<semaphore_mem>>)
      %dma_wait3A_135 = arith.constant 0 : i32
      %dma_wait3A_136 = arith.constant 0 : i32
      %dma_wait3A_137 = tpu.memref_slice %arg8[%dma_wait3A_135, %dma_wait3A_136] : memref<125x128xf32, #tpu.memory_space<vmem>> -> memref<80x128xf32, #tpu.memory_space<vmem>>
      %dma_wait3A_138 = arith.constant 0 : i32
      %dma_wait3A_139 = tpu.memref_slice %arg5[%arg0, %add3A_117, %dma_wait3A_138] : memref<2x10240x128xf32, #tpu.memory_space<hbm>> -> memref<1x80x128xf32, #tpu.memory_space<hbm>>
      %dma_wait3A_140 = tpu.memref_squeeze %dma_wait3A_139 : memref<1x80x128xf32, #tpu.memory_space<hbm>> -> memref<80x128xf32, #tpu.memory_space<hbm>>
      %dma_wait3A_141 = arith.constant 0 : i32
      %dma_wait3A_142 = tpu.memref_slice %arg5[%arg0, %add3A_117, %dma_wait3A_141] : memref<2x10240x128xf32, #tpu.memory_space<hbm>> -> memref<1x80x128xf32, #tpu.memory_space<hbm>>
      %dma_wait3A_143 = tpu.memref_squeeze %dma_wait3A_142 : memref<1x80x128xf32, #tpu.memory_space<hbm>> -> memref<80x128xf32, #tpu.memory_space<hbm>>
      %dma_wait3A_144 = arith.constant 0 : i32
      %dma_wait3A_145 = arith.constant 0 : i32
      %dma_wait3A_146 = tpu.memref_slice %arg8[%dma_wait3A_144, %dma_wait3A_145] : memref<125x128xf32, #tpu.memory_space<vmem>> -> memref<80x128xf32, #tpu.memory_space<vmem>>
      tpu.wait_dma2 semaphore(%run_scoped3A_122 : memref<!tpu.dma_semaphore, #tpu.memory_space<semaphore_mem>>) src(%dma_wait3A_146 : memref<80x128xf32, #tpu.memory_space<vmem>>) dst(%dma_wait3A_143 : memref<80x128xf32, #tpu.memory_space<hbm>>)
      tpu.yield
    }) : () -> ()
    %add3A_118 = arith.constant 560 : i32
    %add3A_119 = arith.addi %mul3A_2, %add3A_118 : i32
    "tpu.region"() ({
      %run_scoped3A_122 = tpu.sem_alloc : memref<!tpu.dma_semaphore, #tpu.memory_space<semaphore_mem>>
      %dma_start3A_123 = arith.constant 0 : i32
      %dma_start3A_124 = arith.constant 0 : i32
      %dma_start3A_125 = tpu.memref_slice %arg8[%dma_start3A_123, %dma_start3A_124] : memref<125x128xf32, #tpu.memory_space<vmem>> -> memref<80x128xf32, #tpu.memory_space<vmem>>
      %dma_start3A_126 = arith.constant 0 : i32
      %dma_start3A_127 = tpu.memref_slice %arg10[%add3A_119, %dma_start3A_126] : memref<10240x128xf32, #tpu.memory_space<vmem_shared>> -> memref<80x128xf32, #tpu.memory_space<vmem_shared>>
      %dma_start3A_128 = arith.constant 0 : i32
      %dma_start3A_129 = arith.constant 0 : i32
      %dma_start3A_130 = tpu.memref_slice %arg8[%dma_start3A_128, %dma_start3A_129] : memref<125x128xf32, #tpu.memory_space<vmem>> -> memref<80x128xf32, #tpu.memory_space<vmem>>
      %dma_start3A_131 = arith.constant 0 : i32
      %dma_start3A_132 = tpu.memref_slice %arg10[%add3A_119, %dma_start3A_131] : memref<10240x128xf32, #tpu.memory_space<vmem_shared>> -> memref<80x128xf32, #tpu.memory_space<vmem_shared>>
      tpu.enqueue_dma source(%dma_start3A_132 : memref<80x128xf32, #tpu.memory_space<vmem_shared>>) target(%dma_start3A_130 : memref<80x128xf32, #tpu.memory_space<vmem>>) target_semaphore(%run_scoped3A_122 : memref<!tpu.dma_semaphore, #tpu.memory_space<semaphore_mem>>)
      %dma_wait3A_133 = arith.constant 0 : i32
      %dma_wait3A_134 = arith.constant 0 : i32
      %dma_wait3A_135 = tpu.memref_slice %arg8[%dma_wait3A_133, %dma_wait3A_134] : memref<125x128xf32, #tpu.memory_space<vmem>> -> memref<80x128xf32, #tpu.memory_space<vmem>>
      %dma_wait3A_136 = arith.constant 0 : i32
      %dma_wait3A_137 = tpu.memref_slice %arg10[%add3A_119, %dma_wait3A_136] : memref<10240x128xf32, #tpu.memory_space<vmem_shared>> -> memref<80x128xf32, #tpu.memory_space<vmem_shared>>
      %dma_wait3A_138 = arith.constant 0 : i32
      %dma_wait3A_139 = arith.constant 0 : i32
      %dma_wait3A_140 = tpu.memref_slice %arg8[%dma_wait3A_138, %dma_wait3A_139] : memref<125x128xf32, #tpu.memory_space<vmem>> -> memref<80x128xf32, #tpu.memory_space<vmem>>
      %dma_wait3A_141 = arith.constant 0 : i32
      %dma_wait3A_142 = tpu.memref_slice %arg10[%add3A_119, %dma_wait3A_141] : memref<10240x128xf32, #tpu.memory_space<vmem_shared>> -> memref<80x128xf32, #tpu.memory_space<vmem_shared>>
      tpu.wait_dma2 semaphore(%run_scoped3A_122 : memref<!tpu.dma_semaphore, #tpu.memory_space<semaphore_mem>>) src(%dma_wait3A_142 : memref<80x128xf32, #tpu.memory_space<vmem_shared>>) dst(%dma_wait3A_140 : memref<80x128xf32, #tpu.memory_space<vmem>>)
      tpu.yield
    }) : () -> ()
    %add3A_120 = arith.constant 560 : i32
    %add3A_121 = arith.addi %mul3A_2, %add3A_120 : i32
    "tpu.region"() ({
      %run_scoped3A_122 = tpu.sem_alloc : memref<!tpu.dma_semaphore, #tpu.memory_space<semaphore_mem>>
      %dma_start3A_123 = arith.constant 0 : i32
      %dma_start3A_124 = arith.constant 0 : i32
      %dma_start3A_125 = tpu.memref_slice %arg8[%dma_start3A_123, %dma_start3A_124] : memref<125x128xf32, #tpu.memory_space<vmem>> -> memref<80x128xf32, #tpu.memory_space<vmem>>
      %dma_start3A_126 = arith.constant 0 : i32
      %dma_start3A_127 = tpu.memref_slice %arg5[%arg0, %add3A_121, %dma_start3A_126] : memref<2x10240x128xf32, #tpu.memory_space<hbm>> -> memref<1x80x128xf32, #tpu.memory_space<hbm>>
      %dma_start3A_128 = tpu.memref_squeeze %dma_start3A_127 : memref<1x80x128xf32, #tpu.memory_space<hbm>> -> memref<80x128xf32, #tpu.memory_space<hbm>>
      %dma_start3A_129 = arith.constant 0 : i32
      %dma_start3A_130 = tpu.memref_slice %arg5[%arg0, %add3A_121, %dma_start3A_129] : memref<2x10240x128xf32, #tpu.memory_space<hbm>> -> memref<1x80x128xf32, #tpu.memory_space<hbm>>
      %dma_start3A_131 = tpu.memref_squeeze %dma_start3A_130 : memref<1x80x128xf32, #tpu.memory_space<hbm>> -> memref<80x128xf32, #tpu.memory_space<hbm>>
      %dma_start3A_132 = arith.constant 0 : i32
      %dma_start3A_133 = arith.constant 0 : i32
      %dma_start3A_134 = tpu.memref_slice %arg8[%dma_start3A_132, %dma_start3A_133] : memref<125x128xf32, #tpu.memory_space<vmem>> -> memref<80x128xf32, #tpu.memory_space<vmem>>
      tpu.enqueue_dma source(%dma_start3A_134 : memref<80x128xf32, #tpu.memory_space<vmem>>) target(%dma_start3A_131 : memref<80x128xf32, #tpu.memory_space<hbm>>) target_semaphore(%run_scoped3A_122 : memref<!tpu.dma_semaphore, #tpu.memory_space<semaphore_mem>>)
      %dma_wait3A_135 = arith.constant 0 : i32
      %dma_wait3A_136 = arith.constant 0 : i32
      %dma_wait3A_137 = tpu.memref_slice %arg8[%dma_wait3A_135, %dma_wait3A_136] : memref<125x128xf32, #tpu.memory_space<vmem>> -> memref<80x128xf32, #tpu.memory_space<vmem>>
      %dma_wait3A_138 = arith.constant 0 : i32
      %dma_wait3A_139 = tpu.memref_slice %arg5[%arg0, %add3A_121, %dma_wait3A_138] : memref<2x10240x128xf32, #tpu.memory_space<hbm>> -> memref<1x80x128xf32, #tpu.memory_space<hbm>>
      %dma_wait3A_140 = tpu.memref_squeeze %dma_wait3A_139 : memref<1x80x128xf32, #tpu.memory_space<hbm>> -> memref<80x128xf32, #tpu.memory_space<hbm>>
      %dma_wait3A_141 = arith.constant 0 : i32
      %dma_wait3A_142 = tpu.memref_slice %arg5[%arg0, %add3A_121, %dma_wait3A_141] : memref<2x10240x128xf32, #tpu.memory_space<hbm>> -> memref<1x80x128xf32, #tpu.memory_space<hbm>>
      %dma_wait3A_143 = tpu.memref_squeeze %dma_wait3A_142 : memref<1x80x128xf32, #tpu.memory_space<hbm>> -> memref<80x128xf32, #tpu.memory_space<hbm>>
      %dma_wait3A_144 = arith.constant 0 : i32
      %dma_wait3A_145 = arith.constant 0 : i32
      %dma_wait3A_146 = tpu.memref_slice %arg8[%dma_wait3A_144, %dma_wait3A_145] : memref<125x128xf32, #tpu.memory_space<vmem>> -> memref<80x128xf32, #tpu.memory_space<vmem>>
      tpu.wait_dma2 semaphore(%run_scoped3A_122 : memref<!tpu.dma_semaphore, #tpu.memory_space<semaphore_mem>>) src(%dma_wait3A_146 : memref<80x128xf32, #tpu.memory_space<vmem>>) dst(%dma_wait3A_143 : memref<80x128xf32, #tpu.memory_space<hbm>>)
      tpu.yield
    }) : () -> ()
    return
  }
}

module attributes {stable_mosaic.version = 14 : i64} {
  func.func @_hs_body(%arg0: i32, %arg1: memref<2000x128xf32, #tpu.memory_space<vmem>>, %arg2: memref<128x128xf32, #tpu.memory_space<vmem>>, %arg3: memref<2000x2xf32, #tpu.memory_space<vmem>>, %arg4: memref<2000x128xf32, #tpu.memory_space<vmem>>) attributes {dimension_semantics = [#tpu.dimension_semantics<arbitrary>], iteration_bounds = array<i64: 5>, scalar_prefetch = 0 : i64, scratch_operands = 0 : i64, tpu.core_type = #tpu.core_type<tc>, window_params = [{transform_indices = @transform_0, window_bounds = array<i64: 2000, 128>}, {pipeline_mode = #tpu.pipeline_mode<synchronous>, transform_indices = @transform_1, window_bounds = array<i64: 128, 128>}, {transform_indices = @transform_2, window_bounds = array<i64: 2000, 2>}, {transform_indices = @transform_3, window_bounds = array<i64: 2000, 128>}]} {
    %get3A = arith.constant 0 : index
    %get3A_0 = arith.constant 0 : index
    %get3A_1 = vector.load %arg3[%get3A, %get3A_0] : memref<2000x2xf32, #tpu.memory_space<vmem>>, vector<2000x1xf32>
    %get3A_2 = vector.shape_cast %get3A_1 : vector<2000x1xf32> to vector<2000xf32>
    %get3A_3 = arith.constant 0 : index
    %get3A_4 = arith.constant 1 : index
    %get3A_5 = vector.load %arg3[%get3A_3, %get3A_4] : memref<2000x2xf32, #tpu.memory_space<vmem>>, vector<2000x1xf32>
    %get3A_6 = vector.shape_cast %get3A_5 : vector<2000x1xf32> to vector<2000xf32>
    %add3A = arith.addf %get3A_2, %get3A_6 : vector<2000xf32>
    %add3A_7 = arith.constant 1.000000e+00 : f32
    %add3A_8 = vector.broadcast %add3A_7 : f32 to vector<2000xf32>
    %add3A_9 = arith.addf %add3A, %add3A_8 : vector<2000xf32>
    %rsqrt3A = math.rsqrt %add3A_9 : vector<2000xf32>
    %get3A_10 = arith.constant 0 : index
    %get3A_11 = arith.constant 0 : index
    %get3A_12 = vector.load %arg1[%get3A_10, %get3A_11] : memref<2000x128xf32, #tpu.memory_space<vmem>>, vector<2000x128xf32>
    %get3A_13 = arith.constant 0 : index
    %get3A_14 = arith.constant 0 : index
    %get3A_15 = vector.load %arg2[%get3A_13, %get3A_14] : memref<128x128xf32, #tpu.memory_space<vmem>>, vector<128x128xf32>
    %dot_general3A = arith.constant dense<0.000000e+00> : vector<2000x128xf32>
    %dot_general3A_16 = tpu.matmul %get3A_12, %get3A_15, %dot_general3A {dimension_numbers = #tpu.dot_dimension_numbers<[1], [0], [0], [1], [0, 0, 1, 1], [], []>, precision = #tpu.contract_precision<fp32>, transpose_lhs_hint = false} : vector<2000x128xf32>, vector<128x128xf32>, vector<2000x128xf32> -> vector<2000x128xf32>
    %broadcast_in_dim3A = vector.shape_cast %rsqrt3A : vector<2000xf32> to vector<2000x1xf32>
    %mul3A = vector.broadcast %broadcast_in_dim3A : vector<2000x1xf32> to vector<2000x128xf32>
    %mul3A_17 = arith.mulf %dot_general3A_16, %mul3A : vector<2000x128xf32>
    %swap3A = arith.constant 0 : index
    %swap3A_18 = arith.constant 0 : index
    %swap3A_19 = vector.load %arg4[%swap3A, %swap3A_18] : memref<2000x128xf32, #tpu.memory_space<vmem>>, vector<2000x128xf32>
    tpu.vector_store %arg4[%swap3A, %swap3A_18], %mul3A_17 {strides = array<i32>} : memref<2000x128xf32, #tpu.memory_space<vmem>>, vector<2000x128xf32>,
    return
  }
  func.func @transform_0(%arg0: i32) -> (i32, i32) {
    %c0_i32 = arith.constant 0 : i32
    %c0_i32_0 = arith.constant 0 : i32
    return %arg0, %c0_i32 : i32, i32
  }
  func.func @transform_1(%arg0: i32) -> (i32, i32) {
    %c0_i32 = arith.constant 0 : i32
    %c0_i32_0 = arith.constant 0 : i32
    %c0_i32_1 = arith.constant 0 : i32
    return %c0_i32, %c0_i32_0 : i32, i32
  }
  func.func @transform_2(%arg0: i32) -> (i32, i32) {
    %c0_i32 = arith.constant 0 : i32
    %c0_i32_0 = arith.constant 0 : i32
    return %arg0, %c0_i32 : i32, i32
  }
  func.func @transform_3(%arg0: i32) -> (i32, i32) {
    %c0_i32 = arith.constant 0 : i32
    %c0_i32_0 = arith.constant 0 : i32
    return %arg0, %c0_i32 : i32, i32
  }
}

module attributes {stable_mosaic.version = 14 : i64} {
  func.func @_epi_body(%arg0: i32, %arg1: memref<2x2000x128xf32, #tpu.memory_space<vmem>>, %arg2: memref<2000x128xf32, #tpu.memory_space<vmem>>, %arg3: memref<2000x128xf32, #tpu.memory_space<vmem>>, %arg4: memref<2000x2xf32, #tpu.memory_space<vmem>>, %arg5: memref<1x128xf32, #tpu.memory_space<vmem>>, %arg6: memref<128x512xf32, #tpu.memory_space<vmem>>, %arg7: memref<1x512xf32, #tpu.memory_space<vmem>>, %arg8: memref<512x256xf32, #tpu.memory_space<vmem>>, %arg9: memref<1x256xf32, #tpu.memory_space<vmem>>, %arg10: memref<256x1xf32, #tpu.memory_space<vmem>>, %arg11: memref<1x1xf32, #tpu.memory_space<vmem>>, %arg12: memref<1x1xf32, #tpu.memory_space<vmem>>, %arg13: memref<1x128xf32, #tpu.memory_space<vmem>>) attributes {dimension_semantics = [#tpu.dimension_semantics<arbitrary>], iteration_bounds = array<i64: 5>, scalar_prefetch = 0 : i64, scratch_operands = 1 : i64, tpu.core_type = #tpu.core_type<tc>, window_params = [{transform_indices = @transform_0, window_bounds = array<i64: 2, 2000, 128>}, {transform_indices = @transform_1, window_bounds = array<i64: 2000, 128>}, {transform_indices = @transform_2, window_bounds = array<i64: 2000, 128>}, {transform_indices = @transform_3, window_bounds = array<i64: 2000, 2>}, {pipeline_mode = #tpu.pipeline_mode<synchronous>, transform_indices = @transform_4, window_bounds = array<i64: 1, 128>}, {pipeline_mode = #tpu.pipeline_mode<synchronous>, transform_indices = @transform_5, window_bounds = array<i64: 128, 512>}, {pipeline_mode = #tpu.pipeline_mode<synchronous>, transform_indices = @transform_6, window_bounds = array<i64: 1, 512>}, {pipeline_mode = #tpu.pipeline_mode<synchronous>, transform_indices = @transform_7, window_bounds = array<i64: 512, 256>}, {pipeline_mode = #tpu.pipeline_mode<synchronous>, transform_indices = @transform_8, window_bounds = array<i64: 1, 256>}, {pipeline_mode = #tpu.pipeline_mode<synchronous>, transform_indices = @transform_9, window_bounds = array<i64: 256, 1>}, {pipeline_mode = #tpu.pipeline_mode<synchronous>, transform_indices = @transform_10, window_bounds = array<i64: 1, 1>}, {pipeline_mode = #tpu.pipeline_mode<synchronous>, transform_indices = @transform_11, window_bounds = array<i64: 1, 1>}]} {
    %eq3A = arith.constant 0 : i32
    %eq3A_0 = arith.cmpi eq, %arg0, %eq3A : i32
    %convert_element_type3A = arith.extui %eq3A_0 : i1 to i32
    %cond3A = arith.constant 0 : i32
    %cond3A_1 = arith.cmpi ne, %convert_element_type3A, %cond3A : i32
    scf.if %cond3A_1 {
      %broadcast_in_dim3A_52 = arith.constant 0.000000e+00 : f32
      %broadcast_in_dim3A_53 = vector.broadcast %broadcast_in_dim3A_52 : f32 to vector<1x128xf32>
      %swap3A_54 = arith.constant 0 : index
      %swap3A_55 = arith.constant 0 : index
      %swap3A_56 = vector.load %arg13[%swap3A_54, %swap3A_55] : memref<1x128xf32, #tpu.memory_space<vmem>>, vector<1x128xf32>
      tpu.vector_store %arg13[%swap3A_54, %swap3A_55], %broadcast_in_dim3A_53 {strides = array<i32>} : memref<1x128xf32, #tpu.memory_space<vmem>>, vector<1x128xf32>,
    } else {
    }
    %get3A = arith.constant 0 : index
    %get3A_2 = arith.constant 0 : index
    %get3A_3 = vector.load %arg4[%get3A, %get3A_2] : memref<2000x2xf32, #tpu.memory_space<vmem>>, vector<2000x1xf32>
    %get3A_4 = vector.shape_cast %get3A_3 : vector<2000x1xf32> to vector<2000xf32>
    %get3A_5 = arith.constant 0 : index
    %get3A_6 = arith.constant 1 : index
    %get3A_7 = vector.load %arg4[%get3A_5, %get3A_6] : memref<2000x2xf32, #tpu.memory_space<vmem>>, vector<2000x1xf32>
    %get3A_8 = vector.shape_cast %get3A_7 : vector<2000x1xf32> to vector<2000xf32>
    %add3A = arith.addf %get3A_4, %get3A_8 : vector<2000xf32>
    %add3A_9 = arith.constant 1.000000e+00 : f32
    %add3A_10 = vector.broadcast %add3A_9 : f32 to vector<2000xf32>
    %add3A_11 = arith.addf %add3A, %add3A_10 : vector<2000xf32>
    %rsqrt3A = math.rsqrt %add3A_11 : vector<2000xf32>
    %get3A_12 = arith.constant 0 : index
    %get3A_13 = arith.constant 0 : index
    %get3A_14 = arith.constant 0 : index
    %get3A_15 = vector.load %arg1[%get3A_12, %get3A_13, %get3A_14] : memref<2x2000x128xf32, #tpu.memory_space<vmem>>, vector<1x2000x128xf32>
    %get3A_16 = vector.shape_cast %get3A_15 : vector<1x2000x128xf32> to vector<2000x128xf32>
    %get3A_17 = arith.constant 1 : index
    %get3A_18 = arith.constant 0 : index
    %get3A_19 = arith.constant 0 : index
    %get3A_20 = vector.load %arg1[%get3A_17, %get3A_18, %get3A_19] : memref<2x2000x128xf32, #tpu.memory_space<vmem>>, vector<1x2000x128xf32>
    %get3A_21 = vector.shape_cast %get3A_20 : vector<1x2000x128xf32> to vector<2000x128xf32>
    %add3A_22 = arith.addf %get3A_16, %get3A_21 : vector<2000x128xf32>
    %get3A_23 = arith.constant 0 : index
    %get3A_24 = arith.constant 0 : index
    %get3A_25 = vector.load %arg2[%get3A_23, %get3A_24] : memref<2000x128xf32, #tpu.memory_space<vmem>>, vector<2000x128xf32>
    %add3A_26 = arith.addf %add3A_22, %get3A_25 : vector<2000x128xf32>
    %broadcast_in_dim3A = vector.shape_cast %rsqrt3A : vector<2000xf32> to vector<2000x1xf32>
    %mul3A = vector.broadcast %broadcast_in_dim3A : vector<2000x1xf32> to vector<2000x128xf32>
    %mul3A_27 = arith.mulf %mul3A, %add3A_26 : vector<2000x128xf32>
    %get3A_28 = arith.constant 0 : index
    %get3A_29 = arith.constant 0 : index
    %get3A_30 = vector.load %arg5[%get3A_28, %get3A_29] : memref<1x128xf32, #tpu.memory_space<vmem>>, vector<1x128xf32>
    %add3A_31 = vector.broadcast %get3A_30 : vector<1x128xf32> to vector<2000x128xf32>
    %add3A_32 = arith.addf %mul3A_27, %add3A_31 : vector<2000x128xf32>
    %max3A = arith.constant 0.000000e+00 : f32
    %max3A_33 = vector.broadcast %max3A : f32 to vector<2000x128xf32>
    %max3A_34 = arith.maximumf %add3A_32, %max3A_33 : vector<2000x128xf32>
    %get3A_35 = arith.constant 0 : index
    %get3A_36 = arith.constant 0 : index
    %get3A_37 = vector.load %arg3[%get3A_35, %get3A_36] : memref<2000x128xf32, #tpu.memory_space<vmem>>, vector<2000x128xf32>
    %add3A_38 = arith.addf %max3A_34, %get3A_37 : vector<2000x128xf32>
    %get3A_39 = arith.constant 0 : index
    %get3A_40 = arith.constant 0 : index
    %get3A_41 = vector.load %arg13[%get3A_39, %get3A_40] : memref<1x128xf32, #tpu.memory_space<vmem>>, vector<1x128xf32>
    %reduce_sum3A = arith.constant dense<0.000000e+00> : vector<128xf32>
    %reduce_sum3A_42 = vector.multi_reduction <add>, %add3A_38, %reduce_sum3A [0] : vector<2000x128xf32> to vector<128xf32>
    %broadcast_in_dim3A_43 = vector.shape_cast %reduce_sum3A_42 : vector<128xf32> to vector<1x128xf32>
    %add3A_44 = arith.addf %get3A_41, %broadcast_in_dim3A_43 : vector<1x128xf32>
    %swap3A = arith.constant 0 : index
    %swap3A_45 = arith.constant 0 : index
    %swap3A_46 = vector.load %arg13[%swap3A, %swap3A_45] : memref<1x128xf32, #tpu.memory_space<vmem>>, vector<1x128xf32>
    tpu.vector_store %arg13[%swap3A, %swap3A_45], %add3A_44 {strides = array<i32>} : memref<1x128xf32, #tpu.memory_space<vmem>>, vector<1x128xf32>,
    %eq3A_47 = arith.constant 4 : i32
    %eq3A_48 = arith.cmpi eq, %arg0, %eq3A_47 : i32
    %convert_element_type3A_49 = arith.extui %eq3A_48 : i1 to i32
    %cond3A_50 = arith.constant 0 : i32
    %cond3A_51 = arith.cmpi ne, %convert_element_type3A_49, %cond3A_50 : i32
    scf.if %cond3A_51 {
      %get3A_52 = arith.constant 0 : index
      %get3A_53 = arith.constant 0 : index
      %get3A_54 = vector.load %arg13[%get3A_52, %get3A_53] : memref<1x128xf32, #tpu.memory_space<vmem>>, vector<1x128xf32>
      %get3A_55 = arith.constant 0 : index
      %get3A_56 = arith.constant 0 : index
      %get3A_57 = vector.load %arg6[%get3A_55, %get3A_56] : memref<128x512xf32, #tpu.memory_space<vmem>>, vector<128x512xf32>
      %dot_general3A = arith.constant dense<0.000000e+00> : vector<1x512xf32>
      %dot_general3A_58 = tpu.matmul %get3A_54, %get3A_57, %dot_general3A {dimension_numbers = #tpu.dot_dimension_numbers<[1], [0], [0], [1], [0, 0, 1, 1], [], []>, precision = #tpu.contract_precision<fp32>, transpose_lhs_hint = false} : vector<1x128xf32>, vector<128x512xf32>, vector<1x512xf32> -> vector<1x512xf32>
      %get3A_59 = arith.constant 0 : index
      %get3A_60 = arith.constant 0 : index
      %get3A_61 = vector.load %arg7[%get3A_59, %get3A_60] : memref<1x512xf32, #tpu.memory_space<vmem>>, vector<1x512xf32>
      %add3A_62 = arith.addf %dot_general3A_58, %get3A_61 : vector<1x512xf32>
      %max3A_63 = arith.constant 0.000000e+00 : f32
      %max3A_64 = vector.broadcast %max3A_63 : f32 to vector<1x512xf32>
      %max3A_65 = arith.maximumf %add3A_62, %max3A_64 : vector<1x512xf32>
      %get3A_66 = arith.constant 0 : index
      %get3A_67 = arith.constant 0 : index
      %get3A_68 = vector.load %arg8[%get3A_66, %get3A_67] : memref<512x256xf32, #tpu.memory_space<vmem>>, vector<512x256xf32>
      %dot_general3A_69 = arith.constant dense<0.000000e+00> : vector<1x256xf32>
      %dot_general3A_70 = tpu.matmul %max3A_65, %get3A_68, %dot_general3A_69 {dimension_numbers = #tpu.dot_dimension_numbers<[1], [0], [0], [1], [0, 0, 1, 1], [], []>, precision = #tpu.contract_precision<fp32>, transpose_lhs_hint = false} : vector<1x512xf32>, vector<512x256xf32>, vector<1x256xf32> -> vector<1x256xf32>
      %get3A_71 = arith.constant 0 : index
      %get3A_72 = arith.constant 0 : index
      %get3A_73 = vector.load %arg9[%get3A_71, %get3A_72] : memref<1x256xf32, #tpu.memory_space<vmem>>, vector<1x256xf32>
      %add3A_74 = arith.addf %dot_general3A_70, %get3A_73 : vector<1x256xf32>
      %max3A_75 = arith.constant 0.000000e+00 : f32
      %max3A_76 = vector.broadcast %max3A_75 : f32 to vector<1x256xf32>
      %max3A_77 = arith.maximumf %add3A_74, %max3A_76 : vector<1x256xf32>
      %get3A_78 = arith.constant 0 : index
      %get3A_79 = arith.constant 0 : index
      %get3A_80 = vector.load %arg10[%get3A_78, %get3A_79] : memref<256x1xf32, #tpu.memory_space<vmem>>, vector<256x1xf32>
      %dot_general3A_81 = arith.constant dense<0.000000e+00> : vector<1x1xf32>
      %dot_general3A_82 = tpu.matmul %max3A_77, %get3A_80, %dot_general3A_81 {dimension_numbers = #tpu.dot_dimension_numbers<[1], [0], [0], [1], [0, 0, 1, 1], [], []>, precision = #tpu.contract_precision<fp32>, transpose_lhs_hint = false} : vector<1x256xf32>, vector<256x1xf32>, vector<1x1xf32> -> vector<1x1xf32>
      %get3A_83 = arith.constant 0 : index
      %get3A_84 = arith.constant 0 : index
      %get3A_85 = vector.load %arg11[%get3A_83, %get3A_84] : memref<1x1xf32, #tpu.memory_space<vmem>>, vector<1x1xf32>
      %add3A_86 = arith.addf %dot_general3A_82, %get3A_85 : vector<1x1xf32>
      %swap3A_87 = arith.constant 0 : index
      %swap3A_88 = arith.constant 0 : index
      %swap3A_89 = vector.load %arg12[%swap3A_87, %swap3A_88] : memref<1x1xf32, #tpu.memory_space<vmem>>, vector<1x1xf32>
      tpu.vector_store %arg12[%swap3A_87, %swap3A_88], %add3A_86 {strides = array<i32>} : memref<1x1xf32, #tpu.memory_space<vmem>>, vector<1x1xf32>,
    } else {
    }
    return
  }
  func.func @transform_0(%arg0: i32) -> (i32, i32, i32) {
    %c0_i32 = arith.constant 0 : i32
    %c0_i32_0 = arith.constant 0 : i32
    %c0_i32_1 = arith.constant 0 : i32
    return %c0_i32, %arg0, %c0_i32_0 : i32, i32, i32
  }
  func.func @transform_1(%arg0: i32) -> (i32, i32) {
    %c0_i32 = arith.constant 0 : i32
    %c0_i32_0 = arith.constant 0 : i32
    return %arg0, %c0_i32 : i32, i32
  }
  func.func @transform_2(%arg0: i32) -> (i32, i32) {
    %c0_i32 = arith.constant 0 : i32
    %c0_i32_0 = arith.constant 0 : i32
    return %arg0, %c0_i32 : i32, i32
  }
  func.func @transform_3(%arg0: i32) -> (i32, i32) {
    %c0_i32 = arith.constant 0 : i32
    %c0_i32_0 = arith.constant 0 : i32
    return %arg0, %c0_i32 : i32, i32
  }
  func.func @transform_4(%arg0: i32) -> (i32, i32) {
    %c0_i32 = arith.constant 0 : i32
    %c0_i32_0 = arith.constant 0 : i32
    %c0_i32_1 = arith.constant 0 : i32
    return %c0_i32, %c0_i32_0 : i32, i32
  }
  func.func @transform_5(%arg0: i32) -> (i32, i32) {
    %c0_i32 = arith.constant 0 : i32
    %c0_i32_0 = arith.constant 0 : i32
    %c0_i32_1 = arith.constant 0 : i32
    return %c0_i32, %c0_i32_0 : i32, i32
  }
  func.func @transform_6(%arg0: i32) -> (i32, i32) {
    %c0_i32 = arith.constant 0 : i32
    %c0_i32_0 = arith.constant 0 : i32
    %c0_i32_1 = arith.constant 0 : i32
    return %c0_i32, %c0_i32_0 : i32, i32
  }
  func.func @transform_7(%arg0: i32) -> (i32, i32) {
    %c0_i32 = arith.constant 0 : i32
    %c0_i32_0 = arith.constant 0 : i32
    %c0_i32_1 = arith.constant 0 : i32
    return %c0_i32, %c0_i32_0 : i32, i32
  }
  func.func @transform_8(%arg0: i32) -> (i32, i32) {
    %c0_i32 = arith.constant 0 : i32
    %c0_i32_0 = arith.constant 0 : i32
    %c0_i32_1 = arith.constant 0 : i32
    return %c0_i32, %c0_i32_0 : i32, i32
  }
  func.func @transform_9(%arg0: i32) -> (i32, i32) {
    %c0_i32 = arith.constant 0 : i32
    %c0_i32_0 = arith.constant 0 : i32
    %c0_i32_1 = arith.constant 0 : i32
    return %c0_i32, %c0_i32_0 : i32, i32
  }
  func.func @transform_10(%arg0: i32) -> (i32, i32) {
    %c0_i32 = arith.constant 0 : i32
    %c0_i32_0 = arith.constant 0 : i32
    %c0_i32_1 = arith.constant 0 : i32
    return %c0_i32, %c0_i32_0 : i32, i32
  }
  func.func @transform_11(%arg0: i32) -> (i32, i32) {
    %c0_i32 = arith.constant 0 : i32
    %c0_i32_0 = arith.constant 0 : i32
    %c0_i32_1 = arith.constant 0 : i32
    return %c0_i32, %c0_i32_0 : i32, i32
  }
}

</mosaic_0001>

<sc_bundles>
// kernel: kernel.6.cloned.1.call-start
scs
__scs_entry_jumppad:
0x0: {  	(pc) =	sbr.rel $0x88, $3  }
0x1: {  	(tag) =	ssettag $0x0;
	lr =	simm.s32 $0x1  }
0x2: {  	[smem:$0x3F97] =	sst lr;
	_ =	strace $0xD0000000  }
0x3: {  	_ = 	snop  }
0x4: {  	_ = 	snop  }
0x5: {  	_ = 	snop  }
0x6: {  	_ = 	snop  }
0x7: {  	_ = 	snop  }
__scs_overlays_trampoline_lowered:
0x8: {  	[smem:$0x3FA6] =	sst s0  }
0x9: {  	[smem:$0x3FA7] =	sst s1  }
0xa: {  	[smem:$0x3FA8] =	sst s2  }
0xb: {  	[smem:$0x3FA9] =	sst s3  }
0xc: {  	[smem:$0x3FAA] =	sst s4  }
0xd: {  	[smem:$0x3FAB] =	sst s5  }
0xe: {  	[smem:$0x3FAC] =	sst s6  }
0xf: {  	[smem:$0x3FAD] =	sst s7  }
0x10: {  	[smem:$0x3FAE] =	sst s8  }
0x11: {  	[smem:$0x3FAF] =	sst s9;
	s0 =	simm.s32 @!p0 $0x0  }
0x12: {  	s1 =	sld [smem:$0x3F95];
	s0 =	simm.s32 @p0 $0x1  }
0x13: {  	[smem:$0x3FB0] =	sst s0;
	s0 =	simm.s32 @!p1 $0x0  }
0x14: {  	s2 =	sld [smem:$0x3F94];
	s0 =	simm.s32 @p1 $0x1  }
0x15: {  	[smem:$0x3FB1] =	sst s0;
	s0 =	simm.s32 @!p2 $0x0  }
0x16: {  	s3 =	sld [smem:$0x3FDB];
	s0 =	simm.s32 @p2 $0x1  }
0x17: {  	s4 =	simm.s32 $0x1BF5;
	[smem:$0x3FB3] =	sst s0  }
0x18: {  	s0 =	sld [smem:$0x3F96];
	_ =	swait.ge [sflag:s4], $0x0  }
0x19: {  	s7 =	sld [smem:$0x3F97]  }
0x1a: {  	s8 =	sadd.s32 $0xFFFFE003, lr  }
0x1b: {  	s9 =	sadd.s32 $0xFFFFFEF7, lr;
	s5 =	simm.s32 $0xFFFFFFFF;
	p2 =	slt.u32 s8, $0xFFFFF086  }
0x1c: {  	p1 =	slt.u32 s9, $0xF7A;
	s5 =	simm.s32 @!p2 $0x0  }
0x1d: {  	s5 =	simm.s32 @p1 $0x1;
	p0 =	seq.s32 s7, s2  }
0x1e: {  	s7 =	smul.u32 @!p0 $0xF7A, s2;
	p2 =	seq.s32 @!p0 s5, $0x0  }
0x1f: {  	s9 =	smul.u32 $0xF7A, s1;
	s8 =	simm.s32 @!p0 $0x1BF5;
	p2 =	por !p2, p0  }
0x20: {  	[sflag:s8] =	ssyncset.s32 @!p0 $0xFFFFF086;
	s6 =	sadd.s32 @!p0 s3, s7;
	s7 =	simm.s32 @!p0 $0x108  }
0x21: {  	s3 =	sadd.s32 s3, s9;
	s6 =	sadd.s32 @!p0 $0x88, s6;
	s7 =	simm.s32 @p2 $0x1082  }
0x22: {  	[simem:s7], [sflag:s8] =	dma.local @!p0 [hbm:s6], $0xF7A  }
0x23: {  	s9 =	sor.u32 $0xD0000000, s2;
	s6 =	simm.s32 $0x108;
	_ =	swait.ge @!p0 [sflag:s8], $0x0  }
0x24: {  	s3 =	sadd.s32 $0x88, s3;
	s6 =	simm.s32 @!p1 $0x1082;
	[sflag:s4] =	ssyncset.s32 $0xFFFFF086  }
0x25: {  	[simem:s6], [sflag:s4] =	dma.local [hbm:s3], $0xF7A  }
0x26: {  	[smem:$0x3F97] =	sst s1;
	(tag) =	ssettag s2;
	_ =	strace s9  }
0x27: {  	s1 =	sld [smem:$0x3FA7]  }
0x28: {  	s2 =	sld [smem:$0x3FA8]  }
0x29: {  	s4 =	sld [smem:$0x3FAA]  }
0x2a: {  	p0 =	seq.s32 s5, $0x0;
	s5 =	sld [smem:$0x3FAB]  }
0x2b: {  	s6 =	sld [smem:$0x3FAC]  }
0x2c: {  	s7 =	sld [smem:$0x3FAD]  }
0x2d: {  	s3 =	simm.s32 $0x108;
	s8 =	sld [smem:$0x3FAE]  }
0x2e: {  	s3 =	simm.s32 @!p0 $0x1082;
	s9 =	sld [smem:$0x3FAF]  }
0x2f: {  	lr =	sadd.s32 s0, s3;
	s0 =	sld [smem:$0x3FA6]  }
0x30: {  	s3 =	sld [smem:$0x3FA9]  }
0x31: {  	[smem:$0x3FB2] =	sst s10  }
0x32: {  	s10 =	sld [smem:$0x3FB0];
	_ =	sdelay $0x3  }
0x33: {  	p0 =	seq.s32 s10, $0x1;
	s10 =	sld [smem:$0x3FB2];
	_ =	sdelay $0x3  }
0x34: {  	[smem:$0x3FB2] =	sst s10  }
0x35: {  	s10 =	sld [smem:$0x3FB1];
	_ =	sdelay $0x3  }
0x36: {  	p1 =	seq.s32 s10, $0x1;
	s10 =	sld [smem:$0x3FB2];
	_ =	sdelay $0x3  }
0x37: {  	[smem:$0x3FB2] =	sst s10  }
0x38: {  	s10 =	sld [smem:$0x3FB3]  }
0x39: {  	_ = 	snop;
	(pc) =	sbr.ind lr, $3  }
0x3a: {  	_ = 	snop  }
0x3b: {  	_ = 	snop  }
0x3c: {  	p2 =	seq.s32 s10, $0x1;
	s10 =	sld [smem:$0x3FB2]  }
0x3d: {  	_ =	shalt  }
0x3e: {  	_ =	shalt  }
0x3f: {  	_ =	shalt  }
0x40: {  	_ =	shalt  }
0x41: {  	_ =	shalt  }
0x42: {  	_ =	shalt  }
0x43: {  	_ =	shalt  }
0x44: {  	_ =	shalt  }
0x45: {  	_ =	shalt  }
0x46: {  	_ =	shalt  }
0x47: {  	_ =	shalt  }
0x48: {  	_ =	shalt  }
0x49: {  	_ =	shalt  }
0x4a: {  	_ =	shalt  }
0x4b: {  	_ =	shalt  }
0x4c: {  	_ =	shalt  }
0x4d: {  	_ =	shalt  }
0x4e: {  	_ =	shalt  }
0x4f: {  	_ =	shalt  }
0x50: {  	_ =	shalt  }
0x51: {  	_ =	shalt  }
0x52: {  	_ =	shalt  }
0x53: {  	_ =	shalt  }
0x54: {  	_ =	shalt  }
0x55: {  	_ =	shalt  }
0x56: {  	_ =	shalt  }
0x57: {  	_ =	shalt  }
0x58: {  	_ =	shalt  }
0x59: {  	_ =	shalt  }
0x5a: {  	_ =	shalt  }
0x5b: {  	_ =	shalt  }
0x5c: {  	_ =	shalt  }
0x5d: {  	_ =	shalt  }
0x5e: {  	_ =	shalt  }
0x5f: {  	_ =	shalt  }
0x60: {  	_ =	shalt  }
0x61: {  	_ =	shalt  }
0x62: {  	_ =	shalt  }
0x63: {  	_ =	shalt  }
0x64: {  	_ =	shalt  }
0x65: {  	_ =	shalt  }
0x66: {  	_ =	shalt  }
0x67: {  	_ =	shalt  }
0x68: {  	_ =	shalt  }
0x69: {  	_ =	shalt  }
0x6a: {  	_ =	shalt  }
0x6b: {  	_ =	shalt  }
0x6c: {  	_ =	shalt  }
0x6d: {  	_ =	shalt  }
0x6e: {  	_ =	shalt  }
0x6f: {  	_ =	shalt  }
0x70: {  	_ =	shalt  }
0x71: {  	_ =	shalt  }
0x72: {  	_ =	shalt  }
0x73: {  	_ =	shalt  }
0x74: {  	_ =	shalt  }
0x75: {  	_ =	shalt  }
0x76: {  	_ =	shalt  }
0x77: {  	_ =	shalt  }
0x78: {  	_ =	shalt  }
0x79: {  	_ =	shalt  }
0x7a: {  	_ =	shalt  }
0x7b: {  	_ =	shalt  }
0x7c: {  	_ =	shalt  }
0x7d: {  	_ =	shalt  }
0x7e: {  	_ =	shalt  }
0x7f: {  	_ =	shalt  }
0x80: {  	_ =	shalt  }
0x81: {  	_ =	shalt  }
0x82: {  	_ =	shalt  }
0x83: {  	_ =	shalt  }
0x84: {  	_ =	shalt  }
0x85: {  	_ =	shalt  }
0x86: {  	_ =	shalt  }
0x87: {  	_ =	shalt  }
.Lfunc_end0:
.L_simem_size_0:
called_computation_lowered:
.L_overlay_start_0:
0x88: {  	s2 =	sld [smem:$0x3FD9]  }
0x89: {  	s3 =	sld [smem:$0x3FFE];
	_ =	sdelay $0x1  }
0x8a: {  	s1 =	srdreg.scid  }
0x8b: {  	s0 =	sand.u32 $0x1, s1  }
0x8c: {  	s17 =	sshll.u32 s0, $0xA;
	s2 =	sadd.s32 s3, s2  }
0x8d: {  	s2 =	sadd.s32 s2, s17  }
0x8e: {  	[smem:$0x3FBE] =	sst s2  }
0x8f: {  	_ = 	snop  }
0x90: {  	s2 =	sld [smem:$0x3FD0];
	(tm) =	ssettm $0x1  }
0x91: {  	s18 =	sld [smem:$0x3FFB];
	_ =	sdelay $0x3  }
0x92: {  	_ =	strace s18  }
0x93: {  	s3 =	sld [smem:$0x3FFC];
	_ =	sdelay $0x3  }
0x94: {  	_ =	strace s3  }
0x95: {  	s3 =	sld [smem:$0x3FFD];
	_ =	sdelay $0x3  }
0x96: {  	_ =	strace s3  }
0x97: {  	_ =	strace $0x8FFFFFFF  }
0x98: {  	s19 =	sld [smem:$0x3FDB];
	_ =	sdelay $0x1  }
0x99: {  	s4 =	simm.s32 $_scs_section_size  }
0x9a: {  	s5 =	simm.s32 $_size__tile_overlayer_lowered;
	s6 =	simm.s32 $_tile_overlayer_lowered  }
0x9b: {  	s22 =	simm.s32 $0x1BFF;
	s21 =	sshll.u32 s6, $0x1;
	s3 =	sadd.s32 s4, s19  }
0x9c: {  	s7 =	simm.s32 $0x0;
	s20 =	sshll.u32 s5, $0x1;
	s5 =	sadd.s32 s21, s3  }
0x9d: {  	[timem:s7], [sflag:s22] =	dma.local [hbm:s5], s20  }
0x9e: {  	_ =	swait.ge [sflag:s22], s20  }
0x9f: {  	s4 =	ssub.s32 $0x0, s20;
	[sflag:s22] =	ssyncset.done $0x0  }
0xa0: {  	[sflag:s22] =	ssyncadd.s32 s4;
	_ =	sdelay $0x1  }
0xa1: {  	s23 =	simm.s32 $0x1B8B  }
0xa2: {  	_ =	swait.ge [sflag:s23], $0x1  }
0xa3: {  	[sflag:s23] =	ssyncset.done $0x0  }
0xa4: {  	s25 =	simm.s32 $0x1B8E;
	s24 =	sld [smem:$0x3FFE];
	[sflag:s23] =	ssyncadd.s32 $0xFFFFFFFF  }
0xa5: {  	s26 =	simm.s32 $execute0_lowered;
	[smem:$0x3FD2] =	sst s25  }
0xa6: {  	s5 =	sshll.u32 s26, $0x1;
	_ =	strace $0x80000046;
	[dreg:$0x1] =	wrdreg $0xFFFFFFFF  }
0xa7: {  	s28 =	simm.s32 $_size_execute0_lowered;
	s3 =	sadd.s32 s3, s5;
	[dreg:$0x0] =	wrdreg $0x0  }
0xa8: {  	s5 =	sshll.u32 s28, $0x1;
	[dreg:$0x2] =	wrdreg s3  }
0xa9: {  	[dreg:$0x3] =	wrdreg s5  }
0xaa: {  	[dreg:$0x4] =	wrdreg $0xC0  }
0xab: {  	_ =	task [dreg:s7], $0x5FFFF  }
0xac: {  	[dreg:$0x1] =	wrdreg $0xFFFFFFFF  }
0xad: {  	[dreg:$0x0] =	wrdreg $0x60  }
0xae: {  	[dreg:$0x2] =	wrdreg s24  }
0xaf: {  	[dreg:$0x3] =	wrdreg s2  }
0xb0: {  	[dreg:$0x4] =	wrdreg $0x2B000  }
0xb1: {  	[dreg:$0x5] =	wrdreg $0x9  }
0xb2: {  	_ =	task.clear_ibuf [dreg:s7], $0x6FFFF;
	_ =	strace $0x90000046  }
0xb3: {  	s29 =	simm.s32 $0x9;
	_ =	strace $0x80000048  }
0xb4: {  	_ =	swait.ge [sflag:s29], $0x1  }
0xb5: {  	[sflag:s29] =	ssyncadd.s32 $0xFFFFFFFF  }
0xb6: {  	_ =	strace $0x90000048  }
0xb7: {  	_ =	sfence  }
0xb8: {  	s30 =	sld [smem:$0x0];
	_ =	sdelay $0x2  }
0xb9: {  	s31 =	sshll.u32 s1, $0xD;
	s1 =	sshrl.u32 s1, $0x2  }
0xba: {  	s3 =	sand.u32 $0x4000, s31;
	s1 =	sadd.s32 s1, s30  }
0xbb: {  	s0 =	sor.u32 s3, s0;
	s1 =	sshll.u32 s1, $0x11  }
0xbc: {  	s0 =	sor.u32 s1, s0  }
0xbd: {  	s0 =	sadd.s32 $0x8F2B, s0  }
0xbe: {  	[sflag:s0] =	ssyncadd.remote.s32 $0x1  }
0xbf: {  	_ =	sfence.sel $0xFFFF  }
0xc0: {  	[dreg:$0x0] =	wrdreg $0xFFFFFFFF;
	(pc) =	sbr.abs _section_cstart, $3  }
0xc1: {  	[dreg:$0x1] =	wrdreg $0xFFFFFFFF  }
0xc2: {  	_ =	task.clear_ibuf [dreg:s7], $0x2FFFF;
	_ =	strace $0x9FFFFFFF  }
0xc3: {  	(tm) =	ssettm $0x7FFFFFFF  }
tec
execute0_lowered:
.L_overlay_start_1:
0x0: {  	(tag) =	ssettag $0x1  }
0x1: {  	s6 =	rddreg [dreg:$0x0]  }
0x2: {  	s1 =	rddreg [dreg:$0x1]  }
0x3: {  	s2 =	rddreg [dreg:$0x2]  }
0x4: {  	s0 =	rddreg [dreg:$0x3];
	s4 =	simm.s32 $0x0  }
0x5: {  	s5 =	srdreg.scid;
	s3 =	stileid.u32;
	s12 =	simm.s32 $0x2880  }
0x6: {  	s13 =	simm.s32 $0x7D;
	s14 =	simm.s32 $0x1;
	s15 =	simm.s32 $0x80  }
0x7: {  	s16 =	simm.s32 $0x100;
	s17 =	simm.s32 $0x0;
	[smem:$0x7FF] =	sst s4  }
0x8: {  	s7 =	sand.u32 $0x1, s5;
	s8 =	smul.u32 $0x500, s3;
	s28 =	sshll.u32 s3, $0x1  }
0x9: {  	s5 =	sadd.s32 $0x16400, s6;
	s30 =	smul.u32 $0xA00, s3;
	_ =	strace $0x80000047  }
0xa: {  	s9 =	sshll.u32 s7, $0x7;
	s10 =	sor.u32 s7, s28;
	s7 =	ssub.s32 $0x2, s7  }
0xb: {  	s8 =	sor.u32 s9, s8;
	s29 =	smul.u32 $0x2800, s10;
	s11 =	sshrl.u32 s7, $0x1  }
0xc: {  	s31 =	sshrl.u32 s30, $0x2;
	s10 =	simm.s32 $0x2;
	s8 =	sshrl.u32 s8, $0x3  }
0xd: {  	s11 =	ssub.s32 s7, s11;
	s8 =	sadd.s32 s8, s6;
	s9 =	sshrl.u32 s29, $0x3  }
0xe: {  	s7 =	sadd.s32 s31, s2;
	s6 =	sadd.s32 s6, s9;
	s8 =	sadd.s32 $0x16600, s8  }
0xf: {  	s9 =	smax.u32 s11, $0x1;
	s11 =	simm.s32 $0x2800;
	s6 =	sadd.s32 $0xC400, s6  }
.LBB2_1:
0x10: {  	[tilespmem:s4], [sflag:$0x2] =	stream.linear.gather [hbm4b:s6+s4], $0x2800, $0x38;
	[tilespmem:$0x2D80] =	vst v63  }
0x11: {  	_ =	swait.ge [sflag:s10], $0x2800  }
0x12: {  	[sflag:s10] =	ssyncset.done $0x0  }
0x13: {  	[sflag:s10] =	ssyncadd.s32 $0xFFFFD800  }
0x14: {  	[tilespmem:s11], [sflag:$0x2] =	stream.linear.gather [hbm4b:s1+s4], $0x80, $0x38;
	[tilespmem:$0x2D80] =	vst v63  }
0x15: {  	_ =	swait.ge [sflag:s10], $0x80  }
0x16: {  	[sflag:s10] =	ssyncset.done $0x0  }
0x17: {  	[sflag:s10] =	ssyncadd.s32 $0xFFFFFF80  }
0x18: {  	[tilespmem:s12], [sflag:$0x2] =	stream.linear.gather [hbm4b:s5+s4], $0x280, $0x38;
	[tilespmem:$0x2D80] =	vst v63  }
0x19: {  	_ =	swait.ge [sflag:s10], $0x280  }
0x1a: {  	[sflag:s10] =	ssyncset.done $0x0  }
0x1b: {  	[sflag:s10] =	ssyncadd.s32 $0xFFFFFD80  }
0x1c: {  	[spmem:s7] =	stream.linear.scatter [tilespmem:s12], [sflag:$0x2], $0x280, $0x38;
	[tilespmem:$0x2D80] =	vst v63  }
0x1d: {  	_ =	swait.ge [sflag:s10], $0x280  }
0x1e: {  	[sflag:s10] =	ssyncset.done $0x0  }
0x1f: {  	[sflag:s10] =	ssyncadd.s32 $0xFFFFFD80  }
0x20: {  	s18 =	simm.s32 $0x0;
	[bflag:$0x0] =	sbarrier.arrive $0xFFFF  }
0x21: {  	[spmem:s2] =	stream.indirect.scatter.add.f32 [tilespmem:s11], [sflag:$0x1], $0x1, s18, s13, $0xb8;
	[tilespmem:$0x2D80] =	vst v63  }
0x22: {  	s29 =	simm.s32 $0x80  }
0x23: {  	[spmem:s2] =	stream.indirect.scatter.add.f32 [tilespmem:s11], [sflag:$0x1], $0x1, s29, s13, $0xb8;
	[tilespmem:$0x2D80] =	vst v63  }
0x24: {  	s30 =	simm.s32 $0x100  }
0x25: {  	[spmem:s2] =	stream.indirect.scatter.add.f32 [tilespmem:s11], [sflag:$0x1], $0x1, s30, s13, $0xb8;
	[tilespmem:$0x2D80] =	vst v63  }
0x26: {  	s31 =	simm.s32 $0x180  }
0x27: {  	[spmem:s2] =	stream.indirect.scatter.add.f32 [tilespmem:s11], [sflag:$0x1], $0x1, s31, s13, $0xb8;
	[tilespmem:$0x2D80] =	vst v63  }
0x28: {  	s19 =	simm.s32 $0x200  }
0x29: {  	[spmem:s2] =	stream.indirect.scatter.add.f32 [tilespmem:s11], [sflag:$0x1], $0x1, s19, s13, $0xb8;
	[tilespmem:$0x2D80] =	vst v63  }
0x2a: {  	s20 =	simm.s32 $0x280  }
0x2b: {  	[spmem:s2] =	stream.indirect.scatter.add.f32 [tilespmem:s11], [sflag:$0x1], $0x1, s20, s13, $0xb8;
	[tilespmem:$0x2D80] =	vst v63  }
0x2c: {  	s21 =	simm.s32 $0x300  }
0x2d: {  	[spmem:s2] =	stream.indirect.scatter.add.f32 [tilespmem:s11], [sflag:$0x1], $0x1, s21, s13, $0xb8;
	[tilespmem:$0x2D80] =	vst v63  }
0x2e: {  	s22 =	simm.s32 $0x380  }
0x2f: {  	[spmem:s2] =	stream.indirect.scatter.add.f32 [tilespmem:s11], [sflag:$0x1], $0x1, s22, s13, $0xb8;
	[tilespmem:$0x2D80] =	vst v63  }
0x30: {  	s23 =	simm.s32 $0x400  }
0x31: {  	[spmem:s2] =	stream.indirect.scatter.add.f32 [tilespmem:s11], [sflag:$0x1], $0x1, s23, s13, $0xb8;
	[tilespmem:$0x2D80] =	vst v63  }
0x32: {  	s24 =	simm.s32 $0x480  }
0x33: {  	[spmem:s2] =	stream.indirect.scatter.add.f32 [tilespmem:s11], [sflag:$0x1], $0x1, s24, s13, $0xb8;
	[tilespmem:$0x2D80] =	vst v63  }
0x34: {  	s25 =	simm.s32 $0x500  }
0x35: {  	[spmem:s2] =	stream.indirect.scatter.add.f32 [tilespmem:s11], [sflag:$0x1], $0x1, s25, s13, $0xb8;
	[tilespmem:$0x2D80] =	vst v63  }
0x36: {  	s26 =	simm.s32 $0x580  }
0x37: {  	[spmem:s2] =	stream.indirect.scatter.add.f32 [tilespmem:s11], [sflag:$0x1], $0x1, s26, s13, $0xb8;
	[tilespmem:$0x2D80] =	vst v63  }
0x38: {  	s28 =	simm.s32 $0x600  }
0x39: {  	[spmem:s2] =	stream.indirect.scatter.add.f32 [tilespmem:s11], [sflag:$0x1], $0x1, s28, s13, $0xb8;
	[tilespmem:$0x2D80] =	vst v63  }
0x3a: {  	s29 =	simm.s32 $0x680  }
0x3b: {  	[spmem:s2] =	stream.indirect.scatter.add.f32 [tilespmem:s11], [sflag:$0x1], $0x1, s29, s13, $0xb8;
	[tilespmem:$0x2D80] =	vst v63  }
0x3c: {  	s30 =	simm.s32 $0x700  }
0x3d: {  	[spmem:s2] =	stream.indirect.scatter.add.f32 [tilespmem:s11], [sflag:$0x1], $0x1, s30, s13, $0xb8;
	[tilespmem:$0x2D80] =	vst v63  }
0x3e: {  	s31 =	simm.s32 $0x780  }
0x3f: {  	[spmem:s2] =	stream.indirect.scatter.add.f32 [tilespmem:s11], [sflag:$0x1], $0x1, s31, s13, $0xb8;
	[tilespmem:$0x2D80] =	vst v63  }
0x40: {  	_ =	swait.ge [sflag:s14], $0x7D  }
0x41: {  	[sflag:s14] =	ssyncset.done $0x0  }
0x42: {  	[sflag:s14] =	ssyncadd.s32 $0xFFFFFF83  }
0x43: {  	_ =	swait.ge [sflag:s14], $0x7D  }
0x44: {  	[sflag:s14] =	ssyncset.done $0x0  }
0x45: {  	[sflag:s14] =	ssyncadd.s32 $0xFFFFFF83  }
0x46: {  	_ =	swait.ge [sflag:s14], $0x7D  }
0x47: {  	[sflag:s14] =	ssyncset.done $0x0  }
0x48: {  	[sflag:s14] =	ssyncadd.s32 $0xFFFFFF83  }
0x49: {  	_ =	swait.ge [sflag:s14], $0x7D  }
0x4a: {  	[sflag:s14] =	ssyncset.done $0x0  }
0x4b: {  	[sflag:s14] =	ssyncadd.s32 $0xFFFFFF83  }
0x4c: {  	_ =	swait.ge [sflag:s14], $0x7D  }
0x4d: {  	[sflag:s14] =	ssyncset.done $0x0  }
0x4e: {  	[sflag:s14] =	ssyncadd.s32 $0xFFFFFF83  }
0x4f: {  	_ =	swait.ge [sflag:s14], $0x7D  }
0x50: {  	[sflag:s14] =	ssyncset.done $0x0  }
0x51: {  	[sflag:s14] =	ssyncadd.s32 $0xFFFFFF83  }
0x52: {  	_ =	swait.ge [sflag:s14], $0x7D  }
0x53: {  	[sflag:s14] =	ssyncset.done $0x0  }
0x54: {  	[sflag:s14] =	ssyncadd.s32 $0xFFFFFF83  }
0x55: {  	_ =	swait.ge [sflag:s14], $0x7D  }
0x56: {  	[sflag:s14] =	ssyncset.done $0x0  }
0x57: {  	[sflag:s14] =	ssyncadd.s32 $0xFFFFFF83  }
0x58: {  	_ =	swait.ge [sflag:s14], $0x7D  }
0x59: {  	[sflag:s14] =	ssyncset.done $0x0  }
0x5a: {  	[sflag:s14] =	ssyncadd.s32 $0xFFFFFF83  }
0x5b: {  	_ =	swait.ge [sflag:s14], $0x7D  }
0x5c: {  	[sflag:s14] =	ssyncset.done $0x0  }
0x5d: {  	[sflag:s14] =	ssyncadd.s32 $0xFFFFFF83  }
0x5e: {  	_ =	swait.ge [sflag:s14], $0x7D  }
0x5f: {  	[sflag:s14] =	ssyncset.done $0x0  }
0x60: {  	[sflag:s14] =	ssyncadd.s32 $0xFFFFFF83  }
0x61: {  	_ =	swait.ge [sflag:s14], $0x7D  }
0x62: {  	[sflag:s14] =	ssyncset.done $0x0  }
0x63: {  	[sflag:s14] =	ssyncadd.s32 $0xFFFFFF83  }
0x64: {  	_ =	swait.ge [sflag:s14], $0x7D  }
0x65: {  	[sflag:s14] =	ssyncset.done $0x0  }
0x66: {  	[sflag:s14] =	ssyncadd.s32 $0xFFFFFF83  }
0x67: {  	_ =	swait.ge [sflag:s14], $0x7D  }
0x68: {  	[sflag:s14] =	ssyncset.done $0x0  }
0x69: {  	[sflag:s14] =	ssyncadd.s32 $0xFFFFFF83  }
0x6a: {  	_ =	swait.ge [sflag:s14], $0x7D  }
0x6b: {  	[sflag:s14] =	ssyncset.done $0x0  }
0x6c: {  	[sflag:s14] =	ssyncadd.s32 $0xFFFFFF83  }
0x6d: {  	_ =	swait.ge [sflag:s14], $0x7D  }
0x6e: {  	s18 =	simm.s32 $0x2000;
	s21 =	simm.s32 $0x4000;
	[sflag:s14] =	ssyncset.done $0x0  }
.LBB2_2:
0x6f: {  	s20 =	sshra.s32 s18, $0x2  }
0x70: {  	[sflag:s14] =	ssyncadd.s32 $0xFFFFFF83;
	s18 =	smov.u32 s21;
	s19 =	sadd.s32 $0x2000, s21  }
0x71: {  	[spmem:s2] =	stream.indirect.scatter.add.f32 [tilespmem:s11], [sflag:$0x1], $0x1, s20, s13, $0xb8;
	[tilespmem:$0x2D80] =	vst v63  }
0x72: {  	p0 =	sne.s32 s21, $0x8000;
	s21 =	sadd.s32 $0x80, s20  }
0x73: {  	[spmem:s2] =	stream.indirect.scatter.add.f32 [tilespmem:s11], [sflag:$0x1], $0x1, s21, s13, $0xb8;
	[tilespmem:$0x2D80] =	vst v63  }
0x74: {  	s21 =	sadd.s32 $0x100, s20  }
0x75: {  	[spmem:s2] =	stream.indirect.scatter.add.f32 [tilespmem:s11], [sflag:$0x1], $0x1, s21, s13, $0xb8;
	[tilespmem:$0x2D80] =	vst v63  }
0x76: {  	s21 =	sadd.s32 $0x180, s20  }
0x77: {  	[spmem:s2] =	stream.indirect.scatter.add.f32 [tilespmem:s11], [sflag:$0x1], $0x1, s21, s13, $0xb8;
	[tilespmem:$0x2D80] =	vst v63  }
0x78: {  	s21 =	sadd.s32 $0x200, s20  }
0x79: {  	[spmem:s2] =	stream.indirect.scatter.add.f32 [tilespmem:s11], [sflag:$0x1], $0x1, s21, s13, $0xb8;
	[tilespmem:$0x2D80] =	vst v63  }
0x7a: {  	s21 =	sadd.s32 $0x280, s20  }
0x7b: {  	[spmem:s2] =	stream.indirect.scatter.add.f32 [tilespmem:s11], [sflag:$0x1], $0x1, s21, s13, $0xb8;
	[tilespmem:$0x2D80] =	vst v63  }
0x7c: {  	s21 =	sadd.s32 $0x300, s20  }
0x7d: {  	[spmem:s2] =	stream.indirect.scatter.add.f32 [tilespmem:s11], [sflag:$0x1], $0x1, s21, s13, $0xb8;
	[tilespmem:$0x2D80] =	vst v63  }
0x7e: {  	s21 =	sadd.s32 $0x380, s20  }
0x7f: {  	[spmem:s2] =	stream.indirect.scatter.add.f32 [tilespmem:s11], [sflag:$0x1], $0x1, s21, s13, $0xb8;
	[tilespmem:$0x2D80] =	vst v63  }
0x80: {  	s21 =	sadd.s32 $0x400, s20  }
0x81: {  	[spmem:s2] =	stream.indirect.scatter.add.f32 [tilespmem:s11], [sflag:$0x1], $0x1, s21, s13, $0xb8;
	[tilespmem:$0x2D80] =	vst v63  }
0x82: {  	s21 =	sadd.s32 $0x480, s20  }
0x83: {  	[spmem:s2] =	stream.indirect.scatter.add.f32 [tilespmem:s11], [sflag:$0x1], $0x1, s21, s13, $0xb8;
	[tilespmem:$0x2D80] =	vst v63  }
0x84: {  	s21 =	sadd.s32 $0x500, s20  }
0x85: {  	[spmem:s2] =	stream.indirect.scatter.add.f32 [tilespmem:s11], [sflag:$0x1], $0x1, s21, s13, $0xb8;
	[tilespmem:$0x2D80] =	vst v63  }
0x86: {  	s21 =	sadd.s32 $0x580, s20  }
0x87: {  	[spmem:s2] =	stream.indirect.scatter.add.f32 [tilespmem:s11], [sflag:$0x1], $0x1, s21, s13, $0xb8;
	[tilespmem:$0x2D80] =	vst v63  }
0x88: {  	s21 =	sadd.s32 $0x600, s20  }
0x89: {  	[spmem:s2] =	stream.indirect.scatter.add.f32 [tilespmem:s11], [sflag:$0x1], $0x1, s21, s13, $0xb8;
	[tilespmem:$0x2D80] =	vst v63  }
0x8a: {  	s21 =	sadd.s32 $0x680, s20  }
0x8b: {  	[spmem:s2] =	stream.indirect.scatter.add.f32 [tilespmem:s11], [sflag:$0x1], $0x1, s21, s13, $0xb8;
	[tilespmem:$0x2D80] =	vst v63  }
0x8c: {  	s21 =	sadd.s32 $0x700, s20  }
0x8d: {  	[spmem:s2] =	stream.indirect.scatter.add.f32 [tilespmem:s11], [sflag:$0x1], $0x1, s21, s13, $0xb8;
	[tilespmem:$0x2D80] =	vst v63  }
0x8e: {  	s20 =	sadd.s32 $0x780, s20  }
0x8f: {  	[spmem:s2] =	stream.indirect.scatter.add.f32 [tilespmem:s11], [sflag:$0x1], $0x1, s20, s13, $0xb8;
	[tilespmem:$0x2D80] =	vst v63  }
0x90: {  	_ =	swait.ge [sflag:s14], $0x7D  }
0x91: {  	[sflag:s14] =	ssyncset.done $0x0  }
0x92: {  	[sflag:s14] =	ssyncadd.s32 $0xFFFFFF83  }
0x93: {  	_ =	swait.ge [sflag:s14], $0x7D  }
0x94: {  	[sflag:s14] =	ssyncset.done $0x0  }
0x95: {  	[sflag:s14] =	ssyncadd.s32 $0xFFFFFF83  }
0x96: {  	_ =	swait.ge [sflag:s14], $0x7D  }
0x97: {  	[sflag:s14] =	ssyncset.done $0x0  }
0x98: {  	[sflag:s14] =	ssyncadd.s32 $0xFFFFFF83  }
0x99: {  	_ =	swait.ge [sflag:s14], $0x7D  }
0x9a: {  	[sflag:s14] =	ssyncset.done $0x0  }
0x9b: {  	[sflag:s14] =	ssyncadd.s32 $0xFFFFFF83  }
0x9c: {  	_ =	swait.ge [sflag:s14], $0x7D  }
0x9d: {  	[sflag:s14] =	ssyncset.done $0x0  }
0x9e: {  	[sflag:s14] =	ssyncadd.s32 $0xFFFFFF83  }
0x9f: {  	_ =	swait.ge [sflag:s14], $0x7D  }
0xa0: {  	[sflag:s14] =	ssyncset.done $0x0  }
0xa1: {  	[sflag:s14] =	ssyncadd.s32 $0xFFFFFF83  }
0xa2: {  	_ =	swait.ge [sflag:s14], $0x7D  }
0xa3: {  	[sflag:s14] =	ssyncset.done $0x0  }
0xa4: {  	[sflag:s14] =	ssyncadd.s32 $0xFFFFFF83  }
0xa5: {  	_ =	swait.ge [sflag:s14], $0x7D  }
0xa6: {  	[sflag:s14] =	ssyncset.done $0x0  }
0xa7: {  	[sflag:s14] =	ssyncadd.s32 $0xFFFFFF83  }
0xa8: {  	_ =	swait.ge [sflag:s14], $0x7D  }
0xa9: {  	[sflag:s14] =	ssyncset.done $0x0  }
0xaa: {  	[sflag:s14] =	ssyncadd.s32 $0xFFFFFF83  }
0xab: {  	_ =	swait.ge [sflag:s14], $0x7D  }
0xac: {  	[sflag:s14] =	ssyncset.done $0x0  }
0xad: {  	[sflag:s14] =	ssyncadd.s32 $0xFFFFFF83  }
0xae: {  	_ =	swait.ge [sflag:s14], $0x7D  }
0xaf: {  	[sflag:s14] =	ssyncset.done $0x0  }
0xb0: {  	[sflag:s14] =	ssyncadd.s32 $0xFFFFFF83  }
0xb1: {  	_ =	swait.ge [sflag:s14], $0x7D  }
0xb2: {  	[sflag:s14] =	ssyncset.done $0x0  }
0xb3: {  	[sflag:s14] =	ssyncadd.s32 $0xFFFFFF83  }
0xb4: {  	_ =	swait.ge [sflag:s14], $0x7D  }
0xb5: {  	[sflag:s14] =	ssyncset.done $0x0  }
0xb6: {  	[sflag:s14] =	ssyncadd.s32 $0xFFFFFF83  }
0xb7: {  	_ =	swait.ge [sflag:s14], $0x7D  }
0xb8: {  	[sflag:s14] =	ssyncset.done $0x0  }
0xb9: {  	[sflag:s14] =	ssyncadd.s32 $0xFFFFFF83  }
.Ltmp0:
0xba: {  	_ =	swait.ge [sflag:s14], $0x7D;
	(pc) =	sbr.rel @p0 .LBB2_2-.Ltmp0, $4  }
0xbb: {  	[sflag:s14] =	ssyncset.done $0x0  }
0xbc: {  	[sflag:s14] =	ssyncadd.s32 $0xFFFFFF83  }
0xbd: {  	_ =	swait.ge [sflag:s14], $0x7D  }
0xbe: {  	s21 =	smov.u32 s19;
	[sflag:s14] =	ssyncset.done $0x0  }
0xbf: {  	s18 =	sshra.s32 s18, $0x2;
	[sflag:s14] =	ssyncadd.s32 $0xFFFFFF83  }
0xc0: {  	[spmem:s2] =	stream.indirect.scatter.add.f32 [tilespmem:s11], [sflag:$0x1], $0x1, s18, s13, $0xb8;
	[tilespmem:$0x2D80] =	vst v63  }
0xc1: {  	s19 =	sadd.s32 $0x80, s18  }
0xc2: {  	[spmem:s2] =	stream.indirect.scatter.add.f32 [tilespmem:s11], [sflag:$0x1], $0x1, s19, s13, $0xb8;
	[tilespmem:$0x2D80] =	vst v63  }
0xc3: {  	s30 =	sadd.s32 $0x100, s18  }
0xc4: {  	[spmem:s2] =	stream.indirect.scatter.add.f32 [tilespmem:s11], [sflag:$0x1], $0x1, s30, s13, $0xb8;
	[tilespmem:$0x2D80] =	vst v63  }
0xc5: {  	s31 =	sadd.s32 $0x180, s18  }
0xc6: {  	[spmem:s2] =	stream.indirect.scatter.add.f32 [tilespmem:s11], [sflag:$0x1], $0x1, s31, s13, $0xb8;
	[tilespmem:$0x2D80] =	vst v63  }
0xc7: {  	s20 =	sadd.s32 $0x200, s18  }
0xc8: {  	[spmem:s2] =	stream.indirect.scatter.add.f32 [tilespmem:s11], [sflag:$0x1], $0x1, s20, s13, $0xb8;
	[tilespmem:$0x2D80] =	vst v63  }
0xc9: {  	s21 =	sadd.s32 $0x280, s18  }
0xca: {  	[spmem:s2] =	stream.indirect.scatter.add.f32 [tilespmem:s11], [sflag:$0x1], $0x1, s21, s13, $0xb8;
	[tilespmem:$0x2D80] =	vst v63  }
0xcb: {  	s22 =	sadd.s32 $0x300, s18  }
0xcc: {  	[spmem:s2] =	stream.indirect.scatter.add.f32 [tilespmem:s11], [sflag:$0x1], $0x1, s22, s13, $0xb8;
	[tilespmem:$0x2D80] =	vst v63  }
0xcd: {  	s23 =	sadd.s32 $0x380, s18  }
0xce: {  	[spmem:s2] =	stream.indirect.scatter.add.f32 [tilespmem:s11], [sflag:$0x1], $0x1, s23, s13, $0xb8;
	[tilespmem:$0x2D80] =	vst v63  }
0xcf: {  	s24 =	sadd.s32 $0x400, s18  }
0xd0: {  	[spmem:s2] =	stream.indirect.scatter.add.f32 [tilespmem:s11], [sflag:$0x1], $0x1, s24, s13, $0xb8;
	[tilespmem:$0x2D80] =	vst v63  }
0xd1: {  	s25 =	sadd.s32 $0x480, s18  }
0xd2: {  	[spmem:s2] =	stream.indirect.scatter.add.f32 [tilespmem:s11], [sflag:$0x1], $0x1, s25, s13, $0xb8;
	[tilespmem:$0x2D80] =	vst v63  }
0xd3: {  	s26 =	sadd.s32 $0x500, s18  }
0xd4: {  	[spmem:s2] =	stream.indirect.scatter.add.f32 [tilespmem:s11], [sflag:$0x1], $0x1, s26, s13, $0xb8;
	[tilespmem:$0x2D80] =	vst v63  }
0xd5: {  	s28 =	sadd.s32 $0x580, s18  }
0xd6: {  	[spmem:s2] =	stream.indirect.scatter.add.f32 [tilespmem:s11], [sflag:$0x1], $0x1, s28, s13, $0xb8;
	[tilespmem:$0x2D80] =	vst v63  }
0xd7: {  	s29 =	sadd.s32 $0x600, s18  }
0xd8: {  	[spmem:s2] =	stream.indirect.scatter.add.f32 [tilespmem:s11], [sflag:$0x1], $0x1, s29, s13, $0xb8;
	[tilespmem:$0x2D80] =	vst v63  }
0xd9: {  	s30 =	sadd.s32 $0x680, s18  }
0xda: {  	[spmem:s2] =	stream.indirect.scatter.add.f32 [tilespmem:s11], [sflag:$0x1], $0x1, s30, s13, $0xb8;
	[tilespmem:$0x2D80] =	vst v63  }
0xdb: {  	s31 =	sadd.s32 $0x700, s18  }
0xdc: {  	[spmem:s2] =	stream.indirect.scatter.add.f32 [tilespmem:s11], [sflag:$0x1], $0x1, s31, s13, $0xb8;
	[tilespmem:$0x2D80] =	vst v63  }
0xdd: {  	s18 =	sadd.s32 $0x780, s18  }
0xde: {  	[spmem:s2] =	stream.indirect.scatter.add.f32 [tilespmem:s11], [sflag:$0x1], $0x1, s18, s13, $0xb8;
	[tilespmem:$0x2D80] =	vst v63  }
0xdf: {  	_ =	swait.ge [sflag:s14], $0x7D  }
0xe0: {  	[sflag:s14] =	ssyncset.done $0x0  }
0xe1: {  	[sflag:s14] =	ssyncadd.s32 $0xFFFFFF83  }
0xe2: {  	_ =	swait.ge [sflag:s14], $0x7D  }
0xe3: {  	[sflag:s14] =	ssyncset.done $0x0  }
0xe4: {  	[sflag:s14] =	ssyncadd.s32 $0xFFFFFF83  }
0xe5: {  	_ =	swait.ge [sflag:s14], $0x7D  }
0xe6: {  	[sflag:s14] =	ssyncset.done $0x0  }
0xe7: {  	[sflag:s14] =	ssyncadd.s32 $0xFFFFFF83  }
0xe8: {  	_ =	swait.ge [sflag:s14], $0x7D  }
0xe9: {  	[sflag:s14] =	ssyncset.done $0x0  }
0xea: {  	[sflag:s14] =	ssyncadd.s32 $0xFFFFFF83  }
0xeb: {  	_ =	swait.ge [sflag:s14], $0x7D  }
0xec: {  	[sflag:s14] =	ssyncset.done $0x0  }
0xed: {  	[sflag:s14] =	ssyncadd.s32 $0xFFFFFF83  }
0xee: {  	_ =	swait.ge [sflag:s14], $0x7D  }
0xef: {  	[sflag:s14] =	ssyncset.done $0x0  }
0xf0: {  	[sflag:s14] =	ssyncadd.s32 $0xFFFFFF83  }
0xf1: {  	_ =	swait.ge [sflag:s14], $0x7D  }
0xf2: {  	[sflag:s14] =	ssyncset.done $0x0  }
0xf3: {  	[sflag:s14] =	ssyncadd.s32 $0xFFFFFF83  }
0xf4: {  	_ =	swait.ge [sflag:s14], $0x7D  }
0xf5: {  	[sflag:s14] =	ssyncset.done $0x0  }
0xf6: {  	[sflag:s14] =	ssyncadd.s32 $0xFFFFFF83  }
0xf7: {  	_ =	swait.ge [sflag:s14], $0x7D  }
0xf8: {  	[sflag:s14] =	ssyncset.done $0x0  }
0xf9: {  	[sflag:s14] =	ssyncadd.s32 $0xFFFFFF83  }
0xfa: {  	_ =	swait.ge [sflag:s14], $0x7D  }
0xfb: {  	[sflag:s14] =	ssyncset.done $0x0  }
0xfc: {  	[sflag:s14] =	ssyncadd.s32 $0xFFFFFF83  }
0xfd: {  	_ =	swait.ge [sflag:s14], $0x7D  }
0xfe: {  	[sflag:s14] =	ssyncset.done $0x0  }
0xff: {  	[sflag:s14] =	ssyncadd.s32 $0xFFFFFF83  }
0x100: {  	_ =	swait.ge [sflag:s14], $0x7D  }
0x101: {  	[sflag:s14] =	ssyncset.done $0x0  }
0x102: {  	[sflag:s14] =	ssyncadd.s32 $0xFFFFFF83  }
0x103: {  	_ =	swait.ge [sflag:s14], $0x7D  }
0x104: {  	[sflag:s14] =	ssyncset.done $0x0  }
0x105: {  	[sflag:s14] =	ssyncadd.s32 $0xFFFFFF83  }
0x106: {  	_ =	swait.ge [sflag:s14], $0x7D  }
0x107: {  	[sflag:s14] =	ssyncset.done $0x0  }
0x108: {  	[sflag:s14] =	ssyncadd.s32 $0xFFFFFF83  }
0x109: {  	_ =	swait.ge [sflag:s14], $0x7D  }
0x10a: {  	[sflag:s14] =	ssyncset.done $0x0  }
0x10b: {  	[sflag:s14] =	ssyncadd.s32 $0xFFFFFF83  }
0x10c: {  	_ =	swait.ge [sflag:s14], $0x7D  }
0x10d: {  	[sflag:s14] =	ssyncset.done $0x0  }
0x10e: {  	[sflag:s14] =	ssyncadd.s32 $0xFFFFFF83  }
0x10f: {  	[bflag:$0x0] =	sbarrier.arrive $0xFFFF  }
0x110: {  	[tilespmem:s12], [sflag:$0x2] =	stream.linear.gather [spmem:s7], $0x280, $0x38;
	[tilespmem:$0x2D80] =	vst v63  }
0x111: {  	s17 =	sadd.s32 $0x1, s17;
	_ =	swait.ge [sflag:s10], $0x280  }
0x112: {  	p0 =	sne.s32 s17, s9;
	[sflag:s10] =	ssyncset.done $0x0  }
.Ltmp1:
0x113: {  	[sflag:s10] =	ssyncadd.s32 $0xFFFFFD80;
	(pc) =	sbr.rel @p0 .LBB2_1-.Ltmp1, $4  }
0x114: {  	[hbm4b:s8+s15] =	stream.strided.scatter [tilespmem:s12], [sflag:$0x2], $0x280, s16, s15, $0x38;
	[tilespmem:$0x2D80] =	vst v63  }
0x115: {  	_ =	swait.ge [sflag:s10], $0x280  }
0x116: {  	[sflag:s10] =	ssyncset.done $0x0  }
0x117: {  	[sflag:s10] =	ssyncadd.s32 $0xFFFFFD80  }
0x118: {  	_ =	sfence.sel $0x180000  }
0x119: {  	[bflag:$0x0] =	sbarrier.arrive $0xFFFF  }
0x11a: {  	p0 =	sne.s32 s3, $0x0;
	_ =	strace $0x90000047  }
0x11b: {  	s0 =	sadd.s32 @!p0 $0x100000, s0;
	[bflag:$0x2] =	sbarrier.arrive $0xFFFF  }
0x11c: {  	[sflag:s0] =	ssyncadd.tile.s32 @!p0 $0x1;
	_ =	shalt  }
.Lfunc_end2:
_tile_overlayer_lowered:
.L_overlay_start_2:
0x11d: {  	(tag) =	ssettag $0x2  }
0x11e: {  	s0 =	rddreg [dreg:$0x0];
	s2 =	stileid.u32  }
0x11f: {  	s1 =	rddreg [dreg:$0x1];
	p0 =	sne.s32 s2, $0x0  }
0x120: {  	s3 =	rddreg [dreg:$0x2];
	[bflag:$0x3] =	sbarrier.arrive $0xFFFF;
	s2 =	simm.s32 @!p0 $0x1C02  }
0x121: {  	[timem:s3], [sflag:s2] =	dma.local @!p0 [hbm:s0], s1  }
0x122: {  	s0 =	simm.s32 @!p0 $0x2  }
0x123: {  	_ =	swait.ge @!p0 [sflag:s0], s1  }
0x124: {  	s1 =	ssub.s32 @!p0 $0x0, s1;
	[sflag:s0] =	ssyncset.done @!p0 $0x0  }
0x125: {  	[sflag:s0] =	ssyncadd.s32 @!p0 s1  }
0x126: {  	[bflag:$0x3] =	sbarrier.arrive $0xFFFF  }
0x127: {  	_ =	shalt  }

// kernel: kernel.9.cloned.1.call-start
scs
__scs_entry_jumppad:
0x0: {  	(pc) =	sbr.rel $0x88, $3  }
0x1: {  	(tag) =	ssettag $0x0;
	lr =	simm.s32 $0x1  }
0x2: {  	[smem:$0x3F97] =	sst lr;
	_ =	strace $0xD0000000  }
0x3: {  	_ = 	snop  }
0x4: {  	_ = 	snop  }
0x5: {  	_ = 	snop  }
0x6: {  	_ = 	snop  }
0x7: {  	_ = 	snop  }
__scs_overlays_trampoline_lowered:
0x8: {  	[smem:$0x3FA6] =	sst s0  }
0x9: {  	[smem:$0x3FA7] =	sst s1  }
0xa: {  	[smem:$0x3FA8] =	sst s2  }
0xb: {  	[smem:$0x3FA9] =	sst s3  }
0xc: {  	[smem:$0x3FAA] =	sst s4  }
0xd: {  	[smem:$0x3FAB] =	sst s5  }
0xe: {  	[smem:$0x3FAC] =	sst s6  }
0xf: {  	[smem:$0x3FAD] =	sst s7  }
0x10: {  	[smem:$0x3FAE] =	sst s8  }
0x11: {  	[smem:$0x3FAF] =	sst s9;
	s0 =	simm.s32 @!p0 $0x0  }
0x12: {  	s1 =	sld [smem:$0x3F95];
	s0 =	simm.s32 @p0 $0x1  }
0x13: {  	[smem:$0x3FB0] =	sst s0;
	s0 =	simm.s32 @!p1 $0x0  }
0x14: {  	s2 =	sld [smem:$0x3F94];
	s0 =	simm.s32 @p1 $0x1  }
0x15: {  	[smem:$0x3FB1] =	sst s0;
	s0 =	simm.s32 @!p2 $0x0  }
0x16: {  	s3 =	sld [smem:$0x3FDB];
	s0 =	simm.s32 @p2 $0x1  }
0x17: {  	s4 =	simm.s32 $0x1BF5;
	[smem:$0x3FB3] =	sst s0  }
0x18: {  	s0 =	sld [smem:$0x3F96];
	_ =	swait.ge [sflag:s4], $0x0  }
0x19: {  	s7 =	sld [smem:$0x3F97]  }
0x1a: {  	s8 =	sadd.s32 $0xFFFFE003, lr  }
0x1b: {  	s9 =	sadd.s32 $0xFFFFFEF7, lr;
	s5 =	simm.s32 $0xFFFFFFFF;
	p2 =	slt.u32 s8, $0xFFFFF086  }
0x1c: {  	p1 =	slt.u32 s9, $0xF7A;
	s5 =	simm.s32 @!p2 $0x0  }
0x1d: {  	s5 =	simm.s32 @p1 $0x1;
	p0 =	seq.s32 s7, s2  }
0x1e: {  	s7 =	smul.u32 @!p0 $0xF7A, s2;
	p2 =	seq.s32 @!p0 s5, $0x0  }
0x1f: {  	s9 =	smul.u32 $0xF7A, s1;
	s8 =	simm.s32 @!p0 $0x1BF5;
	p2 =	por !p2, p0  }
0x20: {  	[sflag:s8] =	ssyncset.s32 @!p0 $0xFFFFF086;
	s6 =	sadd.s32 @!p0 s3, s7;
	s7 =	simm.s32 @!p0 $0x108  }
0x21: {  	s3 =	sadd.s32 s3, s9;
	s6 =	sadd.s32 @!p0 $0x88, s6;
	s7 =	simm.s32 @p2 $0x1082  }
0x22: {  	[simem:s7], [sflag:s8] =	dma.local @!p0 [hbm:s6], $0xF7A  }
0x23: {  	s9 =	sor.u32 $0xD0000000, s2;
	s6 =	simm.s32 $0x108;
	_ =	swait.ge @!p0 [sflag:s8], $0x0  }
0x24: {  	s3 =	sadd.s32 $0x88, s3;
	s6 =	simm.s32 @!p1 $0x1082;
	[sflag:s4] =	ssyncset.s32 $0xFFFFF086  }
0x25: {  	[simem:s6], [sflag:s4] =	dma.local [hbm:s3], $0xF7A  }
0x26: {  	[smem:$0x3F97] =	sst s1;
	(tag) =	ssettag s2;
	_ =	strace s9  }
0x27: {  	s1 =	sld [smem:$0x3FA7]  }
0x28: {  	s2 =	sld [smem:$0x3FA8]  }
0x29: {  	s4 =	sld [smem:$0x3FAA]  }
0x2a: {  	p0 =	seq.s32 s5, $0x0;
	s5 =	sld [smem:$0x3FAB]  }
0x2b: {  	s6 =	sld [smem:$0x3FAC]  }
0x2c: {  	s7 =	sld [smem:$0x3FAD]  }
0x2d: {  	s3 =	simm.s32 $0x108;
	s8 =	sld [smem:$0x3FAE]  }
0x2e: {  	s3 =	simm.s32 @!p0 $0x1082;
	s9 =	sld [smem:$0x3FAF]  }
0x2f: {  	lr =	sadd.s32 s0, s3;
	s0 =	sld [smem:$0x3FA6]  }
0x30: {  	s3 =	sld [smem:$0x3FA9]  }
0x31: {  	[smem:$0x3FB2] =	sst s10  }
0x32: {  	s10 =	sld [smem:$0x3FB0];
	_ =	sdelay $0x3  }
0x33: {  	p0 =	seq.s32 s10, $0x1;
	s10 =	sld [smem:$0x3FB2];
	_ =	sdelay $0x3  }
0x34: {  	[smem:$0x3FB2] =	sst s10  }
0x35: {  	s10 =	sld [smem:$0x3FB1];
	_ =	sdelay $0x3  }
0x36: {  	p1 =	seq.s32 s10, $0x1;
	s10 =	sld [smem:$0x3FB2];
	_ =	sdelay $0x3  }
0x37: {  	[smem:$0x3FB2] =	sst s10  }
0x38: {  	s10 =	sld [smem:$0x3FB3]  }
0x39: {  	_ = 	snop;
	(pc) =	sbr.ind lr, $3  }
0x3a: {  	_ = 	snop  }
0x3b: {  	_ = 	snop  }
0x3c: {  	p2 =	seq.s32 s10, $0x1;
	s10 =	sld [smem:$0x3FB2]  }
0x3d: {  	_ =	shalt  }
0x3e: {  	_ =	shalt  }
0x3f: {  	_ =	shalt  }
0x40: {  	_ =	shalt  }
0x41: {  	_ =	shalt  }
0x42: {  	_ =	shalt  }
0x43: {  	_ =	shalt  }
0x44: {  	_ =	shalt  }
0x45: {  	_ =	shalt  }
0x46: {  	_ =	shalt  }
0x47: {  	_ =	shalt  }
0x48: {  	_ =	shalt  }
0x49: {  	_ =	shalt  }
0x4a: {  	_ =	shalt  }
0x4b: {  	_ =	shalt  }
0x4c: {  	_ =	shalt  }
0x4d: {  	_ =	shalt  }
0x4e: {  	_ =	shalt  }
0x4f: {  	_ =	shalt  }
0x50: {  	_ =	shalt  }
0x51: {  	_ =	shalt  }
0x52: {  	_ =	shalt  }
0x53: {  	_ =	shalt  }
0x54: {  	_ =	shalt  }
0x55: {  	_ =	shalt  }
0x56: {  	_ =	shalt  }
0x57: {  	_ =	shalt  }
0x58: {  	_ =	shalt  }
0x59: {  	_ =	shalt  }
0x5a: {  	_ =	shalt  }
0x5b: {  	_ =	shalt  }
0x5c: {  	_ =	shalt  }
0x5d: {  	_ =	shalt  }
0x5e: {  	_ =	shalt  }
0x5f: {  	_ =	shalt  }
0x60: {  	_ =	shalt  }
0x61: {  	_ =	shalt  }
0x62: {  	_ =	shalt  }
0x63: {  	_ =	shalt  }
0x64: {  	_ =	shalt  }
0x65: {  	_ =	shalt  }
0x66: {  	_ =	shalt  }
0x67: {  	_ =	shalt  }
0x68: {  	_ =	shalt  }
0x69: {  	_ =	shalt  }
0x6a: {  	_ =	shalt  }
0x6b: {  	_ =	shalt  }
0x6c: {  	_ =	shalt  }
0x6d: {  	_ =	shalt  }
0x6e: {  	_ =	shalt  }
0x6f: {  	_ =	shalt  }
0x70: {  	_ =	shalt  }
0x71: {  	_ =	shalt  }
0x72: {  	_ =	shalt  }
0x73: {  	_ =	shalt  }
0x74: {  	_ =	shalt  }
0x75: {  	_ =	shalt  }
0x76: {  	_ =	shalt  }
0x77: {  	_ =	shalt  }
0x78: {  	_ =	shalt  }
0x79: {  	_ =	shalt  }
0x7a: {  	_ =	shalt  }
0x7b: {  	_ =	shalt  }
0x7c: {  	_ =	shalt  }
0x7d: {  	_ =	shalt  }
0x7e: {  	_ =	shalt  }
0x7f: {  	_ =	shalt  }
0x80: {  	_ =	shalt  }
0x81: {  	_ =	shalt  }
0x82: {  	_ =	shalt  }
0x83: {  	_ =	shalt  }
0x84: {  	_ =	shalt  }
0x85: {  	_ =	shalt  }
0x86: {  	_ =	shalt  }
0x87: {  	_ =	shalt  }
.Lfunc_end0:
.L_simem_size_0:
called_computation.1_lowered:
.L_overlay_start_0:
0x88: {  	s2 =	sld [smem:$0x3FD9]  }
0x89: {  	s3 =	sld [smem:$0x3FFE];
	_ =	sdelay $0x1  }
0x8a: {  	s1 =	srdreg.scid  }
0x8b: {  	s0 =	sand.u32 $0x1, s1  }
0x8c: {  	s16 =	sshll.u32 s0, $0xA;
	s2 =	sadd.s32 s3, s2  }
0x8d: {  	s2 =	sadd.s32 s2, s16  }
0x8e: {  	[smem:$0x3FBE] =	sst s2  }
0x8f: {  	_ = 	snop  }
0x90: {  	(tm) =	ssettm $0x1  }
0x91: {  	s17 =	sld [smem:$0x3FFB];
	_ =	sdelay $0x3  }
0x92: {  	_ =	strace s17  }
0x93: {  	s2 =	sld [smem:$0x3FFC];
	_ =	sdelay $0x3  }
0x94: {  	_ =	strace s2  }
0x95: {  	s2 =	sld [smem:$0x3FFD];
	_ =	sdelay $0x3  }
0x96: {  	_ =	strace s2  }
0x97: {  	_ =	strace $0x8FFFFFFF  }
0x98: {  	s18 =	sld [smem:$0x3FDB];
	_ =	sdelay $0x1  }
0x99: {  	s19 =	simm.s32 $_scs_section_size  }
0x9a: {  	s4 =	simm.s32 $_size__tile_overlayer_lowered;
	s5 =	simm.s32 $_tile_overlayer_lowered  }
0x9b: {  	s22 =	simm.s32 $0x1BFF;
	s21 =	sshll.u32 s5, $0x1;
	s2 =	sadd.s32 s19, s18  }
0x9c: {  	s6 =	simm.s32 $0x0;
	s20 =	sshll.u32 s4, $0x1;
	s4 =	sadd.s32 s21, s2  }
0x9d: {  	[timem:s6], [sflag:s22] =	dma.local [hbm:s4], s20  }
0x9e: {  	_ =	swait.ge [sflag:s22], s20  }
0x9f: {  	s3 =	ssub.s32 $0x0, s20;
	[sflag:s22] =	ssyncset.done $0x0  }
0xa0: {  	[sflag:s22] =	ssyncadd.s32 s3;
	_ =	sdelay $0x1  }
0xa1: {  	s23 =	simm.s32 $0x1B8B  }
0xa2: {  	_ =	swait.ge [sflag:s23], $0x1  }
0xa3: {  	[sflag:s23] =	ssyncset.done $0x0  }
0xa4: {  	s25 =	simm.s32 $0x1B8E;
	s24 =	sld [smem:$0x3FFE];
	[sflag:s23] =	ssyncadd.s32 $0xFFFFFFFF  }
0xa5: {  	s26 =	simm.s32 $execute0_lowered;
	[smem:$0x3FD2] =	sst s25  }
0xa6: {  	s4 =	sshll.u32 s26, $0x1;
	_ =	strace $0x80000049;
	[dreg:$0x1] =	wrdreg $0xFFFFFFFF  }
0xa7: {  	s28 =	simm.s32 $_size_execute0_lowered;
	s2 =	sadd.s32 s2, s4;
	[dreg:$0x0] =	wrdreg $0x0  }
0xa8: {  	s4 =	sshll.u32 s28, $0x1;
	[dreg:$0x2] =	wrdreg s2  }
0xa9: {  	[dreg:$0x3] =	wrdreg s4  }
0xaa: {  	[dreg:$0x4] =	wrdreg $0xC0  }
0xab: {  	_ =	task [dreg:s6], $0x5FFFF  }
0xac: {  	[dreg:$0x1] =	wrdreg $0xFFFFFFFF  }
0xad: {  	[dreg:$0x0] =	wrdreg $0x60  }
0xae: {  	[dreg:$0x2] =	wrdreg s24  }
0xaf: {  	[dreg:$0x3] =	wrdreg $0xA8000  }
0xb0: {  	[dreg:$0x4] =	wrdreg $0x9  }
0xb1: {  	_ =	task.clear_ibuf [dreg:s6], $0x5FFFF;
	_ =	strace $0x90000049  }
0xb2: {  	s29 =	simm.s32 $0x9;
	_ =	strace $0x8000004B  }
0xb3: {  	_ =	swait.ge [sflag:s29], $0x1  }
0xb4: {  	[sflag:s29] =	ssyncadd.s32 $0xFFFFFFFF  }
0xb5: {  	_ =	strace $0x9000004B  }
0xb6: {  	_ =	sfence  }
0xb7: {  	s30 =	sld [smem:$0x0];
	_ =	sdelay $0x2  }
0xb8: {  	s31 =	sshll.u32 s1, $0xD;
	s1 =	sshrl.u32 s1, $0x2  }
0xb9: {  	s3 =	sand.u32 $0x4000, s31;
	s1 =	sadd.s32 s1, s30  }
0xba: {  	s0 =	sor.u32 s3, s0;
	s1 =	sshll.u32 s1, $0x11  }
0xbb: {  	s0 =	sor.u32 s1, s0  }
0xbc: {  	s0 =	sadd.s32 $0x8F2B, s0  }
0xbd: {  	[sflag:s0] =	ssyncadd.remote.s32 $0x1  }
0xbe: {  	_ =	sfence.sel $0xFFFF  }
0xbf: {  	[dreg:$0x0] =	wrdreg $0xFFFFFFFF;
	(pc) =	sbr.abs _section_cstart, $3  }
0xc0: {  	[dreg:$0x1] =	wrdreg $0xFFFFFFFF  }
0xc1: {  	_ =	task.clear_ibuf [dreg:s6], $0x2FFFF;
	_ =	strace $0x9FFFFFFF  }
0xc2: {  	(tm) =	ssettm $0x7FFFFFFF  }
0xc3: {  	_ =	shalt  }
tec
execute0_lowered:
.L_overlay_start_1:
0x0: {  	(tag) =	ssettag $0x1  }
0x1: {  	s0 =	srdreg.scid;
	s1 =	rddreg [dreg:$0x0]  }
0x2: {  	s7 =	stileid.u32;
	s2 =	rddreg [dreg:$0x1];
	s28 =	simm.s32 $0x2800  }
0x3: {  	s29 =	simm.s32 $0x3;
	s31 =	simm.s32 $0x7D;
	s6 =	smul.u32 $0x50000, s7  }
0x4: {  	s0 =	sand.u32 $0x1, s0;
	s3 =	sshll.u32 s7, $0x1;
	s14 =	smul.u32 $0x14000, s7  }
0x5: {  	s4 =	sor.u32 s0, s3;
	s26 =	ssub.s32 $0x2, s0;
	s0 =	smul.u32 $0x140000, s0  }
0x6: {  	s25 =	sadd.s32 $0x2400, s1;
	s3 =	simm.s32 $0x0;
	s4 =	smul.u32 $0x2800, s4  }
0x7: {  	[smem:$0x7FF] =	sst s3;
	s8 =	sshrl.u32 s26, $0x1;
	s6 =	sshrl.u32 s6, $0x2  }
0x8: {  	s15 =	sor.u32 $0x2800, s14;
	s17 =	sadd.s32 $0x5000, s14;
	s18 =	sadd.s32 $0x7800, s14  }
0x9: {  	s19 =	sadd.s32 $0xA000, s14;
	s20 =	sadd.s32 $0xC800, s14;
	s21 =	sadd.s32 $0xF000, s14  }
0xa: {  	s22 =	sadd.s32 $0x11800, s14;
	_ =	strace $0x8000004A;
	[dreg:$0x3] =	wrdreg s25  }
0xb: {  	s16 =	ssub.s32 s26, s8;
	s6 =	sadd.s32 s6, s2;
	s7 =	sadd.s32 s15, s2  }
0xc: {  	s8 =	sadd.s32 s17, s2;
	s9 =	sadd.s32 s18, s2;
	s10 =	sadd.s32 s19, s2  }
0xd: {  	s11 =	sadd.s32 s20, s2;
	s12 =	sadd.s32 s21, s2;
	s13 =	sadd.s32 s22, s2  }
0xe: {  	s14 =	sadd.s32 s14, s0;
	s15 =	sadd.s32 s0, s15;
	s17 =	sadd.s32 s0, s17  }
0xf: {  	s18 =	sadd.s32 s0, s18;
	s19 =	sadd.s32 s0, s19;
	s20 =	sadd.s32 s0, s20  }
0x10: {  	s21 =	sadd.s32 s0, s21;
	s0 =	sadd.s32 s0, s22;
	s5 =	sshrl.u32 s4, $0x3  }
0x11: {  	s4 =	sadd.s32 $0x2B000, s1;
	s14 =	sshrl.u32 s14, $0x3;
	s15 =	sshrl.u32 s15, $0x3  }
0x12: {  	s17 =	sshrl.u32 s17, $0x3;
	s22 =	sshrl.u32 s18, $0x3;
	s23 =	sshrl.u32 s19, $0x3  }
0x13: {  	s25 =	sshrl.u32 s20, $0x3;
	s26 =	sshrl.u32 s21, $0x3;
	s5 =	sadd.s32 s5, s1  }
0x14: {  	s0 =	sshrl.u32 s0, $0x3;
	s1 =	sadd.s32 $0x52200, s1;
	s30 =	sadd.s32 $0x17000, s5  }
0x15: {  	s18 =	simm.s32 $0x1380;
	s14 =	sadd.s32 s1, s14;
	[dreg:$0x4] =	wrdreg s30  }
0x16: {  	s19 =	simm.s32 $0x2700;
	s15 =	sadd.s32 s1, s15;
	[dreg:$0x5] =	wrdreg s14  }
0x17: {  	s20 =	simm.s32 $0x2780;
	s24 =	sadd.s32 s1, s23;
	[dreg:$0x6] =	wrdreg s15  }
0x18: {  	s21 =	simm.s32 $0x0;
	s0 =	sadd.s32 s1, s0;
	[dreg:$0x9] =	wrdreg s24  }
0x19: {  	s14 =	sadd.s32 s1, s17;
	[dreg:$0xc] =	wrdreg s0;
	s30 =	sadd.s32 $0x21000, s5  }
0x1a: {  	s24 =	sadd.s32 $0x17280, s5;
	s0 =	simm.s32 $0x6800;
	[dreg:$0x7] =	wrdreg s14  }
0x1b: {  	s15 =	simm.s32 $0x2600;
	s14 =	sadd.s32 s1, s22;
	[dreg:$0xd] =	wrdreg s30  }
0x1c: {  	s17 =	simm.s32 $0x2680;
	[dreg:$0x8] =	wrdreg s14;
	s14 =	sadd.s32 s1, s25  }
0x1d: {  	s25 =	sadd.s32 $0x21280, s5;
	s5 =	simm.s32 $0x1;
	[dreg:$0xa] =	wrdreg s14  }
0x1e: {  	s14 =	sadd.s32 s1, s26;
	s26 =	smax.u32 s16, $0x1;
	s1 =	simm.s32 $0x80  }
0x1f: {  	s16 =	simm.s32 $0x1300;
	[dreg:$0xb] =	wrdreg s14;
	s14 =	simm.s32 $0x2  }
.LBB2_1:
0x20: {  	s22 =	rddreg [dreg:$0x3]  }
0x21: {  	[tilespmem:s28], [sflag:$0x3] =	stream.linear.gather [hbm4b:s22+s3], $0x2800, $0x38;
	[tilespmem:$0x1E800] =	vst v63  }
0x22: {  	_ =	swait.ge [sflag:s29], $0x2800  }
0x23: {  	[sflag:s29] =	ssyncset.done $0x0  }
0x24: {  	[sflag:s29] =	ssyncadd.s32 $0xFFFFD800  }
0x25: {  	[spmem:s6] =	stream.linear.scatter [tilespmem:s28], [sflag:$0x3], $0x2800, $0x38;
	[tilespmem:$0x1E800] =	vst v63  }
0x26: {  	_ =	swait.ge [sflag:s29], $0x2800  }
0x27: {  	[sflag:s29] =	ssyncset.done $0x0  }
0x28: {  	[sflag:s29] =	ssyncadd.s32 $0xFFFFD800  }
0x29: {  	[spmem:s7] =	stream.linear.scatter [tilespmem:s28], [sflag:$0x3], $0x2800, $0x38;
	[tilespmem:$0x1E800] =	vst v63  }
0x2a: {  	_ =	swait.ge [sflag:s29], $0x2800  }
0x2b: {  	[sflag:s29] =	ssyncset.done $0x0  }
0x2c: {  	[sflag:s29] =	ssyncadd.s32 $0xFFFFD800  }
0x2d: {  	[spmem:s8] =	stream.linear.scatter [tilespmem:s28], [sflag:$0x3], $0x2800, $0x38;
	[tilespmem:$0x1E800] =	vst v63  }
0x2e: {  	_ =	swait.ge [sflag:s29], $0x2800  }
0x2f: {  	[sflag:s29] =	ssyncset.done $0x0  }
0x30: {  	[sflag:s29] =	ssyncadd.s32 $0xFFFFD800  }
0x31: {  	[spmem:s9] =	stream.linear.scatter [tilespmem:s28], [sflag:$0x3], $0x2800, $0x38;
	[tilespmem:$0x1E800] =	vst v63  }
0x32: {  	_ =	swait.ge [sflag:s29], $0x2800  }
0x33: {  	[sflag:s29] =	ssyncset.done $0x0  }
0x34: {  	[sflag:s29] =	ssyncadd.s32 $0xFFFFD800  }
0x35: {  	[spmem:s10] =	stream.linear.scatter [tilespmem:s28], [sflag:$0x3], $0x2800, $0x38;
	[tilespmem:$0x1E800] =	vst v63  }
0x36: {  	_ =	swait.ge [sflag:s29], $0x2800  }
0x37: {  	[sflag:s29] =	ssyncset.done $0x0  }
0x38: {  	[sflag:s29] =	ssyncadd.s32 $0xFFFFD800  }
0x39: {  	[spmem:s11] =	stream.linear.scatter [tilespmem:s28], [sflag:$0x3], $0x2800, $0x38;
	[tilespmem:$0x1E800] =	vst v63  }
0x3a: {  	_ =	swait.ge [sflag:s29], $0x2800  }
0x3b: {  	[sflag:s29] =	ssyncset.done $0x0  }
0x3c: {  	[sflag:s29] =	ssyncadd.s32 $0xFFFFD800  }
0x3d: {  	[spmem:s12] =	stream.linear.scatter [tilespmem:s28], [sflag:$0x3], $0x2800, $0x38;
	[tilespmem:$0x1E800] =	vst v63  }
0x3e: {  	_ =	swait.ge [sflag:s29], $0x2800  }
0x3f: {  	[sflag:s29] =	ssyncset.done $0x0  }
0x40: {  	[sflag:s29] =	ssyncadd.s32 $0xFFFFD800  }
0x41: {  	[spmem:s13] =	stream.linear.scatter [tilespmem:s28], [sflag:$0x3], $0x2800, $0x38;
	[tilespmem:$0x1E800] =	vst v63  }
0x42: {  	_ =	swait.ge [sflag:s29], $0x2800  }
0x43: {  	[sflag:s29] =	ssyncset.done $0x0  }
0x44: {  	[sflag:s29] =	ssyncadd.s32 $0xFFFFD800  }
0x45: {  	[bflag:$0x0] =	sbarrier.arrive $0xFFFF  }
0x46: {  	s23 =	rddreg [dreg:$0x4]  }
0x47: {  	[tilespmem:s3], [sflag:$0x3] =	stream.linear.gather [hbm4b:s23+s3], $0x1400, $0x38;
	[tilespmem:$0x1E800] =	vst v63  }
0x48: {  	_ =	swait.ge [sflag:s29], $0x1400  }
0x49: {  	[sflag:s29] =	ssyncset.done $0x0  }
0x4a: {  	s23 =	simm.s32 $0x1400;
	s30 =	rddreg [dreg:$0xd];
	[sflag:s29] =	ssyncadd.s32 $0xFFFFEC00  }
0x4b: {  	[tilespmem:s23], [sflag:$0x3] =	stream.linear.gather [hbm4b:s30+s3], $0x1400, $0x38;
	[tilespmem:$0x1E800] =	vst v63  }
0x4c: {  	_ =	swait.ge [sflag:s29], $0x1400  }
0x4d: {  	[sflag:s29] =	ssyncset.done $0x0  }
0x4e: {  	[sflag:s29] =	ssyncadd.s32 $0xFFFFEC00  }
0x4f: {  	[tilespmem:s28], [sflag:$0x1] =	stream.indirect.gather [hbm4b:s4+s31], $0x80, s3, s31, $0xb8;
	[tilespmem:$0x1E800] =	vst v63  }
0x50: {  	_ = 	snop  }
0x51: {  	[tilespmem:s0], [sflag:$0x2] =	stream.indirect.gather [hbm4b:s4+s31], $0x80, s1, s31, $0xb8;
	[tilespmem:$0x1E800] =	vst v63  }
0x52: {  	_ =	swait.ge [sflag:s5], $0x3E80  }
0x53: {  	[sflag:s5] =	ssyncset.done $0x0  }
0x54: {  	s30 =	simm.s32 $0x1400;
	[sflag:s5] =	ssyncadd.s32 $0xFFFFC180  }
0x55: {  	[spmem:s2] =	stream.indirect.scatter.add.f32 [tilespmem:s28], [sflag:$0x3], $0x80, s30, s31, $0xb8;
	[tilespmem:$0x1E800] =	vst v63  }
0x56: {  	_ =	swait.ge [sflag:s29], $0x3E80  }
0x57: {  	[sflag:s29] =	ssyncset.done $0x0  }
0x58: {  	s23 =	simm.s32 $0x100;
	[sflag:s29] =	ssyncadd.s32 $0xFFFFC180  }
0x59: {  	[tilespmem:s28], [sflag:$0x1] =	stream.indirect.gather [hbm4b:s4+s31], $0x80, s23, s31, $0xb8;
	[tilespmem:$0x1E800] =	vst v63  }
0x5a: {  	_ =	swait.ge [sflag:s14], $0x3E80  }
0x5b: {  	[sflag:s14] =	ssyncset.done $0x0  }
0x5c: {  	s30 =	simm.s32 $0x1480;
	[sflag:s14] =	ssyncadd.s32 $0xFFFFC180  }
0x5d: {  	[spmem:s2] =	stream.indirect.scatter.add.f32 [tilespmem:s0], [sflag:$0x3], $0x80, s30, s31, $0xb8;
	[tilespmem:$0x1E800] =	vst v63  }
0x5e: {  	_ =	swait.ge [sflag:s29], $0x3E80  }
0x5f: {  	[sflag:s29] =	ssyncset.done $0x0  }
0x60: {  	s22 =	simm.s32 $0x400;
	s23 =	simm.s32 $0x180;
	[sflag:s29] =	ssyncadd.s32 $0xFFFFC180  }
.LBB2_2:
0x61: {  	[tilespmem:s0], [sflag:$0x2] =	stream.indirect.gather [hbm4b:s4+s31], $0x80, s23, s31, $0xb8;
	[tilespmem:$0x1E800] =	vst v63  }
0x62: {  	s23 =	smov.u32 s22  }
0x63: {  	p0 =	sne.s32 s22, $0x4400;
	s22 =	sadd.s32 $0x400, s22;
	_ =	swait.ge [sflag:s5], $0x3E80  }
0x64: {  	s23 =	sshra.s32 s23, $0x2;
	[sflag:s5] =	ssyncset.done $0x0  }
0x65: {  	s30 =	sadd.s32 $0x1400, s23;
	[sflag:s5] =	ssyncadd.s32 $0xFFFFC180  }
0x66: {  	[spmem:s2] =	stream.indirect.scatter.add.f32 [tilespmem:s28], [sflag:$0x3], $0x80, s30, s31, $0xb8;
	[tilespmem:$0x1E800] =	vst v63  }
0x67: {  	_ =	swait.ge [sflag:s29], $0x3E80  }
0x68: {  	[sflag:s29] =	ssyncset.done $0x0  }
0x69: {  	s30 =	sadd.s32 $0x100, s23;
	[sflag:s29] =	ssyncadd.s32 $0xFFFFC180  }
0x6a: {  	[tilespmem:s28], [sflag:$0x1] =	stream.indirect.gather [hbm4b:s4+s31], $0x80, s30, s31, $0xb8;
	[tilespmem:$0x1E800] =	vst v63  }
0x6b: {  	_ =	swait.ge [sflag:s14], $0x3E80  }
0x6c: {  	[sflag:s14] =	ssyncset.done $0x0  }
.Ltmp0:
0x6d: {  	s30 =	sadd.s32 $0x1480, s23;
	[sflag:s14] =	ssyncadd.s32 $0xFFFFC180;
	(pc) =	sbr.rel @p0 .LBB2_2-.Ltmp0, $4  }
0x6e: {  	[spmem:s2] =	stream.indirect.scatter.add.f32 [tilespmem:s0], [sflag:$0x3], $0x80, s30, s31, $0xb8;
	[tilespmem:$0x1E800] =	vst v63  }
0x6f: {  	_ =	swait.ge [sflag:s29], $0x3E80  }
0x70: {  	[sflag:s29] =	ssyncset.done $0x0  }
0x71: {  	s23 =	sadd.s32 $0x180, s23;
	[sflag:s29] =	ssyncadd.s32 $0xFFFFC180  }
0x72: {  	[tilespmem:s0], [sflag:$0x2] =	stream.indirect.gather [hbm4b:s4+s31], $0x80, s23, s31, $0xb8;
	[tilespmem:$0x1E800] =	vst v63  }
0x73: {  	_ =	swait.ge [sflag:s5], $0x3E80  }
0x74: {  	[sflag:s5] =	ssyncset.done $0x0  }
0x75: {  	[sflag:s5] =	ssyncadd.s32 $0xFFFFC180  }
0x76: {  	[spmem:s2] =	stream.indirect.scatter.add.f32 [tilespmem:s28], [sflag:$0x3], $0x80, s15, s31, $0xb8;
	[tilespmem:$0x1E800] =	vst v63  }
0x77: {  	_ =	swait.ge [sflag:s29], $0x3E80  }
0x78: {  	[sflag:s29] =	ssyncset.done $0x0  }
0x79: {  	[sflag:s29] =	ssyncadd.s32 $0xFFFFC180  }
0x7a: {  	[tilespmem:s28], [sflag:$0x1] =	stream.indirect.gather [hbm4b:s4+s31], $0x80, s16, s31, $0xb8;
	[tilespmem:$0x1E800] =	vst v63  }
0x7b: {  	_ =	swait.ge [sflag:s14], $0x3E80  }
0x7c: {  	[sflag:s14] =	ssyncset.done $0x0  }
0x7d: {  	[sflag:s14] =	ssyncadd.s32 $0xFFFFC180  }
0x7e: {  	[spmem:s2] =	stream.indirect.scatter.add.f32 [tilespmem:s0], [sflag:$0x3], $0x80, s17, s31, $0xb8;
	[tilespmem:$0x1E800] =	vst v63  }
0x7f: {  	_ =	swait.ge [sflag:s29], $0x3E80  }
0x80: {  	[sflag:s29] =	ssyncset.done $0x0  }
0x81: {  	[sflag:s29] =	ssyncadd.s32 $0xFFFFC180  }
0x82: {  	[tilespmem:s0], [sflag:$0x2] =	stream.indirect.gather [hbm4b:s4+s31], $0x80, s18, s31, $0xb8;
	[tilespmem:$0x1E800] =	vst v63  }
0x83: {  	_ =	swait.ge [sflag:s5], $0x3E80  }
0x84: {  	[sflag:s5] =	ssyncset.done $0x0  }
0x85: {  	[sflag:s5] =	ssyncadd.s32 $0xFFFFC180  }
0x86: {  	[spmem:s2] =	stream.indirect.scatter.add.f32 [tilespmem:s28], [sflag:$0x3], $0x80, s19, s31, $0xb8;
	[tilespmem:$0x1E800] =	vst v63  }
0x87: {  	_ =	swait.ge [sflag:s29], $0x3E80  }
0x88: {  	[sflag:s29] =	ssyncset.done $0x0  }
0x89: {  	[sflag:s29] =	ssyncadd.s32 $0xFFFFC180  }
0x8a: {  	[tilespmem:s28], [sflag:$0x1] =	stream.indirect.gather [hbm4b:s4+s31], $0x80, s18, s31, $0xb8;
	[tilespmem:$0x1E800] =	vst v63  }
0x8b: {  	_ =	swait.ge [sflag:s14], $0x3E80  }
0x8c: {  	[sflag:s14] =	ssyncset.done $0x0  }
0x8d: {  	[sflag:s14] =	ssyncadd.s32 $0xFFFFC180  }
0x8e: {  	[spmem:s2] =	stream.indirect.scatter.add.f32 [tilespmem:s0], [sflag:$0x3], $0x80, s20, s31, $0xb8;
	[tilespmem:$0x1E800] =	vst v63  }
0x8f: {  	_ =	swait.ge [sflag:s29], $0x3E80  }
0x90: {  	[sflag:s29] =	ssyncset.done $0x0  }
0x91: {  	[sflag:s29] =	ssyncadd.s32 $0xFFFFC180  }
0x92: {  	[tilespmem:s0], [sflag:$0x2] =	stream.indirect.gather [hbm4b:s4+s31], $0x80, s18, s31, $0xb8;
	[tilespmem:$0x1E800] =	vst v63  }
0x93: {  	_ =	swait.ge [sflag:s5], $0x3E80  }
0x94: {  	[sflag:s5] =	ssyncset.done $0x0  }
0x95: {  	[sflag:s5] =	ssyncadd.s32 $0xFFFFC180  }
0x96: {  	_ =	swait.ge [sflag:s14], $0x3E80  }
0x97: {  	[sflag:s14] =	ssyncset.done $0x0  }
0x98: {  	s22 =	simm.s32 $0x0;
	[sflag:s14] =	ssyncadd.s32 $0xFFFFC180  }
0x99: {  	[tilespmem:s22], [sflag:$0x3] =	stream.linear.gather [hbm4b:s24+s22], $0x1400, $0x38;
	[tilespmem:$0x1E800] =	vst v63  }
0x9a: {  	_ =	swait.ge [sflag:s29], $0x1400  }
0x9b: {  	[sflag:s29] =	ssyncset.done $0x0  }
0x9c: {  	s30 =	simm.s32 $0x1400;
	[sflag:s29] =	ssyncadd.s32 $0xFFFFEC00  }
0x9d: {  	[tilespmem:s30], [sflag:$0x3] =	stream.linear.gather [hbm4b:s25+s22], $0x1400, $0x38;
	[tilespmem:$0x1E800] =	vst v63  }
0x9e: {  	_ =	swait.ge [sflag:s29], $0x1400  }
0x9f: {  	[sflag:s29] =	ssyncset.done $0x0  }
0xa0: {  	[sflag:s29] =	ssyncadd.s32 $0xFFFFEC00  }
0xa1: {  	[tilespmem:s28], [sflag:$0x1] =	stream.indirect.gather [hbm4b:s4+s31], $0x80, s22, s31, $0xb8;
	[tilespmem:$0x1E800] =	vst v63  }
0xa2: {  	_ = 	snop  }
0xa3: {  	[tilespmem:s0], [sflag:$0x2] =	stream.indirect.gather [hbm4b:s4+s31], $0x80, s1, s31, $0xb8;
	[tilespmem:$0x1E800] =	vst v63  }
0xa4: {  	_ =	swait.ge [sflag:s5], $0x3E80  }
0xa5: {  	[sflag:s5] =	ssyncset.done $0x0  }
0xa6: {  	s30 =	simm.s32 $0x1400;
	[sflag:s5] =	ssyncadd.s32 $0xFFFFC180  }
0xa7: {  	[spmem:s2] =	stream.indirect.scatter.add.f32 [tilespmem:s28], [sflag:$0x3], $0x80, s30, s31, $0xb8;
	[tilespmem:$0x1E800] =	vst v63  }
0xa8: {  	_ =	swait.ge [sflag:s29], $0x3E80  }
0xa9: {  	[sflag:s29] =	ssyncset.done $0x0  }
0xaa: {  	s23 =	simm.s32 $0x100;
	[sflag:s29] =	ssyncadd.s32 $0xFFFFC180  }
0xab: {  	[tilespmem:s28], [sflag:$0x1] =	stream.indirect.gather [hbm4b:s4+s31], $0x80, s23, s31, $0xb8;
	[tilespmem:$0x1E800] =	vst v63  }
0xac: {  	_ =	swait.ge [sflag:s14], $0x3E80  }
0xad: {  	[sflag:s14] =	ssyncset.done $0x0  }
0xae: {  	s30 =	simm.s32 $0x1480;
	[sflag:s14] =	ssyncadd.s32 $0xFFFFC180  }
0xaf: {  	[spmem:s2] =	stream.indirect.scatter.add.f32 [tilespmem:s0], [sflag:$0x3], $0x80, s30, s31, $0xb8;
	[tilespmem:$0x1E800] =	vst v63  }
0xb0: {  	_ =	swait.ge [sflag:s29], $0x3E80  }
0xb1: {  	[sflag:s29] =	ssyncset.done $0x0  }
0xb2: {  	s22 =	simm.s32 $0x400;
	s23 =	simm.s32 $0x180;
	[sflag:s29] =	ssyncadd.s32 $0xFFFFC180  }
.LBB2_4:
0xb3: {  	[tilespmem:s0], [sflag:$0x2] =	stream.indirect.gather [hbm4b:s4+s31], $0x80, s23, s31, $0xb8;
	[tilespmem:$0x1E800] =	vst v63  }
0xb4: {  	s23 =	smov.u32 s22  }
0xb5: {  	p0 =	sne.s32 s22, $0x4400;
	s22 =	sadd.s32 $0x400, s22;
	_ =	swait.ge [sflag:s5], $0x3E80  }
0xb6: {  	s23 =	sshra.s32 s23, $0x2;
	[sflag:s5] =	ssyncset.done $0x0  }
0xb7: {  	s30 =	sadd.s32 $0x1400, s23;
	[sflag:s5] =	ssyncadd.s32 $0xFFFFC180  }
0xb8: {  	[spmem:s2] =	stream.indirect.scatter.add.f32 [tilespmem:s28], [sflag:$0x3], $0x80, s30, s31, $0xb8;
	[tilespmem:$0x1E800] =	vst v63  }
0xb9: {  	_ =	swait.ge [sflag:s29], $0x3E80  }
0xba: {  	[sflag:s29] =	ssyncset.done $0x0  }
0xbb: {  	s30 =	sadd.s32 $0x100, s23;
	[sflag:s29] =	ssyncadd.s32 $0xFFFFC180  }
0xbc: {  	[tilespmem:s28], [sflag:$0x1] =	stream.indirect.gather [hbm4b:s4+s31], $0x80, s30, s31, $0xb8;
	[tilespmem:$0x1E800] =	vst v63  }
0xbd: {  	_ =	swait.ge [sflag:s14], $0x3E80  }
0xbe: {  	[sflag:s14] =	ssyncset.done $0x0  }
.Ltmp1:
0xbf: {  	s30 =	sadd.s32 $0x1480, s23;
	[sflag:s14] =	ssyncadd.s32 $0xFFFFC180;
	(pc) =	sbr.rel @p0 .LBB2_4-.Ltmp1, $4  }
0xc0: {  	[spmem:s2] =	stream.indirect.scatter.add.f32 [tilespmem:s0], [sflag:$0x3], $0x80, s30, s31, $0xb8;
	[tilespmem:$0x1E800] =	vst v63  }
0xc1: {  	_ =	swait.ge [sflag:s29], $0x3E80  }
0xc2: {  	[sflag:s29] =	ssyncset.done $0x0  }
0xc3: {  	s23 =	sadd.s32 $0x180, s23;
	[sflag:s29] =	ssyncadd.s32 $0xFFFFC180  }
0xc4: {  	[tilespmem:s0], [sflag:$0x2] =	stream.indirect.gather [hbm4b:s4+s31], $0x80, s23, s31, $0xb8;
	[tilespmem:$0x1E800] =	vst v63  }
0xc5: {  	_ =	swait.ge [sflag:s5], $0x3E80  }
0xc6: {  	[sflag:s5] =	ssyncset.done $0x0  }
0xc7: {  	[sflag:s5] =	ssyncadd.s32 $0xFFFFC180  }
0xc8: {  	[spmem:s2] =	stream.indirect.scatter.add.f32 [tilespmem:s28], [sflag:$0x3], $0x80, s15, s31, $0xb8;
	[tilespmem:$0x1E800] =	vst v63  }
0xc9: {  	_ =	swait.ge [sflag:s29], $0x3E80  }
0xca: {  	[sflag:s29] =	ssyncset.done $0x0  }
0xcb: {  	[sflag:s29] =	ssyncadd.s32 $0xFFFFC180  }
0xcc: {  	[tilespmem:s28], [sflag:$0x1] =	stream.indirect.gather [hbm4b:s4+s31], $0x80, s16, s31, $0xb8;
	[tilespmem:$0x1E800] =	vst v63  }
0xcd: {  	_ =	swait.ge [sflag:s14], $0x3E80  }
0xce: {  	[sflag:s14] =	ssyncset.done $0x0  }
0xcf: {  	[sflag:s14] =	ssyncadd.s32 $0xFFFFC180  }
0xd0: {  	[spmem:s2] =	stream.indirect.scatter.add.f32 [tilespmem:s0], [sflag:$0x3], $0x80, s17, s31, $0xb8;
	[tilespmem:$0x1E800] =	vst v63  }
0xd1: {  	_ =	swait.ge [sflag:s29], $0x3E80  }
0xd2: {  	[sflag:s29] =	ssyncset.done $0x0  }
0xd3: {  	[sflag:s29] =	ssyncadd.s32 $0xFFFFC180  }
0xd4: {  	[tilespmem:s0], [sflag:$0x2] =	stream.indirect.gather [hbm4b:s4+s31], $0x80, s18, s31, $0xb8;
	[tilespmem:$0x1E800] =	vst v63  }
0xd5: {  	_ =	swait.ge [sflag:s5], $0x3E80  }
0xd6: {  	[sflag:s5] =	ssyncset.done $0x0  }
0xd7: {  	[sflag:s5] =	ssyncadd.s32 $0xFFFFC180  }
0xd8: {  	[spmem:s2] =	stream.indirect.scatter.add.f32 [tilespmem:s28], [sflag:$0x3], $0x80, s19, s31, $0xb8;
	[tilespmem:$0x1E800] =	vst v63  }
0xd9: {  	_ =	swait.ge [sflag:s29], $0x3E80  }
0xda: {  	[sflag:s29] =	ssyncset.done $0x0  }
0xdb: {  	[sflag:s29] =	ssyncadd.s32 $0xFFFFC180  }
0xdc: {  	[tilespmem:s28], [sflag:$0x1] =	stream.indirect.gather [hbm4b:s4+s31], $0x80, s18, s31, $0xb8;
	[tilespmem:$0x1E800] =	vst v63  }
0xdd: {  	_ =	swait.ge [sflag:s14], $0x3E80  }
0xde: {  	[sflag:s14] =	ssyncset.done $0x0  }
0xdf: {  	[sflag:s14] =	ssyncadd.s32 $0xFFFFC180  }
0xe0: {  	[spmem:s2] =	stream.indirect.scatter.add.f32 [tilespmem:s0], [sflag:$0x3], $0x80, s20, s31, $0xb8;
	[tilespmem:$0x1E800] =	vst v63  }
0xe1: {  	_ =	swait.ge [sflag:s29], $0x3E80  }
0xe2: {  	[sflag:s29] =	ssyncset.done $0x0  }
0xe3: {  	[sflag:s29] =	ssyncadd.s32 $0xFFFFC180  }
0xe4: {  	[tilespmem:s0], [sflag:$0x2] =	stream.indirect.gather [hbm4b:s4+s31], $0x80, s18, s31, $0xb8;
	[tilespmem:$0x1E800] =	vst v63  }
0xe5: {  	_ =	swait.ge [sflag:s5], $0x3E80  }
0xe6: {  	[sflag:s5] =	ssyncset.done $0x0  }
0xe7: {  	[sflag:s5] =	ssyncadd.s32 $0xFFFFC180  }
0xe8: {  	_ =	swait.ge [sflag:s14], $0x3E80  }
0xe9: {  	[sflag:s14] =	ssyncset.done $0x0  }
0xea: {  	[sflag:s14] =	ssyncadd.s32 $0xFFFFC180  }
0xeb: {  	[bflag:$0x0] =	sbarrier.arrive $0xFFFF  }
0xec: {  	[tilespmem:s28], [sflag:$0x3] =	stream.linear.gather [spmem:s6], $0x2800, $0x38;
	[tilespmem:$0x1E800] =	vst v63  }
0xed: {  	_ =	swait.ge [sflag:s29], $0x2800  }
0xee: {  	[sflag:s29] =	ssyncset.done $0x0  }
0xef: {  	s22 =	rddreg [dreg:$0x5];
	[sflag:s29] =	ssyncadd.s32 $0xFFFFD800  }
0xf0: {  	[hbm4b:s22+s3] =	stream.linear.scatter [tilespmem:s28], [sflag:$0x3], $0x2800, $0x38;
	[tilespmem:$0x1E800] =	vst v63  }
0xf1: {  	_ =	swait.ge [sflag:s29], $0x2800  }
0xf2: {  	[sflag:s29] =	ssyncset.done $0x0  }
0xf3: {  	[sflag:s29] =	ssyncadd.s32 $0xFFFFD800  }
0xf4: {  	[tilespmem:s28], [sflag:$0x3] =	stream.linear.gather [spmem:s7], $0x2800, $0x38;
	[tilespmem:$0x1E800] =	vst v63  }
0xf5: {  	_ =	swait.ge [sflag:s29], $0x2800  }
0xf6: {  	[sflag:s29] =	ssyncset.done $0x0  }
0xf7: {  	s30 =	rddreg [dreg:$0x6];
	[sflag:s29] =	ssyncadd.s32 $0xFFFFD800  }
0xf8: {  	[hbm4b:s30+s3] =	stream.linear.scatter [tilespmem:s28], [sflag:$0x3], $0x2800, $0x38;
	[tilespmem:$0x1E800] =	vst v63  }
0xf9: {  	_ =	swait.ge [sflag:s29], $0x2800  }
0xfa: {  	[sflag:s29] =	ssyncset.done $0x0  }
0xfb: {  	[sflag:s29] =	ssyncadd.s32 $0xFFFFD800  }
0xfc: {  	[tilespmem:s28], [sflag:$0x3] =	stream.linear.gather [spmem:s8], $0x2800, $0x38;
	[tilespmem:$0x1E800] =	vst v63  }
0xfd: {  	_ =	swait.ge [sflag:s29], $0x2800  }
0xfe: {  	[sflag:s29] =	ssyncset.done $0x0  }
0xff: {  	s23 =	rddreg [dreg:$0x7];
	[sflag:s29] =	ssyncadd.s32 $0xFFFFD800  }
0x100: {  	[hbm4b:s23+s3] =	stream.linear.scatter [tilespmem:s28], [sflag:$0x3], $0x2800, $0x38;
	[tilespmem:$0x1E800] =	vst v63  }
0x101: {  	_ =	swait.ge [sflag:s29], $0x2800  }
0x102: {  	[sflag:s29] =	ssyncset.done $0x0  }
0x103: {  	[sflag:s29] =	ssyncadd.s32 $0xFFFFD800  }
0x104: {  	[tilespmem:s28], [sflag:$0x3] =	stream.linear.gather [spmem:s9], $0x2800, $0x38;
	[tilespmem:$0x1E800] =	vst v63  }
0x105: {  	_ =	swait.ge [sflag:s29], $0x2800  }
0x106: {  	[sflag:s29] =	ssyncset.done $0x0  }
0x107: {  	s30 =	rddreg [dreg:$0x8];
	[sflag:s29] =	ssyncadd.s32 $0xFFFFD800  }
0x108: {  	[hbm4b:s30+s3] =	stream.linear.scatter [tilespmem:s28], [sflag:$0x3], $0x2800, $0x38;
	[tilespmem:$0x1E800] =	vst v63  }
0x109: {  	_ =	swait.ge [sflag:s29], $0x2800  }
0x10a: {  	[sflag:s29] =	ssyncset.done $0x0  }
0x10b: {  	[sflag:s29] =	ssyncadd.s32 $0xFFFFD800  }
0x10c: {  	[tilespmem:s28], [sflag:$0x3] =	stream.linear.gather [spmem:s10], $0x2800, $0x38;
	[tilespmem:$0x1E800] =	vst v63  }
0x10d: {  	_ =	swait.ge [sflag:s29], $0x2800  }
0x10e: {  	[sflag:s29] =	ssyncset.done $0x0  }
0x10f: {  	s23 =	rddreg [dreg:$0x9];
	[sflag:s29] =	ssyncadd.s32 $0xFFFFD800  }
0x110: {  	[hbm4b:s23+s3] =	stream.linear.scatter [tilespmem:s28], [sflag:$0x3], $0x2800, $0x38;
	[tilespmem:$0x1E800] =	vst v63  }
0x111: {  	_ =	swait.ge [sflag:s29], $0x2800  }
0x112: {  	[sflag:s29] =	ssyncset.done $0x0  }
0x113: {  	[sflag:s29] =	ssyncadd.s32 $0xFFFFD800  }
0x114: {  	[tilespmem:s28], [sflag:$0x3] =	stream.linear.gather [spmem:s11], $0x2800, $0x38;
	[tilespmem:$0x1E800] =	vst v63  }
0x115: {  	_ =	swait.ge [sflag:s29], $0x2800  }
0x116: {  	[sflag:s29] =	ssyncset.done $0x0  }
0x117: {  	s30 =	rddreg [dreg:$0xa];
	[sflag:s29] =	ssyncadd.s32 $0xFFFFD800  }
0x118: {  	[hbm4b:s30+s3] =	stream.linear.scatter [tilespmem:s28], [sflag:$0x3], $0x2800, $0x38;
	[tilespmem:$0x1E800] =	vst v63  }
0x119: {  	_ =	swait.ge [sflag:s29], $0x2800  }
0x11a: {  	[sflag:s29] =	ssyncset.done $0x0  }
0x11b: {  	[sflag:s29] =	ssyncadd.s32 $0xFFFFD800  }
0x11c: {  	[tilespmem:s28], [sflag:$0x3] =	stream.linear.gather [spmem:s12], $0x2800, $0x38;
	[tilespmem:$0x1E800] =	vst v63  }
0x11d: {  	_ =	swait.ge [sflag:s29], $0x2800  }
0x11e: {  	[sflag:s29] =	ssyncset.done $0x0  }
0x11f: {  	s23 =	rddreg [dreg:$0xb];
	[sflag:s29] =	ssyncadd.s32 $0xFFFFD800  }
0x120: {  	[hbm4b:s23+s3] =	stream.linear.scatter [tilespmem:s28], [sflag:$0x3], $0x2800, $0x38;
	[tilespmem:$0x1E800] =	vst v63  }
0x121: {  	_ =	swait.ge [sflag:s29], $0x2800  }
0x122: {  	[sflag:s29] =	ssyncset.done $0x0  }
0x123: {  	[sflag:s29] =	ssyncadd.s32 $0xFFFFD800  }
0x124: {  	[tilespmem:s28], [sflag:$0x3] =	stream.linear.gather [spmem:s13], $0x2800, $0x38;
	[tilespmem:$0x1E800] =	vst v63  }
0x125: {  	s21 =	sadd.s32 $0x1, s21;
	_ =	swait.ge [sflag:s29], $0x2800  }
0x126: {  	p0 =	sne.s32 s21, s26;
	[sflag:s29] =	ssyncset.done $0x0  }
.Ltmp2:
0x127: {  	s30 =	rddreg [dreg:$0xc];
	[sflag:s29] =	ssyncadd.s32 $0xFFFFD800;
	(pc) =	sbr.rel @p0 .LBB2_1-.Ltmp2, $4  }
0x128: {  	[hbm4b:s30+s3] =	stream.linear.scatter [tilespmem:s28], [sflag:$0x3], $0x2800, $0x38;
	[tilespmem:$0x1E800] =	vst v63  }
0x129: {  	_ =	swait.ge [sflag:s29], $0x2800  }
0x12a: {  	[sflag:s29] =	ssyncset.done $0x0  }
0x12b: {  	[sflag:s29] =	ssyncadd.s32 $0xFFFFD800  }
0x12c: {  	_ =	sfence.sel $0x180000  }
0x12d: {  	[bflag:$0x0] =	sbarrier.arrive $0xFFFF  }
0x12e: {  	_ =	strace $0x9000004A  }
0x12f: {  	s0 =	stileid.u32;
	[bflag:$0x2] =	sbarrier.arrive $0xFFFF  }
0x130: {  	p0 =	sne.s32 s0, $0x0;
	s0 =	rddreg [dreg:$0x2]  }
0x131: {  	s0 =	sadd.s32 @!p0 $0x100000, s0  }
0x132: {  	[sflag:s0] =	ssyncadd.tile.s32 @!p0 $0x1;
	_ =	shalt  }
.Lfunc_end2:
_tile_overlayer_lowered:
.L_overlay_start_2:
0x133: {  	(tag) =	ssettag $0x2  }
0x134: {  	s0 =	rddreg [dreg:$0x0];
	s2 =	stileid.u32  }
0x135: {  	s1 =	rddreg [dreg:$0x1];
	p0 =	sne.s32 s2, $0x0  }
0x136: {  	s3 =	rddreg [dreg:$0x2];
	[bflag:$0x3] =	sbarrier.arrive $0xFFFF;
	s2 =	simm.s32 @!p0 $0x1C03  }
0x137: {  	[timem:s3], [sflag:s2] =	dma.local @!p0 [hbm:s0], s1  }
0x138: {  	s0 =	simm.s32 @!p0 $0x3  }
0x139: {  	_ =	swait.ge @!p0 [sflag:s0], s1  }
0x13a: {  	s1 =	ssub.s32 @!p0 $0x0, s1;
	[sflag:s0] =	ssyncset.done @!p0 $0x0  }
0x13b: {  	[sflag:s0] =	ssyncadd.s32 @!p0 s1  }
0x13c: {  	[bflag:$0x3] =	sbarrier.arrive $0xFFFF  }
0x13d: {  	_ =	shalt  }

</sc_bundles>
